<compile_context>
chip_gen: v7x
topology: tpu7x:2x2x1
jax: 0.10.2.dev20260603
libtpu: 0.0.44.dev20260713+nightly
codegen_flags: <defaults>
</compile_context>

<pallas_src>
import functools

import jax
import jax.numpy as jnp
from jax import lax
from jax.experimental import pallas as pl
from jax.experimental.pallas import tpu as pltpu, tpu_sc as plsc

N = 10000
E = 320000
D = 128
NC = 2
NS = 16
NW = NC * NS
EW = E // NW
K = 125
NCHUNK = EW // K
NP = 10240
RPT = NP // NS

_mesh = plsc.VectorSubcoreMesh(core_axis_name="c", subcore_axis_name="s")


@functools.partial(
    pl.kernel,
    out_type=jax.ShapeDtypeStruct((NC, NP), jnp.float32),
    mesh=_mesh,
    scratch_types=[
        pltpu.VMEM_SHARED((NP,), jnp.float32),
        pltpu.VMEM((NCHUNK, K), jnp.int32),
        pltpu.VMEM((NP // NS,), jnp.float32),
        pltpu.VMEM((128,), jnp.float32),
    ],
)
def _sc_degree(dst_hbm, out_hbm, dacc, dst_v, zb, ones_v):
    c = lax.axis_index("c")
    s = lax.axis_index("s")
    w = c * NS + s

    def zstep(i, carry):
        zb[pl.ds(i * 16, 16)] = jnp.zeros((16,), jnp.float32)
        return carry

    lax.fori_loop(0, (NP // NS) // 16, zstep, 0)
    for i in range(8):
        ones_v[pl.ds(i * 16, 16)] = jnp.ones((16,), jnp.float32)
    pltpu.sync_copy(zb, dacc.at[pl.ds(s * (NP // NS), NP // NS)])
    plsc.subcore_barrier()

    pltpu.sync_copy(dst_hbm.at[pl.ds(w * NCHUNK, NCHUNK)], dst_v)

    def step(j, carry):
        pltpu.sync_copy(ones_v.at[pl.ds(0, K)], dacc.at[dst_v.at[j]], add=True)
        return carry

    lax.fori_loop(0, NCHUNK, step, 0)
    plsc.subcore_barrier()

    pltpu.sync_copy(dacc.at[pl.ds(s * (NP // NS), NP // NS)], zb)
    pltpu.sync_copy(zb, out_hbm.at[c, pl.ds(s * (NP // NS), NP // NS)])


@functools.partial(
    pl.kernel,
    out_type=jax.ShapeDtypeStruct((NC, NP, D), jnp.float32),
    mesh=_mesh,
    scratch_types=[
        pltpu.VMEM_SHARED((NP, D), jnp.float32),
        pltpu.VMEM((NCHUNK, K), jnp.int32),
        pltpu.VMEM((NCHUNK, K), jnp.int32),
        pltpu.VMEM((K, D), jnp.float32),
        pltpu.VMEM((64, D), jnp.float32),
    ],
)
def _sc_edge_agg(h_hbm, src_hbm, dst_hbm, out_hbm, acc, src_v, dst_v, buf, zbuf):
    c = lax.axis_index("c")
    s = lax.axis_index("s")
    w = c * NS + s

    def zrow(i, carry):
        for k2 in range(D // 16):
            zbuf[i, pl.ds(k2 * 16, 16)] = jnp.zeros((16,), jnp.float32)
        return carry

    lax.fori_loop(0, 64, zrow, 0)
    for k in range(RPT // 64):
        pltpu.sync_copy(zbuf, acc.at[pl.ds(s * RPT + k * 64, 64)])
    plsc.subcore_barrier()

    pltpu.sync_copy(src_hbm.at[pl.ds(w * NCHUNK, NCHUNK)], src_v)
    pltpu.sync_copy(dst_hbm.at[pl.ds(w * NCHUNK, NCHUNK)], dst_v)

    def step(j, carry):
        pltpu.sync_copy(h_hbm.at[src_v.at[j]], buf)
        pltpu.sync_copy(buf, acc.at[dst_v.at[j]], add=True)
        return carry

    lax.fori_loop(0, NCHUNK, step, 0)
    plsc.subcore_barrier()

    for k in range(RPT // 64):
        rows = s * RPT + k * 64
        pltpu.sync_copy(acc.at[pl.ds(rows, 64)], zbuf)
        pltpu.sync_copy(zbuf, out_hbm.at[c, pl.ds(rows, 64)])


_BLK = 1000
_GRID = N // _BLK


def _tc_first_body(d_ref, x_ref, w_ref, h_ref, r_ref):
    deg = d_ref[:, 0] + d_ref[:, 1]
    r = lax.rsqrt(jnp.maximum(deg, 1.0))
    h = jnp.dot(x_ref[...], w_ref[...], preferred_element_type=jnp.float32)
    h_ref[...] = h * r[:, None]
    r_ref[...] = r[:, None]


def _tc_first(degp, x, W1):
    return pl.pallas_call(
        _tc_first_body,
        grid=(_GRID,),
        in_specs=[
            pl.BlockSpec((_BLK, NC), lambda i: (i, 0)),
            pl.BlockSpec((_BLK, D), lambda i: (i, 0)),
            pl.BlockSpec((D, D), lambda i: (0, 0)),
        ],
        out_specs=[
            pl.BlockSpec((_BLK, D), lambda i: (i, 0)),
            pl.BlockSpec((_BLK, 1), lambda i: (i, 0)),
        ],
        out_shape=[
            jax.ShapeDtypeStruct((N, D), jnp.float32),
            jax.ShapeDtypeStruct((N, 1), jnp.float32),
        ],
    )(degp, x, W1)


def _tc_mid_body(p_ref, r_ref, b_ref, w_ref, o_ref):
    r = r_ref[...]
    a = (p_ref[0] + p_ref[1]) * r + b_ref[...]
    o_ref[...] = jnp.dot(a, w_ref[...], preferred_element_type=jnp.float32) * r


def _tc_mid(p, r, b1, W2):
    return pl.pallas_call(
        _tc_mid_body,
        grid=(_GRID,),
        in_specs=[
            pl.BlockSpec((NC, _BLK, D), lambda i: (0, i, 0)),
            pl.BlockSpec((_BLK, 1), lambda i: (i, 0)),
            pl.BlockSpec((1, D), lambda i: (0, 0)),
            pl.BlockSpec((D, D), lambda i: (0, 0)),
        ],
        out_specs=pl.BlockSpec((_BLK, D), lambda i: (i, 0)),
        out_shape=jax.ShapeDtypeStruct((N, D), jnp.float32),
    )(p, r, b1, W2)


def _tc_final_body(q_ref, r_ref, b_ref, o_ref):
    o_ref[...] = (q_ref[0] + q_ref[1]) * r_ref[...] + b_ref[...]


def _tc_final(q, r, b2):
    return pl.pallas_call(
        _tc_final_body,
        grid=(_GRID,),
        in_specs=[
            pl.BlockSpec((NC, _BLK, D), lambda i: (0, i, 0)),
            pl.BlockSpec((_BLK, 1), lambda i: (i, 0)),
            pl.BlockSpec((1, D), lambda i: (0, 0)),
        ],
        out_specs=pl.BlockSpec((_BLK, D), lambda i: (i, 0)),
        out_shape=jax.ShapeDtypeStruct((N, D), jnp.float32),
    )(q, r, b2)


def kernel(x, edge_index, W1, b1, W2, b2):
    src = edge_index[0].astype(jnp.int32).reshape(NW * NCHUNK, K)
    dst = edge_index[1].astype(jnp.int32).reshape(NW * NCHUNK, K)
    degp = _sc_degree(dst)[:, :N].T
    h1p, r = _tc_first(degp, x, W1)
    p = _sc_edge_agg(h1p, src, dst)
    h2p = _tc_mid(p, r, b1.reshape(1, D), W2)
    q = _sc_edge_agg(h2p, src, dst)
    return _tc_final(q, r, b2.reshape(1, D))

# --- scband reference (transcript-rebuilt; emitter-appended) ---
"""Pipeline reference for scband-graph-space-40716289966862 (READ-ONLY COPY).

The authoritative reference and input builder live on the scoring server;
editing this copy changes nothing except your own understanding.
"""

import jax, jax.numpy as jnp
import numpy as np

N_NODES = 10000
N_EDGES = 320000
D_IN = 128
D_HID = 128
D_OUT = 128


def _gcn_layer(x, edge_index, W, b):
    # GCN-style message passing with symmetric degree normalization:
    # h = x @ W; out[dst] += norm * h[src]; out += b
    src = edge_index[0]
    dst = edge_index[1]
    n = x.shape[0]
    deg = jnp.zeros((n,), dtype=x.dtype).at[dst].add(1.0)
    deg = jnp.clip(deg, 1.0, None)
    norm = jax.lax.rsqrt(deg[src]) * jax.lax.rsqrt(deg[dst])
    h = x @ W
    msg = h[src] * norm[:, None]
    out = jnp.zeros_like(h).at[dst].add(msg)
    return out + b


def setup_inputs(seed: int = 0) -> dict:
    key = jax.random.key(seed)
    k_x, k_e, k_w1, k_b1, k_w2, k_b2 = jax.random.split(key, 6)
    x = jax.random.normal(k_x, (N_NODES, D_IN), dtype=jnp.float32)
    edge_index = jax.random.randint(k_e, (2, N_EDGES), 0, N_NODES, dtype=jnp.int64)
    s1 = 1.0 / np.sqrt(D_IN)
    s2 = 1.0 / np.sqrt(D_HID)
    W1 = jax.random.uniform(k_w1, (D_IN, D_HID), jnp.float32, -s1, s1)
    b1 = jax.random.uniform(k_b1, (D_HID,), jnp.float32, -s1, s1)
    W2 = jax.random.uniform(k_w2, (D_HID, D_OUT), jnp.float32, -s2, s2)
    b2 = jax.random.uniform(k_b2, (D_OUT,), jnp.float32, -s2, s2)
    return {"x": x, "edge_index": edge_index, "W1": W1, "b1": b1, "W2": W2, "b2": b2}


def reference(x, edge_index, W1, b1, W2, b2):
    # GraphSpace.forward: x = op1(x, edge_index); x = op2(x, edge_index)
    h = _gcn_layer(x, edge_index, W1, b1)
    out = _gcn_layer(h, edge_index, W2, b2)
    return out

if __name__ == "__main__":
    import jax
    _d = setup_inputs()
    print(jax.jit(kernel)(*tuple(_d.values())))

</pallas_src>

<mosaic_0001>
#map = affine_map<(d0, d1) -> (0, 0)>
module attributes {stable_mosaic.version = 14 : i64} {
  func.func @_sc_degree(%arg0: i32, %arg1: i32, %arg2: memref<2560x125xi32, #tpu.memory_space<hbm>>, %arg3: memref<2x10240xf32, #tpu.memory_space<hbm>>, %arg4: memref<10240xf32, #tpu.memory_space<vmem_shared>>, %arg5: memref<80x125xi32, #tpu.memory_space<vmem>>, %arg6: memref<640xf32, #tpu.memory_space<vmem>>, %arg7: memref<128xf32, #tpu.memory_space<vmem>>) attributes {dimension_semantics = [#tpu.dimension_semantics<core_parallel>, #tpu.dimension_semantics<subcore_parallel>], iteration_bounds = array<i64: 2, 16>, scalar_prefetch = 0 : i64, scratch_operands = 4 : i64, tpu.core_type = #tpu.core_type<sc_vector_subcore>, window_params = [{transform_indices = #map}, {transform_indices = #map}]} {
    %mul3A = arith.constant 16 : i32
    %mul3A_0 = arith.muli %arg0, %mul3A : i32
    %add3A = arith.addi %mul3A_0, %arg1 : i32
    %scan3A = arith.constant 0 : i32
    %scan3A_1 = arith.constant 0 : i32
    %scan3A_2 = arith.constant 40 : i32
    %scan3A_3 = arith.addi %scan3A_1, %scan3A_2 : i32
    %scan3A_4 = arith.constant 1 : i32
    scf.for %scan3A_67 = %scan3A_1 to %scan3A_3 step %scan3A_4  : i32 {
      %broadcast_in_dim3A_68 = arith.constant 0.000000e+00 : f32
      %broadcast_in_dim3A_69 = vector.broadcast %broadcast_in_dim3A_68 : f32 to vector<16xf32>
      %mul3A_70 = arith.constant 16 : i32
      %mul3A_71 = arith.muli %scan3A_67, %mul3A_70 : i32
      %swap3A_72 = arith.index_cast %mul3A_71 : i32 to index
      %swap3A_73 = tpu.vector_load %arg6[%swap3A_72] {strides = array<i32>} : memref<640xf32, #tpu.memory_space<vmem>>, vector<16xf32>,
      %swap3A_74 = vector.shape_cast %swap3A_73 : vector<16xf32> to vector<16xf32>
      %swap3A_75 = vector.shape_cast %broadcast_in_dim3A_69 : vector<16xf32> to vector<16xf32>
      tpu.vector_store %arg6[%swap3A_72], %swap3A_75 {strides = array<i32>} : memref<640xf32, #tpu.memory_space<vmem>>, vector<16xf32>,
    }
    %scan3A_5 = arith.constant 40 : i32
    %broadcast_in_dim3A = arith.constant 1.000000e+00 : f32
    %broadcast_in_dim3A_6 = vector.broadcast %broadcast_in_dim3A : f32 to vector<16xf32>
    %swap3A = arith.constant 0 : index
    %swap3A_7 = tpu.vector_load %arg7[%swap3A] {strides = array<i32>} : memref<128xf32, #tpu.memory_space<vmem>>, vector<16xf32>,
    %swap3A_8 = vector.shape_cast %swap3A_7 : vector<16xf32> to vector<16xf32>
    %swap3A_9 = vector.shape_cast %broadcast_in_dim3A_6 : vector<16xf32> to vector<16xf32>
    tpu.vector_store %arg7[%swap3A], %swap3A_9 {strides = array<i32>} : memref<128xf32, #tpu.memory_space<vmem>>, vector<16xf32>,
    %broadcast_in_dim3A_10 = arith.constant 1.000000e+00 : f32
    %broadcast_in_dim3A_11 = vector.broadcast %broadcast_in_dim3A_10 : f32 to vector<16xf32>
    %swap3A_12 = arith.constant 16 : index
    %swap3A_13 = tpu.vector_load %arg7[%swap3A_12] {strides = array<i32>} : memref<128xf32, #tpu.memory_space<vmem>>, vector<16xf32>,
    %swap3A_14 = vector.shape_cast %swap3A_13 : vector<16xf32> to vector<16xf32>
    %swap3A_15 = vector.shape_cast %broadcast_in_dim3A_11 : vector<16xf32> to vector<16xf32>
    tpu.vector_store %arg7[%swap3A_12], %swap3A_15 {strides = array<i32>} : memref<128xf32, #tpu.memory_space<vmem>>, vector<16xf32>,
    %broadcast_in_dim3A_16 = arith.constant 1.000000e+00 : f32
    %broadcast_in_dim3A_17 = vector.broadcast %broadcast_in_dim3A_16 : f32 to vector<16xf32>
    %swap3A_18 = arith.constant 32 : index
    %swap3A_19 = tpu.vector_load %arg7[%swap3A_18] {strides = array<i32>} : memref<128xf32, #tpu.memory_space<vmem>>, vector<16xf32>,
    %swap3A_20 = vector.shape_cast %swap3A_19 : vector<16xf32> to vector<16xf32>
    %swap3A_21 = vector.shape_cast %broadcast_in_dim3A_17 : vector<16xf32> to vector<16xf32>
    tpu.vector_store %arg7[%swap3A_18], %swap3A_21 {strides = array<i32>} : memref<128xf32, #tpu.memory_space<vmem>>, vector<16xf32>,
    %broadcast_in_dim3A_22 = arith.constant 1.000000e+00 : f32
    %broadcast_in_dim3A_23 = vector.broadcast %broadcast_in_dim3A_22 : f32 to vector<16xf32>
    %swap3A_24 = arith.constant 48 : index
    %swap3A_25 = tpu.vector_load %arg7[%swap3A_24] {strides = array<i32>} : memref<128xf32, #tpu.memory_space<vmem>>, vector<16xf32>,
    %swap3A_26 = vector.shape_cast %swap3A_25 : vector<16xf32> to vector<16xf32>
    %swap3A_27 = vector.shape_cast %broadcast_in_dim3A_23 : vector<16xf32> to vector<16xf32>
    tpu.vector_store %arg7[%swap3A_24], %swap3A_27 {strides = array<i32>} : memref<128xf32, #tpu.memory_space<vmem>>, vector<16xf32>,
    %broadcast_in_dim3A_28 = arith.constant 1.000000e+00 : f32
    %broadcast_in_dim3A_29 = vector.broadcast %broadcast_in_dim3A_28 : f32 to vector<16xf32>
    %swap3A_30 = arith.constant 64 : index
    %swap3A_31 = tpu.vector_load %arg7[%swap3A_30] {strides = array<i32>} : memref<128xf32, #tpu.memory_space<vmem>>, vector<16xf32>,
    %swap3A_32 = vector.shape_cast %swap3A_31 : vector<16xf32> to vector<16xf32>
    %swap3A_33 = vector.shape_cast %broadcast_in_dim3A_29 : vector<16xf32> to vector<16xf32>
    tpu.vector_store %arg7[%swap3A_30], %swap3A_33 {strides = array<i32>} : memref<128xf32, #tpu.memory_space<vmem>>, vector<16xf32>,
    %broadcast_in_dim3A_34 = arith.constant 1.000000e+00 : f32
    %broadcast_in_dim3A_35 = vector.broadcast %broadcast_in_dim3A_34 : f32 to vector<16xf32>
    %swap3A_36 = arith.constant 80 : index
    %swap3A_37 = tpu.vector_load %arg7[%swap3A_36] {strides = array<i32>} : memref<128xf32, #tpu.memory_space<vmem>>, vector<16xf32>,
    %swap3A_38 = vector.shape_cast %swap3A_37 : vector<16xf32> to vector<16xf32>
    %swap3A_39 = vector.shape_cast %broadcast_in_dim3A_35 : vector<16xf32> to vector<16xf32>
    tpu.vector_store %arg7[%swap3A_36], %swap3A_39 {strides = array<i32>} : memref<128xf32, #tpu.memory_space<vmem>>, vector<16xf32>,
    %broadcast_in_dim3A_40 = arith.constant 1.000000e+00 : f32
    %broadcast_in_dim3A_41 = vector.broadcast %broadcast_in_dim3A_40 : f32 to vector<16xf32>
    %swap3A_42 = arith.constant 96 : index
    %swap3A_43 = tpu.vector_load %arg7[%swap3A_42] {strides = array<i32>} : memref<128xf32, #tpu.memory_space<vmem>>, vector<16xf32>,
    %swap3A_44 = vector.shape_cast %swap3A_43 : vector<16xf32> to vector<16xf32>
    %swap3A_45 = vector.shape_cast %broadcast_in_dim3A_41 : vector<16xf32> to vector<16xf32>
    tpu.vector_store %arg7[%swap3A_42], %swap3A_45 {strides = array<i32>} : memref<128xf32, #tpu.memory_space<vmem>>, vector<16xf32>,
    %broadcast_in_dim3A_46 = arith.constant 1.000000e+00 : f32
    %broadcast_in_dim3A_47 = vector.broadcast %broadcast_in_dim3A_46 : f32 to vector<16xf32>
    %swap3A_48 = arith.constant 112 : index
    %swap3A_49 = tpu.vector_load %arg7[%swap3A_48] {strides = array<i32>} : memref<128xf32, #tpu.memory_space<vmem>>, vector<16xf32>,
    %swap3A_50 = vector.shape_cast %swap3A_49 : vector<16xf32> to vector<16xf32>
    %swap3A_51 = vector.shape_cast %broadcast_in_dim3A_47 : vector<16xf32> to vector<16xf32>
    tpu.vector_store %arg7[%swap3A_48], %swap3A_51 {strides = array<i32>} : memref<128xf32, #tpu.memory_space<vmem>>, vector<16xf32>,
    %mul3A_52 = arith.constant 640 : i32
    %mul3A_53 = arith.muli %arg1, %mul3A_52 : i32
    "tpu.region"() ({
      %run_scoped3A = tpu.sem_alloc : memref<!tpu.dma_semaphore, #tpu.memory_space<semaphore_mem>>
      %dma_start3A = tpu.memref_slice %arg4[%mul3A_53] : memref<10240xf32, #tpu.memory_space<vmem_shared>> -> memref<640xf32, #tpu.memory_space<vmem_shared>>
      %dma_start3A_67 = tpu.memref_slice %arg4[%mul3A_53] : memref<10240xf32, #tpu.memory_space<vmem_shared>> -> memref<640xf32, #tpu.memory_space<vmem_shared>>
      tpu.enqueue_dma source(%arg6 : memref<640xf32, #tpu.memory_space<vmem>>) target(%dma_start3A_67 : memref<640xf32, #tpu.memory_space<vmem_shared>>) target_semaphore(%run_scoped3A : memref<!tpu.dma_semaphore, #tpu.memory_space<semaphore_mem>>)
      %dma_wait3A = tpu.memref_slice %arg4[%mul3A_53] : memref<10240xf32, #tpu.memory_space<vmem_shared>> -> memref<640xf32, #tpu.memory_space<vmem_shared>>
      %dma_wait3A_68 = tpu.memref_slice %arg4[%mul3A_53] : memref<10240xf32, #tpu.memory_space<vmem_shared>> -> memref<640xf32, #tpu.memory_space<vmem_shared>>
      tpu.wait_dma2 semaphore(%run_scoped3A : memref<!tpu.dma_semaphore, #tpu.memory_space<semaphore_mem>>) src(%arg6 : memref<640xf32, #tpu.memory_space<vmem>>) dst(%dma_wait3A_68 : memref<640xf32, #tpu.memory_space<vmem_shared>>)
      tpu.yield
    }) : () -> ()
    %barrier3A = arith.constant 0 : index
    tpu.barrier barrier_id(%barrier3A)
    %mul3A_54 = arith.constant 80 : i32
    %mul3A_55 = arith.muli %add3A, %mul3A_54 : i32
    "tpu.region"() ({
      %run_scoped3A = tpu.sem_alloc : memref<!tpu.dma_semaphore, #tpu.memory_space<semaphore_mem>>
      %dma_start3A = arith.constant 0 : i32
      %dma_start3A_67 = tpu.memref_slice %arg2[%mul3A_55, %dma_start3A] : memref<2560x125xi32, #tpu.memory_space<hbm>> -> memref<80x125xi32, #tpu.memory_space<hbm>>
      %dma_start3A_68 = arith.constant 0 : i32
      %dma_start3A_69 = tpu.memref_slice %arg2[%mul3A_55, %dma_start3A_68] : memref<2560x125xi32, #tpu.memory_space<hbm>> -> memref<80x125xi32, #tpu.memory_space<hbm>>
      tpu.enqueue_dma source(%dma_start3A_69 : memref<80x125xi32, #tpu.memory_space<hbm>>) target(%arg5 : memref<80x125xi32, #tpu.memory_space<vmem>>) target_semaphore(%run_scoped3A : memref<!tpu.dma_semaphore, #tpu.memory_space<semaphore_mem>>)
      %dma_wait3A = arith.constant 0 : i32
      %dma_wait3A_70 = tpu.memref_slice %arg2[%mul3A_55, %dma_wait3A] : memref<2560x125xi32, #tpu.memory_space<hbm>> -> memref<80x125xi32, #tpu.memory_space<hbm>>
      %dma_wait3A_71 = arith.constant 0 : i32
      %dma_wait3A_72 = tpu.memref_slice %arg2[%mul3A_55, %dma_wait3A_71] : memref<2560x125xi32, #tpu.memory_space<hbm>> -> memref<80x125xi32, #tpu.memory_space<hbm>>
      tpu.wait_dma2 semaphore(%run_scoped3A : memref<!tpu.dma_semaphore, #tpu.memory_space<semaphore_mem>>) src(%dma_wait3A_72 : memref<80x125xi32, #tpu.memory_space<hbm>>) dst(%arg5 : memref<80x125xi32, #tpu.memory_space<vmem>>)
      tpu.yield
    }) : () -> ()
    %scan3A_56 = arith.constant 0 : i32
    %scan3A_57 = arith.constant 0 : i32
    %scan3A_58 = arith.constant 80 : i32
    %scan3A_59 = arith.addi %scan3A_57, %scan3A_58 : i32
    %scan3A_60 = arith.constant 1 : i32
    scf.for %scan3A_67 = %scan3A_57 to %scan3A_59 step %scan3A_60  : i32 {
      "tpu.region"() ({
        %run_scoped3A = tpu.sem_alloc : memref<!tpu.dma_semaphore, #tpu.memory_space<semaphore_mem>>
        %dma_start3A = arith.constant 0 : i32
        %dma_start3A_68 = tpu.memref_slice %arg7[%dma_start3A] : memref<128xf32, #tpu.memory_space<vmem>> -> memref<125xf32, #tpu.memory_space<vmem>>
        %dma_start3A_69 = arith.constant 0 : i32
        %dma_start3A_70 = tpu.memref_slice %arg5[%scan3A_67, %dma_start3A_69] : memref<80x125xi32, #tpu.memory_space<vmem>> -> memref<1x125xi32, #tpu.memory_space<vmem>>
        %dma_start3A_71 = tpu.memref_squeeze %dma_start3A_70 : memref<1x125xi32, #tpu.memory_space<vmem>> -> memref<125xi32, #tpu.memory_space<vmem>>
        %dma_start3A_72 = arith.constant 0 : i32
        %dma_start3A_73 = tpu.memref_slice %arg4[%dma_start3A_72] : memref<10240xf32, #tpu.memory_space<vmem_shared>> -> memref<10240xf32, #tpu.memory_space<vmem_shared>>
        tpu.enqueue_indirect_dma source(%dma_start3A_68 : memref<125xf32, #tpu.memory_space<vmem>>) target(%dma_start3A_73 : memref<10240xf32, #tpu.memory_space<vmem_shared>>) offsets(%dma_start3A_71 : memref<125xi32, #tpu.memory_space<vmem>>) semaphore(%run_scoped3A : memref<!tpu.dma_semaphore, #tpu.memory_space<semaphore_mem>>) {add = true}
        %dma_wait3A = arith.constant 0 : i32
        %dma_wait3A_74 = tpu.memref_slice %arg7[%dma_wait3A] : memref<128xf32, #tpu.memory_space<vmem>> -> memref<125xf32, #tpu.memory_space<vmem>>
        %dma_wait3A_75 = arith.constant 0 : i32
        %dma_wait3A_76 = tpu.memref_slice %arg5[%scan3A_67, %dma_wait3A_75] : memref<80x125xi32, #tpu.memory_space<vmem>> -> memref<1x125xi32, #tpu.memory_space<vmem>>
        %dma_wait3A_77 = tpu.memref_squeeze %dma_wait3A_76 : memref<1x125xi32, #tpu.memory_space<vmem>> -> memref<125xi32, #tpu.memory_space<vmem>>
        %dma_wait3A_78 = arith.constant 0 : i32
        %dma_wait3A_79 = tpu.memref_slice %arg4[%dma_wait3A_78] : memref<10240xf32, #tpu.memory_space<vmem_shared>> -> memref<10240xf32, #tpu.memory_space<vmem_shared>>
        tpu.wait_indirect_dma semaphore(%run_scoped3A : memref<!tpu.dma_semaphore, #tpu.memory_space<semaphore_mem>>) src(%dma_wait3A_74 : memref<125xf32, #tpu.memory_space<vmem>>) dst(%dma_wait3A_79 : memref<10240xf32, #tpu.memory_space<vmem_shared>>)
        tpu.yield
      }) : () -> ()
    }
    %scan3A_61 = arith.constant 80 : i32
    %barrier3A_62 = arith.constant 0 : index
    tpu.barrier barrier_id(%barrier3A_62)
    %mul3A_63 = arith.constant 640 : i32
    %mul3A_64 = arith.muli %arg1, %mul3A_63 : i32
    "tpu.region"() ({
      %run_scoped3A = tpu.sem_alloc : memref<!tpu.dma_semaphore, #tpu.memory_space<semaphore_mem>>
      %dma_start3A = tpu.memref_slice %arg4[%mul3A_64] : memref<10240xf32, #tpu.memory_space<vmem_shared>> -> memref<640xf32, #tpu.memory_space<vmem_shared>>
      %dma_start3A_67 = tpu.memref_slice %arg4[%mul3A_64] : memref<10240xf32, #tpu.memory_space<vmem_shared>> -> memref<640xf32, #tpu.memory_space<vmem_shared>>
      tpu.enqueue_dma source(%dma_start3A_67 : memref<640xf32, #tpu.memory_space<vmem_shared>>) target(%arg6 : memref<640xf32, #tpu.memory_space<vmem>>) target_semaphore(%run_scoped3A : memref<!tpu.dma_semaphore, #tpu.memory_space<semaphore_mem>>)
      %dma_wait3A = tpu.memref_slice %arg4[%mul3A_64] : memref<10240xf32, #tpu.memory_space<vmem_shared>> -> memref<640xf32, #tpu.memory_space<vmem_shared>>
      %dma_wait3A_68 = tpu.memref_slice %arg4[%mul3A_64] : memref<10240xf32, #tpu.memory_space<vmem_shared>> -> memref<640xf32, #tpu.memory_space<vmem_shared>>
      tpu.wait_dma2 semaphore(%run_scoped3A : memref<!tpu.dma_semaphore, #tpu.memory_space<semaphore_mem>>) src(%dma_wait3A_68 : memref<640xf32, #tpu.memory_space<vmem_shared>>) dst(%arg6 : memref<640xf32, #tpu.memory_space<vmem>>)
      tpu.yield
    }) : () -> ()
    %mul3A_65 = arith.constant 640 : i32
    %mul3A_66 = arith.muli %arg1, %mul3A_65 : i32
    "tpu.region"() ({
      %run_scoped3A = tpu.sem_alloc : memref<!tpu.dma_semaphore, #tpu.memory_space<semaphore_mem>>
      %dma_start3A = tpu.memref_slice %arg3[%arg0, %mul3A_66] : memref<2x10240xf32, #tpu.memory_space<hbm>> -> memref<1x640xf32, #tpu.memory_space<hbm>>
      %dma_start3A_67 = tpu.memref_squeeze %dma_start3A : memref<1x640xf32, #tpu.memory_space<hbm>> -> memref<640xf32, #tpu.memory_space<hbm>>
      %dma_start3A_68 = tpu.memref_slice %arg3[%arg0, %mul3A_66] : memref<2x10240xf32, #tpu.memory_space<hbm>> -> memref<1x640xf32, #tpu.memory_space<hbm>>
      %dma_start3A_69 = tpu.memref_squeeze %dma_start3A_68 : memref<1x640xf32, #tpu.memory_space<hbm>> -> memref<640xf32, #tpu.memory_space<hbm>>
      tpu.enqueue_dma source(%arg6 : memref<640xf32, #tpu.memory_space<vmem>>) target(%dma_start3A_69 : memref<640xf32, #tpu.memory_space<hbm>>) target_semaphore(%run_scoped3A : memref<!tpu.dma_semaphore, #tpu.memory_space<semaphore_mem>>)
      %dma_wait3A = tpu.memref_slice %arg3[%arg0, %mul3A_66] : memref<2x10240xf32, #tpu.memory_space<hbm>> -> memref<1x640xf32, #tpu.memory_space<hbm>>
      %dma_wait3A_70 = tpu.memref_squeeze %dma_wait3A : memref<1x640xf32, #tpu.memory_space<hbm>> -> memref<640xf32, #tpu.memory_space<hbm>>
      %dma_wait3A_71 = tpu.memref_slice %arg3[%arg0, %mul3A_66] : memref<2x10240xf32, #tpu.memory_space<hbm>> -> memref<1x640xf32, #tpu.memory_space<hbm>>
      %dma_wait3A_72 = tpu.memref_squeeze %dma_wait3A_71 : memref<1x640xf32, #tpu.memory_space<hbm>> -> memref<640xf32, #tpu.memory_space<hbm>>
      tpu.wait_dma2 semaphore(%run_scoped3A : memref<!tpu.dma_semaphore, #tpu.memory_space<semaphore_mem>>) src(%arg6 : memref<640xf32, #tpu.memory_space<vmem>>) dst(%dma_wait3A_72 : memref<640xf32, #tpu.memory_space<hbm>>)
      tpu.yield
    }) : () -> ()
    return
  }
}

#map = affine_map<(d0, d1) -> (0, 0)>
#map1 = affine_map<(d0, d1) -> (0, 0, 0)>
module attributes {stable_mosaic.version = 14 : i64} {
  func.func @_sc_edge_agg(%arg0: i32, %arg1: i32, %arg2: memref<10000x128xf32, #tpu.memory_space<hbm>>, %arg3: memref<2560x125xi32, #tpu.memory_space<hbm>>, %arg4: memref<2560x125xi32, #tpu.memory_space<hbm>>, %arg5: memref<2x10240x128xf32, #tpu.memory_space<hbm>>, %arg6: memref<10240x128xf32, #tpu.memory_space<vmem_shared>>, %arg7: memref<80x125xi32, #tpu.memory_space<vmem>>, %arg8: memref<80x125xi32, #tpu.memory_space<vmem>>, %arg9: memref<125x128xf32, #tpu.memory_space<vmem>>, %arg10: memref<64x128xf32, #tpu.memory_space<vmem>>) attributes {dimension_semantics = [#tpu.dimension_semantics<core_parallel>, #tpu.dimension_semantics<subcore_parallel>], iteration_bounds = array<i64: 2, 16>, scalar_prefetch = 0 : i64, scratch_operands = 5 : i64, tpu.core_type = #tpu.core_type<sc_vector_subcore>, window_params = [{transform_indices = #map}, {transform_indices = #map}, {transform_indices = #map}, {transform_indices = #map1}]} {
    %mul3A = arith.constant 16 : i32
    %mul3A_0 = arith.muli %arg0, %mul3A : i32
    %add3A = arith.addi %mul3A_0, %arg1 : i32
    %scan3A = arith.constant 0 : i32
    %scan3A_1 = arith.constant 0 : i32
    %scan3A_2 = arith.constant 64 : i32
    %scan3A_3 = arith.addi %scan3A_1, %scan3A_2 : i32
    %scan3A_4 = arith.constant 1 : i32
    scf.for %scan3A_97 = %scan3A_1 to %scan3A_3 step %scan3A_4  : i32 {
      %broadcast_in_dim3A = arith.constant 0.000000e+00 : f32
      %broadcast_in_dim3A_98 = vector.broadcast %broadcast_in_dim3A : f32 to vector<16xf32>
      %swap3A = arith.index_cast %scan3A_97 : i32 to index
      %swap3A_99 = arith.constant 0 : index
      %swap3A_100 = tpu.vector_load %arg10[%swap3A, %swap3A_99] {strides = array<i32>} : memref<64x128xf32, #tpu.memory_space<vmem>>, vector<1x16xf32>,
      %swap3A_101 = vector.shape_cast %swap3A_100 : vector<1x16xf32> to vector<16xf32>
      %swap3A_102 = vector.shape_cast %broadcast_in_dim3A_98 : vector<16xf32> to vector<1x16xf32>
      tpu.vector_store %arg10[%swap3A, %swap3A_99], %swap3A_102 {strides = array<i32>} : memref<64x128xf32, #tpu.memory_space<vmem>>, vector<1x16xf32>,
      %broadcast_in_dim3A_103 = arith.constant 0.000000e+00 : f32
      %broadcast_in_dim3A_104 = vector.broadcast %broadcast_in_dim3A_103 : f32 to vector<16xf32>
      %swap3A_105 = arith.index_cast %scan3A_97 : i32 to index
      %swap3A_106 = arith.constant 16 : index
      %swap3A_107 = tpu.vector_load %arg10[%swap3A_105, %swap3A_106] {strides = array<i32>} : memref<64x128xf32, #tpu.memory_space<vmem>>, vector<1x16xf32>,
      %swap3A_108 = vector.shape_cast %swap3A_107 : vector<1x16xf32> to vector<16xf32>
      %swap3A_109 = vector.shape_cast %broadcast_in_dim3A_104 : vector<16xf32> to vector<1x16xf32>
      tpu.vector_store %arg10[%swap3A_105, %swap3A_106], %swap3A_109 {strides = array<i32>} : memref<64x128xf32, #tpu.memory_space<vmem>>, vector<1x16xf32>,
      %broadcast_in_dim3A_110 = arith.constant 0.000000e+00 : f32
      %broadcast_in_dim3A_111 = vector.broadcast %broadcast_in_dim3A_110 : f32 to vector<16xf32>
      %swap3A_112 = arith.index_cast %scan3A_97 : i32 to index
      %swap3A_113 = arith.constant 32 : index
      %swap3A_114 = tpu.vector_load %arg10[%swap3A_112, %swap3A_113] {strides = array<i32>} : memref<64x128xf32, #tpu.memory_space<vmem>>, vector<1x16xf32>,
      %swap3A_115 = vector.shape_cast %swap3A_114 : vector<1x16xf32> to vector<16xf32>
      %swap3A_116 = vector.shape_cast %broadcast_in_dim3A_111 : vector<16xf32> to vector<1x16xf32>
      tpu.vector_store %arg10[%swap3A_112, %swap3A_113], %swap3A_116 {strides = array<i32>} : memref<64x128xf32, #tpu.memory_space<vmem>>, vector<1x16xf32>,
      %broadcast_in_dim3A_117 = arith.constant 0.000000e+00 : f32
      %broadcast_in_dim3A_118 = vector.broadcast %broadcast_in_dim3A_117 : f32 to vector<16xf32>
      %swap3A_119 = arith.index_cast %scan3A_97 : i32 to index
      %swap3A_120 = arith.constant 48 : index
      %swap3A_121 = tpu.vector_load %arg10[%swap3A_119, %swap3A_120] {strides = array<i32>} : memref<64x128xf32, #tpu.memory_space<vmem>>, vector<1x16xf32>,
      %swap3A_122 = vector.shape_cast %swap3A_121 : vector<1x16xf32> to vector<16xf32>
      %swap3A_123 = vector.shape_cast %broadcast_in_dim3A_118 : vector<16xf32> to vector<1x16xf32>
      tpu.vector_store %arg10[%swap3A_119, %swap3A_120], %swap3A_123 {strides = array<i32>} : memref<64x128xf32, #tpu.memory_space<vmem>>, vector<1x16xf32>,
      %broadcast_in_dim3A_124 = arith.constant 0.000000e+00 : f32
      %broadcast_in_dim3A_125 = vector.broadcast %broadcast_in_dim3A_124 : f32 to vector<16xf32>
      %swap3A_126 = arith.index_cast %scan3A_97 : i32 to index
      %swap3A_127 = arith.constant 64 : index
      %swap3A_128 = tpu.vector_load %arg10[%swap3A_126, %swap3A_127] {strides = array<i32>} : memref<64x128xf32, #tpu.memory_space<vmem>>, vector<1x16xf32>,
      %swap3A_129 = vector.shape_cast %swap3A_128 : vector<1x16xf32> to vector<16xf32>
      %swap3A_130 = vector.shape_cast %broadcast_in_dim3A_125 : vector<16xf32> to vector<1x16xf32>
      tpu.vector_store %arg10[%swap3A_126, %swap3A_127], %swap3A_130 {strides = array<i32>} : memref<64x128xf32, #tpu.memory_space<vmem>>, vector<1x16xf32>,
      %broadcast_in_dim3A_131 = arith.constant 0.000000e+00 : f32
      %broadcast_in_dim3A_132 = vector.broadcast %broadcast_in_dim3A_131 : f32 to vector<16xf32>
      %swap3A_133 = arith.index_cast %scan3A_97 : i32 to index
      %swap3A_134 = arith.constant 80 : index
      %swap3A_135 = tpu.vector_load %arg10[%swap3A_133, %swap3A_134] {strides = array<i32>} : memref<64x128xf32, #tpu.memory_space<vmem>>, vector<1x16xf32>,
      %swap3A_136 = vector.shape_cast %swap3A_135 : vector<1x16xf32> to vector<16xf32>
      %swap3A_137 = vector.shape_cast %broadcast_in_dim3A_132 : vector<16xf32> to vector<1x16xf32>
      tpu.vector_store %arg10[%swap3A_133, %swap3A_134], %swap3A_137 {strides = array<i32>} : memref<64x128xf32, #tpu.memory_space<vmem>>, vector<1x16xf32>,
      %broadcast_in_dim3A_138 = arith.constant 0.000000e+00 : f32
      %broadcast_in_dim3A_139 = vector.broadcast %broadcast_in_dim3A_138 : f32 to vector<16xf32>
      %swap3A_140 = arith.index_cast %scan3A_97 : i32 to index
      %swap3A_141 = arith.constant 96 : index
      %swap3A_142 = tpu.vector_load %arg10[%swap3A_140, %swap3A_141] {strides = array<i32>} : memref<64x128xf32, #tpu.memory_space<vmem>>, vector<1x16xf32>,
      %swap3A_143 = vector.shape_cast %swap3A_142 : vector<1x16xf32> to vector<16xf32>
      %swap3A_144 = vector.shape_cast %broadcast_in_dim3A_139 : vector<16xf32> to vector<1x16xf32>
      tpu.vector_store %arg10[%swap3A_140, %swap3A_141], %swap3A_144 {strides = array<i32>} : memref<64x128xf32, #tpu.memory_space<vmem>>, vector<1x16xf32>,
      %broadcast_in_dim3A_145 = arith.constant 0.000000e+00 : f32
      %broadcast_in_dim3A_146 = vector.broadcast %broadcast_in_dim3A_145 : f32 to vector<16xf32>
      %swap3A_147 = arith.index_cast %scan3A_97 : i32 to index
      %swap3A_148 = arith.constant 112 : index
      %swap3A_149 = tpu.vector_load %arg10[%swap3A_147, %swap3A_148] {strides = array<i32>} : memref<64x128xf32, #tpu.memory_space<vmem>>, vector<1x16xf32>,
      %swap3A_150 = vector.shape_cast %swap3A_149 : vector<1x16xf32> to vector<16xf32>
      %swap3A_151 = vector.shape_cast %broadcast_in_dim3A_146 : vector<16xf32> to vector<1x16xf32>
      tpu.vector_store %arg10[%swap3A_147, %swap3A_148], %swap3A_151 {strides = array<i32>} : memref<64x128xf32, #tpu.memory_space<vmem>>, vector<1x16xf32>,
    }
    %scan3A_5 = arith.constant 64 : i32
    %mul3A_6 = arith.constant 640 : i32
    %mul3A_7 = arith.muli %arg1, %mul3A_6 : i32
    %add3A_8 = arith.constant 0 : i32
    %add3A_9 = arith.addi %mul3A_7, %add3A_8 : i32
    "tpu.region"() ({
      %run_scoped3A = tpu.sem_alloc : memref<!tpu.dma_semaphore, #tpu.memory_space<semaphore_mem>>
      %dma_start3A = arith.constant 0 : i32
      %dma_start3A_97 = tpu.memref_slice %arg6[%add3A_9, %dma_start3A] : memref<10240x128xf32, #tpu.memory_space<vmem_shared>> -> memref<64x128xf32, #tpu.memory_space<vmem_shared>>
      %dma_start3A_98 = arith.constant 0 : i32
      %dma_start3A_99 = tpu.memref_slice %arg6[%add3A_9, %dma_start3A_98] : memref<10240x128xf32, #tpu.memory_space<vmem_shared>> -> memref<64x128xf32, #tpu.memory_space<vmem_shared>>
      tpu.enqueue_dma source(%arg10 : memref<64x128xf32, #tpu.memory_space<vmem>>) target(%dma_start3A_99 : memref<64x128xf32, #tpu.memory_space<vmem_shared>>) target_semaphore(%run_scoped3A : memref<!tpu.dma_semaphore, #tpu.memory_space<semaphore_mem>>)
      %dma_wait3A = arith.constant 0 : i32
      %dma_wait3A_100 = tpu.memref_slice %arg6[%add3A_9, %dma_wait3A] : memref<10240x128xf32, #tpu.memory_space<vmem_shared>> -> memref<64x128xf32, #tpu.memory_space<vmem_shared>>
      %dma_wait3A_101 = arith.constant 0 : i32
      %dma_wait3A_102 = tpu.memref_slice %arg6[%add3A_9, %dma_wait3A_101] : memref<10240x128xf32, #tpu.memory_space<vmem_shared>> -> memref<64x128xf32, #tpu.memory_space<vmem_shared>>
      tpu.wait_dma2 semaphore(%run_scoped3A : memref<!tpu.dma_semaphore, #tpu.memory_space<semaphore_mem>>) src(%arg10 : memref<64x128xf32, #tpu.memory_space<vmem>>) dst(%dma_wait3A_102 : memref<64x128xf32, #tpu.memory_space<vmem_shared>>)
      tpu.yield
    }) : () -> ()
    %mul3A_10 = arith.constant 640 : i32
    %mul3A_11 = arith.muli %arg1, %mul3A_10 : i32
    %add3A_12 = arith.constant 64 : i32
    %add3A_13 = arith.addi %mul3A_11, %add3A_12 : i32
    "tpu.region"() ({
      %run_scoped3A = tpu.sem_alloc : memref<!tpu.dma_semaphore, #tpu.memory_space<semaphore_mem>>
      %dma_start3A = arith.constant 0 : i32
      %dma_start3A_97 = tpu.memref_slice %arg6[%add3A_13, %dma_start3A] : memref<10240x128xf32, #tpu.memory_space<vmem_shared>> -> memref<64x128xf32, #tpu.memory_space<vmem_shared>>
      %dma_start3A_98 = arith.constant 0 : i32
      %dma_start3A_99 = tpu.memref_slice %arg6[%add3A_13, %dma_start3A_98] : memref<10240x128xf32, #tpu.memory_space<vmem_shared>> -> memref<64x128xf32, #tpu.memory_space<vmem_shared>>
      tpu.enqueue_dma source(%arg10 : memref<64x128xf32, #tpu.memory_space<vmem>>) target(%dma_start3A_99 : memref<64x128xf32, #tpu.memory_space<vmem_shared>>) target_semaphore(%run_scoped3A : memref<!tpu.dma_semaphore, #tpu.memory_space<semaphore_mem>>)
      %dma_wait3A = arith.constant 0 : i32
      %dma_wait3A_100 = tpu.memref_slice %arg6[%add3A_13, %dma_wait3A] : memref<10240x128xf32, #tpu.memory_space<vmem_shared>> -> memref<64x128xf32, #tpu.memory_space<vmem_shared>>
      %dma_wait3A_101 = arith.constant 0 : i32
      %dma_wait3A_102 = tpu.memref_slice %arg6[%add3A_13, %dma_wait3A_101] : memref<10240x128xf32, #tpu.memory_space<vmem_shared>> -> memref<64x128xf32, #tpu.memory_space<vmem_shared>>
      tpu.wait_dma2 semaphore(%run_scoped3A : memref<!tpu.dma_semaphore, #tpu.memory_space<semaphore_mem>>) src(%arg10 : memref<64x128xf32, #tpu.memory_space<vmem>>) dst(%dma_wait3A_102 : memref<64x128xf32, #tpu.memory_space<vmem_shared>>)
      tpu.yield
    }) : () -> ()
    %mul3A_14 = arith.constant 640 : i32
    %mul3A_15 = arith.muli %arg1, %mul3A_14 : i32
    %add3A_16 = arith.constant 128 : i32
    %add3A_17 = arith.addi %mul3A_15, %add3A_16 : i32
    "tpu.region"() ({
      %run_scoped3A = tpu.sem_alloc : memref<!tpu.dma_semaphore, #tpu.memory_space<semaphore_mem>>
      %dma_start3A = arith.constant 0 : i32
      %dma_start3A_97 = tpu.memref_slice %arg6[%add3A_17, %dma_start3A] : memref<10240x128xf32, #tpu.memory_space<vmem_shared>> -> memref<64x128xf32, #tpu.memory_space<vmem_shared>>
      %dma_start3A_98 = arith.constant 0 : i32
      %dma_start3A_99 = tpu.memref_slice %arg6[%add3A_17, %dma_start3A_98] : memref<10240x128xf32, #tpu.memory_space<vmem_shared>> -> memref<64x128xf32, #tpu.memory_space<vmem_shared>>
      tpu.enqueue_dma source(%arg10 : memref<64x128xf32, #tpu.memory_space<vmem>>) target(%dma_start3A_99 : memref<64x128xf32, #tpu.memory_space<vmem_shared>>) target_semaphore(%run_scoped3A : memref<!tpu.dma_semaphore, #tpu.memory_space<semaphore_mem>>)
      %dma_wait3A = arith.constant 0 : i32
      %dma_wait3A_100 = tpu.memref_slice %arg6[%add3A_17, %dma_wait3A] : memref<10240x128xf32, #tpu.memory_space<vmem_shared>> -> memref<64x128xf32, #tpu.memory_space<vmem_shared>>
      %dma_wait3A_101 = arith.constant 0 : i32
      %dma_wait3A_102 = tpu.memref_slice %arg6[%add3A_17, %dma_wait3A_101] : memref<10240x128xf32, #tpu.memory_space<vmem_shared>> -> memref<64x128xf32, #tpu.memory_space<vmem_shared>>
      tpu.wait_dma2 semaphore(%run_scoped3A : memref<!tpu.dma_semaphore, #tpu.memory_space<semaphore_mem>>) src(%arg10 : memref<64x128xf32, #tpu.memory_space<vmem>>) dst(%dma_wait3A_102 : memref<64x128xf32, #tpu.memory_space<vmem_shared>>)
      tpu.yield
    }) : () -> ()
    %mul3A_18 = arith.constant 640 : i32
    %mul3A_19 = arith.muli %arg1, %mul3A_18 : i32
    %add3A_20 = arith.constant 192 : i32
    %add3A_21 = arith.addi %mul3A_19, %add3A_20 : i32
    "tpu.region"() ({
      %run_scoped3A = tpu.sem_alloc : memref<!tpu.dma_semaphore, #tpu.memory_space<semaphore_mem>>
      %dma_start3A = arith.constant 0 : i32
      %dma_start3A_97 = tpu.memref_slice %arg6[%add3A_21, %dma_start3A] : memref<10240x128xf32, #tpu.memory_space<vmem_shared>> -> memref<64x128xf32, #tpu.memory_space<vmem_shared>>
      %dma_start3A_98 = arith.constant 0 : i32
      %dma_start3A_99 = tpu.memref_slice %arg6[%add3A_21, %dma_start3A_98] : memref<10240x128xf32, #tpu.memory_space<vmem_shared>> -> memref<64x128xf32, #tpu.memory_space<vmem_shared>>
      tpu.enqueue_dma source(%arg10 : memref<64x128xf32, #tpu.memory_space<vmem>>) target(%dma_start3A_99 : memref<64x128xf32, #tpu.memory_space<vmem_shared>>) target_semaphore(%run_scoped3A : memref<!tpu.dma_semaphore, #tpu.memory_space<semaphore_mem>>)
      %dma_wait3A = arith.constant 0 : i32
      %dma_wait3A_100 = tpu.memref_slice %arg6[%add3A_21, %dma_wait3A] : memref<10240x128xf32, #tpu.memory_space<vmem_shared>> -> memref<64x128xf32, #tpu.memory_space<vmem_shared>>
      %dma_wait3A_101 = arith.constant 0 : i32
      %dma_wait3A_102 = tpu.memref_slice %arg6[%add3A_21, %dma_wait3A_101] : memref<10240x128xf32, #tpu.memory_space<vmem_shared>> -> memref<64x128xf32, #tpu.memory_space<vmem_shared>>
      tpu.wait_dma2 semaphore(%run_scoped3A : memref<!tpu.dma_semaphore, #tpu.memory_space<semaphore_mem>>) src(%arg10 : memref<64x128xf32, #tpu.memory_space<vmem>>) dst(%dma_wait3A_102 : memref<64x128xf32, #tpu.memory_space<vmem_shared>>)
      tpu.yield
    }) : () -> ()
    %mul3A_22 = arith.constant 640 : i32
    %mul3A_23 = arith.muli %arg1, %mul3A_22 : i32
    %add3A_24 = arith.constant 256 : i32
    %add3A_25 = arith.addi %mul3A_23, %add3A_24 : i32
    "tpu.region"() ({
      %run_scoped3A = tpu.sem_alloc : memref<!tpu.dma_semaphore, #tpu.memory_space<semaphore_mem>>
      %dma_start3A = arith.constant 0 : i32
      %dma_start3A_97 = tpu.memref_slice %arg6[%add3A_25, %dma_start3A] : memref<10240x128xf32, #tpu.memory_space<vmem_shared>> -> memref<64x128xf32, #tpu.memory_space<vmem_shared>>
      %dma_start3A_98 = arith.constant 0 : i32
      %dma_start3A_99 = tpu.memref_slice %arg6[%add3A_25, %dma_start3A_98] : memref<10240x128xf32, #tpu.memory_space<vmem_shared>> -> memref<64x128xf32, #tpu.memory_space<vmem_shared>>
      tpu.enqueue_dma source(%arg10 : memref<64x128xf32, #tpu.memory_space<vmem>>) target(%dma_start3A_99 : memref<64x128xf32, #tpu.memory_space<vmem_shared>>) target_semaphore(%run_scoped3A : memref<!tpu.dma_semaphore, #tpu.memory_space<semaphore_mem>>)
      %dma_wait3A = arith.constant 0 : i32
      %dma_wait3A_100 = tpu.memref_slice %arg6[%add3A_25, %dma_wait3A] : memref<10240x128xf32, #tpu.memory_space<vmem_shared>> -> memref<64x128xf32, #tpu.memory_space<vmem_shared>>
      %dma_wait3A_101 = arith.constant 0 : i32
      %dma_wait3A_102 = tpu.memref_slice %arg6[%add3A_25, %dma_wait3A_101] : memref<10240x128xf32, #tpu.memory_space<vmem_shared>> -> memref<64x128xf32, #tpu.memory_space<vmem_shared>>
      tpu.wait_dma2 semaphore(%run_scoped3A : memref<!tpu.dma_semaphore, #tpu.memory_space<semaphore_mem>>) src(%arg10 : memref<64x128xf32, #tpu.memory_space<vmem>>) dst(%dma_wait3A_102 : memref<64x128xf32, #tpu.memory_space<vmem_shared>>)
      tpu.yield
    }) : () -> ()
    %mul3A_26 = arith.constant 640 : i32
    %mul3A_27 = arith.muli %arg1, %mul3A_26 : i32
    %add3A_28 = arith.constant 320 : i32
    %add3A_29 = arith.addi %mul3A_27, %add3A_28 : i32
    "tpu.region"() ({
      %run_scoped3A = tpu.sem_alloc : memref<!tpu.dma_semaphore, #tpu.memory_space<semaphore_mem>>
      %dma_start3A = arith.constant 0 : i32
      %dma_start3A_97 = tpu.memref_slice %arg6[%add3A_29, %dma_start3A] : memref<10240x128xf32, #tpu.memory_space<vmem_shared>> -> memref<64x128xf32, #tpu.memory_space<vmem_shared>>
      %dma_start3A_98 = arith.constant 0 : i32
      %dma_start3A_99 = tpu.memref_slice %arg6[%add3A_29, %dma_start3A_98] : memref<10240x128xf32, #tpu.memory_space<vmem_shared>> -> memref<64x128xf32, #tpu.memory_space<vmem_shared>>
      tpu.enqueue_dma source(%arg10 : memref<64x128xf32, #tpu.memory_space<vmem>>) target(%dma_start3A_99 : memref<64x128xf32, #tpu.memory_space<vmem_shared>>) target_semaphore(%run_scoped3A : memref<!tpu.dma_semaphore, #tpu.memory_space<semaphore_mem>>)
      %dma_wait3A = arith.constant 0 : i32
      %dma_wait3A_100 = tpu.memref_slice %arg6[%add3A_29, %dma_wait3A] : memref<10240x128xf32, #tpu.memory_space<vmem_shared>> -> memref<64x128xf32, #tpu.memory_space<vmem_shared>>
      %dma_wait3A_101 = arith.constant 0 : i32
      %dma_wait3A_102 = tpu.memref_slice %arg6[%add3A_29, %dma_wait3A_101] : memref<10240x128xf32, #tpu.memory_space<vmem_shared>> -> memref<64x128xf32, #tpu.memory_space<vmem_shared>>
      tpu.wait_dma2 semaphore(%run_scoped3A : memref<!tpu.dma_semaphore, #tpu.memory_space<semaphore_mem>>) src(%arg10 : memref<64x128xf32, #tpu.memory_space<vmem>>) dst(%dma_wait3A_102 : memref<64x128xf32, #tpu.memory_space<vmem_shared>>)
      tpu.yield
    }) : () -> ()
    %mul3A_30 = arith.constant 640 : i32
    %mul3A_31 = arith.muli %arg1, %mul3A_30 : i32
    %add3A_32 = arith.constant 384 : i32
    %add3A_33 = arith.addi %mul3A_31, %add3A_32 : i32
    "tpu.region"() ({
      %run_scoped3A = tpu.sem_alloc : memref<!tpu.dma_semaphore, #tpu.memory_space<semaphore_mem>>
      %dma_start3A = arith.constant 0 : i32
      %dma_start3A_97 = tpu.memref_slice %arg6[%add3A_33, %dma_start3A] : memref<10240x128xf32, #tpu.memory_space<vmem_shared>> -> memref<64x128xf32, #tpu.memory_space<vmem_shared>>
      %dma_start3A_98 = arith.constant 0 : i32
      %dma_start3A_99 = tpu.memref_slice %arg6[%add3A_33, %dma_start3A_98] : memref<10240x128xf32, #tpu.memory_space<vmem_shared>> -> memref<64x128xf32, #tpu.memory_space<vmem_shared>>
      tpu.enqueue_dma source(%arg10 : memref<64x128xf32, #tpu.memory_space<vmem>>) target(%dma_start3A_99 : memref<64x128xf32, #tpu.memory_space<vmem_shared>>) target_semaphore(%run_scoped3A : memref<!tpu.dma_semaphore, #tpu.memory_space<semaphore_mem>>)
      %dma_wait3A = arith.constant 0 : i32
      %dma_wait3A_100 = tpu.memref_slice %arg6[%add3A_33, %dma_wait3A] : memref<10240x128xf32, #tpu.memory_space<vmem_shared>> -> memref<64x128xf32, #tpu.memory_space<vmem_shared>>
      %dma_wait3A_101 = arith.constant 0 : i32
      %dma_wait3A_102 = tpu.memref_slice %arg6[%add3A_33, %dma_wait3A_101] : memref<10240x128xf32, #tpu.memory_space<vmem_shared>> -> memref<64x128xf32, #tpu.memory_space<vmem_shared>>
      tpu.wait_dma2 semaphore(%run_scoped3A : memref<!tpu.dma_semaphore, #tpu.memory_space<semaphore_mem>>) src(%arg10 : memref<64x128xf32, #tpu.memory_space<vmem>>) dst(%dma_wait3A_102 : memref<64x128xf32, #tpu.memory_space<vmem_shared>>)
      tpu.yield
    }) : () -> ()
    %mul3A_34 = arith.constant 640 : i32
    %mul3A_35 = arith.muli %arg1, %mul3A_34 : i32
    %add3A_36 = arith.constant 448 : i32
    %add3A_37 = arith.addi %mul3A_35, %add3A_36 : i32
    "tpu.region"() ({
      %run_scoped3A = tpu.sem_alloc : memref<!tpu.dma_semaphore, #tpu.memory_space<semaphore_mem>>
      %dma_start3A = arith.constant 0 : i32
      %dma_start3A_97 = tpu.memref_slice %arg6[%add3A_37, %dma_start3A] : memref<10240x128xf32, #tpu.memory_space<vmem_shared>> -> memref<64x128xf32, #tpu.memory_space<vmem_shared>>
      %dma_start3A_98 = arith.constant 0 : i32
      %dma_start3A_99 = tpu.memref_slice %arg6[%add3A_37, %dma_start3A_98] : memref<10240x128xf32, #tpu.memory_space<vmem_shared>> -> memref<64x128xf32, #tpu.memory_space<vmem_shared>>
      tpu.enqueue_dma source(%arg10 : memref<64x128xf32, #tpu.memory_space<vmem>>) target(%dma_start3A_99 : memref<64x128xf32, #tpu.memory_space<vmem_shared>>) target_semaphore(%run_scoped3A : memref<!tpu.dma_semaphore, #tpu.memory_space<semaphore_mem>>)
      %dma_wait3A = arith.constant 0 : i32
      %dma_wait3A_100 = tpu.memref_slice %arg6[%add3A_37, %dma_wait3A] : memref<10240x128xf32, #tpu.memory_space<vmem_shared>> -> memref<64x128xf32, #tpu.memory_space<vmem_shared>>
      %dma_wait3A_101 = arith.constant 0 : i32
      %dma_wait3A_102 = tpu.memref_slice %arg6[%add3A_37, %dma_wait3A_101] : memref<10240x128xf32, #tpu.memory_space<vmem_shared>> -> memref<64x128xf32, #tpu.memory_space<vmem_shared>>
      tpu.wait_dma2 semaphore(%run_scoped3A : memref<!tpu.dma_semaphore, #tpu.memory_space<semaphore_mem>>) src(%arg10 : memref<64x128xf32, #tpu.memory_space<vmem>>) dst(%dma_wait3A_102 : memref<64x128xf32, #tpu.memory_space<vmem_shared>>)
      tpu.yield
    }) : () -> ()
    %mul3A_38 = arith.constant 640 : i32
    %mul3A_39 = arith.muli %arg1, %mul3A_38 : i32
    %add3A_40 = arith.constant 512 : i32
    %add3A_41 = arith.addi %mul3A_39, %add3A_40 : i32
    "tpu.region"() ({
      %run_scoped3A = tpu.sem_alloc : memref<!tpu.dma_semaphore, #tpu.memory_space<semaphore_mem>>
      %dma_start3A = arith.constant 0 : i32
      %dma_start3A_97 = tpu.memref_slice %arg6[%add3A_41, %dma_start3A] : memref<10240x128xf32, #tpu.memory_space<vmem_shared>> -> memref<64x128xf32, #tpu.memory_space<vmem_shared>>
      %dma_start3A_98 = arith.constant 0 : i32
      %dma_start3A_99 = tpu.memref_slice %arg6[%add3A_41, %dma_start3A_98] : memref<10240x128xf32, #tpu.memory_space<vmem_shared>> -> memref<64x128xf32, #tpu.memory_space<vmem_shared>>
      tpu.enqueue_dma source(%arg10 : memref<64x128xf32, #tpu.memory_space<vmem>>) target(%dma_start3A_99 : memref<64x128xf32, #tpu.memory_space<vmem_shared>>) target_semaphore(%run_scoped3A : memref<!tpu.dma_semaphore, #tpu.memory_space<semaphore_mem>>)
      %dma_wait3A = arith.constant 0 : i32
      %dma_wait3A_100 = tpu.memref_slice %arg6[%add3A_41, %dma_wait3A] : memref<10240x128xf32, #tpu.memory_space<vmem_shared>> -> memref<64x128xf32, #tpu.memory_space<vmem_shared>>
      %dma_wait3A_101 = arith.constant 0 : i32
      %dma_wait3A_102 = tpu.memref_slice %arg6[%add3A_41, %dma_wait3A_101] : memref<10240x128xf32, #tpu.memory_space<vmem_shared>> -> memref<64x128xf32, #tpu.memory_space<vmem_shared>>
      tpu.wait_dma2 semaphore(%run_scoped3A : memref<!tpu.dma_semaphore, #tpu.memory_space<semaphore_mem>>) src(%arg10 : memref<64x128xf32, #tpu.memory_space<vmem>>) dst(%dma_wait3A_102 : memref<64x128xf32, #tpu.memory_space<vmem_shared>>)
      tpu.yield
    }) : () -> ()
    %mul3A_42 = arith.constant 640 : i32
    %mul3A_43 = arith.muli %arg1, %mul3A_42 : i32
    %add3A_44 = arith.constant 576 : i32
    %add3A_45 = arith.addi %mul3A_43, %add3A_44 : i32
    "tpu.region"() ({
      %run_scoped3A = tpu.sem_alloc : memref<!tpu.dma_semaphore, #tpu.memory_space<semaphore_mem>>
      %dma_start3A = arith.constant 0 : i32
      %dma_start3A_97 = tpu.memref_slice %arg6[%add3A_45, %dma_start3A] : memref<10240x128xf32, #tpu.memory_space<vmem_shared>> -> memref<64x128xf32, #tpu.memory_space<vmem_shared>>
      %dma_start3A_98 = arith.constant 0 : i32
      %dma_start3A_99 = tpu.memref_slice %arg6[%add3A_45, %dma_start3A_98] : memref<10240x128xf32, #tpu.memory_space<vmem_shared>> -> memref<64x128xf32, #tpu.memory_space<vmem_shared>>
      tpu.enqueue_dma source(%arg10 : memref<64x128xf32, #tpu.memory_space<vmem>>) target(%dma_start3A_99 : memref<64x128xf32, #tpu.memory_space<vmem_shared>>) target_semaphore(%run_scoped3A : memref<!tpu.dma_semaphore, #tpu.memory_space<semaphore_mem>>)
      %dma_wait3A = arith.constant 0 : i32
      %dma_wait3A_100 = tpu.memref_slice %arg6[%add3A_45, %dma_wait3A] : memref<10240x128xf32, #tpu.memory_space<vmem_shared>> -> memref<64x128xf32, #tpu.memory_space<vmem_shared>>
      %dma_wait3A_101 = arith.constant 0 : i32
      %dma_wait3A_102 = tpu.memref_slice %arg6[%add3A_45, %dma_wait3A_101] : memref<10240x128xf32, #tpu.memory_space<vmem_shared>> -> memref<64x128xf32, #tpu.memory_space<vmem_shared>>
      tpu.wait_dma2 semaphore(%run_scoped3A : memref<!tpu.dma_semaphore, #tpu.memory_space<semaphore_mem>>) src(%arg10 : memref<64x128xf32, #tpu.memory_space<vmem>>) dst(%dma_wait3A_102 : memref<64x128xf32, #tpu.memory_space<vmem_shared>>)
      tpu.yield
    }) : () -> ()
    %barrier3A = arith.constant 0 : index
    tpu.barrier barrier_id(%barrier3A)
    %mul3A_46 = arith.constant 80 : i32
    %mul3A_47 = arith.muli %add3A, %mul3A_46 : i32
    "tpu.region"() ({
      %run_scoped3A = tpu.sem_alloc : memref<!tpu.dma_semaphore, #tpu.memory_space<semaphore_mem>>
      %dma_start3A = arith.constant 0 : i32
      %dma_start3A_97 = tpu.memref_slice %arg3[%mul3A_47, %dma_start3A] : memref<2560x125xi32, #tpu.memory_space<hbm>> -> memref<80x125xi32, #tpu.memory_space<hbm>>
      %dma_start3A_98 = arith.constant 0 : i32
      %dma_start3A_99 = tpu.memref_slice %arg3[%mul3A_47, %dma_start3A_98] : memref<2560x125xi32, #tpu.memory_space<hbm>> -> memref<80x125xi32, #tpu.memory_space<hbm>>
      tpu.enqueue_dma source(%dma_start3A_99 : memref<80x125xi32, #tpu.memory_space<hbm>>) target(%arg7 : memref<80x125xi32, #tpu.memory_space<vmem>>) target_semaphore(%run_scoped3A : memref<!tpu.dma_semaphore, #tpu.memory_space<semaphore_mem>>)
      %dma_wait3A = arith.constant 0 : i32
      %dma_wait3A_100 = tpu.memref_slice %arg3[%mul3A_47, %dma_wait3A] : memref<2560x125xi32, #tpu.memory_space<hbm>> -> memref<80x125xi32, #tpu.memory_space<hbm>>
      %dma_wait3A_101 = arith.constant 0 : i32
      %dma_wait3A_102 = tpu.memref_slice %arg3[%mul3A_47, %dma_wait3A_101] : memref<2560x125xi32, #tpu.memory_space<hbm>> -> memref<80x125xi32, #tpu.memory_space<hbm>>
      tpu.wait_dma2 semaphore(%run_scoped3A : memref<!tpu.dma_semaphore, #tpu.memory_space<semaphore_mem>>) src(%dma_wait3A_102 : memref<80x125xi32, #tpu.memory_space<hbm>>) dst(%arg7 : memref<80x125xi32, #tpu.memory_space<vmem>>)
      tpu.yield
    }) : () -> ()
    %mul3A_48 = arith.constant 80 : i32
    %mul3A_49 = arith.muli %add3A, %mul3A_48 : i32
    "tpu.region"() ({
      %run_scoped3A = tpu.sem_alloc : memref<!tpu.dma_semaphore, #tpu.memory_space<semaphore_mem>>
      %dma_start3A = arith.constant 0 : i32
      %dma_start3A_97 = tpu.memref_slice %arg4[%mul3A_49, %dma_start3A] : memref<2560x125xi32, #tpu.memory_space<hbm>> -> memref<80x125xi32, #tpu.memory_space<hbm>>
      %dma_start3A_98 = arith.constant 0 : i32
      %dma_start3A_99 = tpu.memref_slice %arg4[%mul3A_49, %dma_start3A_98] : memref<2560x125xi32, #tpu.memory_space<hbm>> -> memref<80x125xi32, #tpu.memory_space<hbm>>
      tpu.enqueue_dma source(%dma_start3A_99 : memref<80x125xi32, #tpu.memory_space<hbm>>) target(%arg8 : memref<80x125xi32, #tpu.memory_space<vmem>>) target_semaphore(%run_scoped3A : memref<!tpu.dma_semaphore, #tpu.memory_space<semaphore_mem>>)
      %dma_wait3A = arith.constant 0 : i32
      %dma_wait3A_100 = tpu.memref_slice %arg4[%mul3A_49, %dma_wait3A] : memref<2560x125xi32, #tpu.memory_space<hbm>> -> memref<80x125xi32, #tpu.memory_space<hbm>>
      %dma_wait3A_101 = arith.constant 0 : i32
      %dma_wait3A_102 = tpu.memref_slice %arg4[%mul3A_49, %dma_wait3A_101] : memref<2560x125xi32, #tpu.memory_space<hbm>> -> memref<80x125xi32, #tpu.memory_space<hbm>>
      tpu.wait_dma2 semaphore(%run_scoped3A : memref<!tpu.dma_semaphore, #tpu.memory_space<semaphore_mem>>) src(%dma_wait3A_102 : memref<80x125xi32, #tpu.memory_space<hbm>>) dst(%arg8 : memref<80x125xi32, #tpu.memory_space<vmem>>)
      tpu.yield
    }) : () -> ()
    %scan3A_50 = arith.constant 0 : i32
    %scan3A_51 = arith.constant 0 : i32
    %scan3A_52 = arith.constant 80 : i32
    %scan3A_53 = arith.addi %scan3A_51, %scan3A_52 : i32
    %scan3A_54 = arith.constant 1 : i32
    scf.for %scan3A_97 = %scan3A_51 to %scan3A_53 step %scan3A_54  : i32 {
      "tpu.region"() ({
        %run_scoped3A = tpu.sem_alloc : memref<!tpu.dma_semaphore, #tpu.memory_space<semaphore_mem>>
        %dma_start3A = arith.constant 0 : i32
        %dma_start3A_98 = tpu.memref_slice %arg7[%scan3A_97, %dma_start3A] : memref<80x125xi32, #tpu.memory_space<vmem>> -> memref<1x125xi32, #tpu.memory_space<vmem>>
        %dma_start3A_99 = tpu.memref_squeeze %dma_start3A_98 : memref<1x125xi32, #tpu.memory_space<vmem>> -> memref<125xi32, #tpu.memory_space<vmem>>
        %dma_start3A_100 = arith.constant 0 : i32
        %dma_start3A_101 = arith.constant 0 : i32
        %dma_start3A_102 = tpu.memref_slice %arg2[%dma_start3A_100, %dma_start3A_101] : memref<10000x128xf32, #tpu.memory_space<hbm>> -> memref<10000x128xf32, #tpu.memory_space<hbm>>
        tpu.enqueue_indirect_dma source(%dma_start3A_102 : memref<10000x128xf32, #tpu.memory_space<hbm>>) target(%arg9 : memref<125x128xf32, #tpu.memory_space<vmem>>) offsets(%dma_start3A_99 : memref<125xi32, #tpu.memory_space<vmem>>) semaphore(%run_scoped3A : memref<!tpu.dma_semaphore, #tpu.memory_space<semaphore_mem>>)
        %dma_wait3A = arith.constant 0 : i32
        %dma_wait3A_103 = tpu.memref_slice %arg7[%scan3A_97, %dma_wait3A] : memref<80x125xi32, #tpu.memory_space<vmem>> -> memref<1x125xi32, #tpu.memory_space<vmem>>
        %dma_wait3A_104 = tpu.memref_squeeze %dma_wait3A_103 : memref<1x125xi32, #tpu.memory_space<vmem>> -> memref<125xi32, #tpu.memory_space<vmem>>
        %dma_wait3A_105 = arith.constant 0 : i32
        %dma_wait3A_106 = arith.constant 0 : i32
        %dma_wait3A_107 = tpu.memref_slice %arg2[%dma_wait3A_105, %dma_wait3A_106] : memref<10000x128xf32, #tpu.memory_space<hbm>> -> memref<10000x128xf32, #tpu.memory_space<hbm>>
        tpu.wait_indirect_dma semaphore(%run_scoped3A : memref<!tpu.dma_semaphore, #tpu.memory_space<semaphore_mem>>) src(%dma_wait3A_107 : memref<10000x128xf32, #tpu.memory_space<hbm>>) dst(%arg9 : memref<125x128xf32, #tpu.memory_space<vmem>>)
        tpu.yield
      }) : () -> ()
      "tpu.region"() ({
        %run_scoped3A = tpu.sem_alloc : memref<!tpu.dma_semaphore, #tpu.memory_space<semaphore_mem>>
        %dma_start3A = arith.constant 0 : i32
        %dma_start3A_98 = tpu.memref_slice %arg8[%scan3A_97, %dma_start3A] : memref<80x125xi32, #tpu.memory_space<vmem>> -> memref<1x125xi32, #tpu.memory_space<vmem>>
        %dma_start3A_99 = tpu.memref_squeeze %dma_start3A_98 : memref<1x125xi32, #tpu.memory_space<vmem>> -> memref<125xi32, #tpu.memory_space<vmem>>
        %dma_start3A_100 = arith.constant 0 : i32
        %dma_start3A_101 = arith.constant 0 : i32
        %dma_start3A_102 = tpu.memref_slice %arg6[%dma_start3A_100, %dma_start3A_101] : memref<10240x128xf32, #tpu.memory_space<vmem_shared>> -> memref<10240x128xf32, #tpu.memory_space<vmem_shared>>
        tpu.enqueue_indirect_dma source(%arg9 : memref<125x128xf32, #tpu.memory_space<vmem>>) target(%dma_start3A_102 : memref<10240x128xf32, #tpu.memory_space<vmem_shared>>) offsets(%dma_start3A_99 : memref<125xi32, #tpu.memory_space<vmem>>) semaphore(%run_scoped3A : memref<!tpu.dma_semaphore, #tpu.memory_space<semaphore_mem>>) {add = true}
        %dma_wait3A = arith.constant 0 : i32
        %dma_wait3A_103 = tpu.memref_slice %arg8[%scan3A_97, %dma_wait3A] : memref<80x125xi32, #tpu.memory_space<vmem>> -> memref<1x125xi32, #tpu.memory_space<vmem>>
        %dma_wait3A_104 = tpu.memref_squeeze %dma_wait3A_103 : memref<1x125xi32, #tpu.memory_space<vmem>> -> memref<125xi32, #tpu.memory_space<vmem>>
        %dma_wait3A_105 = arith.constant 0 : i32
        %dma_wait3A_106 = arith.constant 0 : i32
        %dma_wait3A_107 = tpu.memref_slice %arg6[%dma_wait3A_105, %dma_wait3A_106] : memref<10240x128xf32, #tpu.memory_space<vmem_shared>> -> memref<10240x128xf32, #tpu.memory_space<vmem_shared>>
        tpu.wait_indirect_dma semaphore(%run_scoped3A : memref<!tpu.dma_semaphore, #tpu.memory_space<semaphore_mem>>) src(%arg9 : memref<125x128xf32, #tpu.memory_space<vmem>>) dst(%dma_wait3A_107 : memref<10240x128xf32, #tpu.memory_space<vmem_shared>>)
        tpu.yield
      }) : () -> ()
    }
    %scan3A_55 = arith.constant 80 : i32
    %barrier3A_56 = arith.constant 0 : index
    tpu.barrier barrier_id(%barrier3A_56)
    %mul3A_57 = arith.constant 640 : i32
    %mul3A_58 = arith.muli %arg1, %mul3A_57 : i32
    %add3A_59 = arith.constant 0 : i32
    %add3A_60 = arith.addi %mul3A_58, %add3A_59 : i32
    "tpu.region"() ({
      %run_scoped3A = tpu.sem_alloc : memref<!tpu.dma_semaphore, #tpu.memory_space<semaphore_mem>>
      %dma_start3A = arith.constant 0 : i32
      %dma_start3A_97 = tpu.memref_slice %arg6[%add3A_60, %dma_start3A] : memref<10240x128xf32, #tpu.memory_space<vmem_shared>> -> memref<64x128xf32, #tpu.memory_space<vmem_shared>>
      %dma_start3A_98 = arith.constant 0 : i32
      %dma_start3A_99 = tpu.memref_slice %arg6[%add3A_60, %dma_start3A_98] : memref<10240x128xf32, #tpu.memory_space<vmem_shared>> -> memref<64x128xf32, #tpu.memory_space<vmem_shared>>
      tpu.enqueue_dma source(%dma_start3A_99 : memref<64x128xf32, #tpu.memory_space<vmem_shared>>) target(%arg10 : memref<64x128xf32, #tpu.memory_space<vmem>>) target_semaphore(%run_scoped3A : memref<!tpu.dma_semaphore, #tpu.memory_space<semaphore_mem>>)
      %dma_wait3A = arith.constant 0 : i32
      %dma_wait3A_100 = tpu.memref_slice %arg6[%add3A_60, %dma_wait3A] : memref<10240x128xf32, #tpu.memory_space<vmem_shared>> -> memref<64x128xf32, #tpu.memory_space<vmem_shared>>
      %dma_wait3A_101 = arith.constant 0 : i32
      %dma_wait3A_102 = tpu.memref_slice %arg6[%add3A_60, %dma_wait3A_101] : memref<10240x128xf32, #tpu.memory_space<vmem_shared>> -> memref<64x128xf32, #tpu.memory_space<vmem_shared>>
      tpu.wait_dma2 semaphore(%run_scoped3A : memref<!tpu.dma_semaphore, #tpu.memory_space<semaphore_mem>>) src(%dma_wait3A_102 : memref<64x128xf32, #tpu.memory_space<vmem_shared>>) dst(%arg10 : memref<64x128xf32, #tpu.memory_space<vmem>>)
      tpu.yield
    }) : () -> ()
    "tpu.region"() ({
      %run_scoped3A = tpu.sem_alloc : memref<!tpu.dma_semaphore, #tpu.memory_space<semaphore_mem>>
      %dma_start3A = arith.constant 0 : i32
      %dma_start3A_97 = tpu.memref_slice %arg5[%arg0, %add3A_60, %dma_start3A] : memref<2x10240x128xf32, #tpu.memory_space<hbm>> -> memref<1x64x128xf32, #tpu.memory_space<hbm>>
      %dma_start3A_98 = tpu.memref_squeeze %dma_start3A_97 : memref<1x64x128xf32, #tpu.memory_space<hbm>> -> memref<64x128xf32, #tpu.memory_space<hbm>>
      %dma_start3A_99 = arith.constant 0 : i32
      %dma_start3A_100 = tpu.memref_slice %arg5[%arg0, %add3A_60, %dma_start3A_99] : memref<2x10240x128xf32, #tpu.memory_space<hbm>> -> memref<1x64x128xf32, #tpu.memory_space<hbm>>
      %dma_start3A_101 = tpu.memref_squeeze %dma_start3A_100 : memref<1x64x128xf32, #tpu.memory_space<hbm>> -> memref<64x128xf32, #tpu.memory_space<hbm>>
      tpu.enqueue_dma source(%arg10 : memref<64x128xf32, #tpu.memory_space<vmem>>) target(%dma_start3A_101 : memref<64x128xf32, #tpu.memory_space<hbm>>) target_semaphore(%run_scoped3A : memref<!tpu.dma_semaphore, #tpu.memory_space<semaphore_mem>>)
      %dma_wait3A = arith.constant 0 : i32
      %dma_wait3A_102 = tpu.memref_slice %arg5[%arg0, %add3A_60, %dma_wait3A] : memref<2x10240x128xf32, #tpu.memory_space<hbm>> -> memref<1x64x128xf32, #tpu.memory_space<hbm>>
      %dma_wait3A_103 = tpu.memref_squeeze %dma_wait3A_102 : memref<1x64x128xf32, #tpu.memory_space<hbm>> -> memref<64x128xf32, #tpu.memory_space<hbm>>
      %dma_wait3A_104 = arith.constant 0 : i32
      %dma_wait3A_105 = tpu.memref_slice %arg5[%arg0, %add3A_60, %dma_wait3A_104] : memref<2x10240x128xf32, #tpu.memory_space<hbm>> -> memref<1x64x128xf32, #tpu.memory_space<hbm>>
      %dma_wait3A_106 = tpu.memref_squeeze %dma_wait3A_105 : memref<1x64x128xf32, #tpu.memory_space<hbm>> -> memref<64x128xf32, #tpu.memory_space<hbm>>
      tpu.wait_dma2 semaphore(%run_scoped3A : memref<!tpu.dma_semaphore, #tpu.memory_space<semaphore_mem>>) src(%arg10 : memref<64x128xf32, #tpu.memory_space<vmem>>) dst(%dma_wait3A_106 : memref<64x128xf32, #tpu.memory_space<hbm>>)
      tpu.yield
    }) : () -> ()
    %mul3A_61 = arith.constant 640 : i32
    %mul3A_62 = arith.muli %arg1, %mul3A_61 : i32
    %add3A_63 = arith.constant 64 : i32
    %add3A_64 = arith.addi %mul3A_62, %add3A_63 : i32
    "tpu.region"() ({
      %run_scoped3A = tpu.sem_alloc : memref<!tpu.dma_semaphore, #tpu.memory_space<semaphore_mem>>
      %dma_start3A = arith.constant 0 : i32
      %dma_start3A_97 = tpu.memref_slice %arg6[%add3A_64, %dma_start3A] : memref<10240x128xf32, #tpu.memory_space<vmem_shared>> -> memref<64x128xf32, #tpu.memory_space<vmem_shared>>
      %dma_start3A_98 = arith.constant 0 : i32
      %dma_start3A_99 = tpu.memref_slice %arg6[%add3A_64, %dma_start3A_98] : memref<10240x128xf32, #tpu.memory_space<vmem_shared>> -> memref<64x128xf32, #tpu.memory_space<vmem_shared>>
      tpu.enqueue_dma source(%dma_start3A_99 : memref<64x128xf32, #tpu.memory_space<vmem_shared>>) target(%arg10 : memref<64x128xf32, #tpu.memory_space<vmem>>) target_semaphore(%run_scoped3A : memref<!tpu.dma_semaphore, #tpu.memory_space<semaphore_mem>>)
      %dma_wait3A = arith.constant 0 : i32
      %dma_wait3A_100 = tpu.memref_slice %arg6[%add3A_64, %dma_wait3A] : memref<10240x128xf32, #tpu.memory_space<vmem_shared>> -> memref<64x128xf32, #tpu.memory_space<vmem_shared>>
      %dma_wait3A_101 = arith.constant 0 : i32
      %dma_wait3A_102 = tpu.memref_slice %arg6[%add3A_64, %dma_wait3A_101] : memref<10240x128xf32, #tpu.memory_space<vmem_shared>> -> memref<64x128xf32, #tpu.memory_space<vmem_shared>>
      tpu.wait_dma2 semaphore(%run_scoped3A : memref<!tpu.dma_semaphore, #tpu.memory_space<semaphore_mem>>) src(%dma_wait3A_102 : memref<64x128xf32, #tpu.memory_space<vmem_shared>>) dst(%arg10 : memref<64x128xf32, #tpu.memory_space<vmem>>)
      tpu.yield
    }) : () -> ()
    "tpu.region"() ({
      %run_scoped3A = tpu.sem_alloc : memref<!tpu.dma_semaphore, #tpu.memory_space<semaphore_mem>>
      %dma_start3A = arith.constant 0 : i32
      %dma_start3A_97 = tpu.memref_slice %arg5[%arg0, %add3A_64, %dma_start3A] : memref<2x10240x128xf32, #tpu.memory_space<hbm>> -> memref<1x64x128xf32, #tpu.memory_space<hbm>>
      %dma_start3A_98 = tpu.memref_squeeze %dma_start3A_97 : memref<1x64x128xf32, #tpu.memory_space<hbm>> -> memref<64x128xf32, #tpu.memory_space<hbm>>
      %dma_start3A_99 = arith.constant 0 : i32
      %dma_start3A_100 = tpu.memref_slice %arg5[%arg0, %add3A_64, %dma_start3A_99] : memref<2x10240x128xf32, #tpu.memory_space<hbm>> -> memref<1x64x128xf32, #tpu.memory_space<hbm>>
      %dma_start3A_101 = tpu.memref_squeeze %dma_start3A_100 : memref<1x64x128xf32, #tpu.memory_space<hbm>> -> memref<64x128xf32, #tpu.memory_space<hbm>>
      tpu.enqueue_dma source(%arg10 : memref<64x128xf32, #tpu.memory_space<vmem>>) target(%dma_start3A_101 : memref<64x128xf32, #tpu.memory_space<hbm>>) target_semaphore(%run_scoped3A : memref<!tpu.dma_semaphore, #tpu.memory_space<semaphore_mem>>)
      %dma_wait3A = arith.constant 0 : i32
      %dma_wait3A_102 = tpu.memref_slice %arg5[%arg0, %add3A_64, %dma_wait3A] : memref<2x10240x128xf32, #tpu.memory_space<hbm>> -> memref<1x64x128xf32, #tpu.memory_space<hbm>>
      %dma_wait3A_103 = tpu.memref_squeeze %dma_wait3A_102 : memref<1x64x128xf32, #tpu.memory_space<hbm>> -> memref<64x128xf32, #tpu.memory_space<hbm>>
      %dma_wait3A_104 = arith.constant 0 : i32
      %dma_wait3A_105 = tpu.memref_slice %arg5[%arg0, %add3A_64, %dma_wait3A_104] : memref<2x10240x128xf32, #tpu.memory_space<hbm>> -> memref<1x64x128xf32, #tpu.memory_space<hbm>>
      %dma_wait3A_106 = tpu.memref_squeeze %dma_wait3A_105 : memref<1x64x128xf32, #tpu.memory_space<hbm>> -> memref<64x128xf32, #tpu.memory_space<hbm>>
      tpu.wait_dma2 semaphore(%run_scoped3A : memref<!tpu.dma_semaphore, #tpu.memory_space<semaphore_mem>>) src(%arg10 : memref<64x128xf32, #tpu.memory_space<vmem>>) dst(%dma_wait3A_106 : memref<64x128xf32, #tpu.memory_space<hbm>>)
      tpu.yield
    }) : () -> ()
    %mul3A_65 = arith.constant 640 : i32
    %mul3A_66 = arith.muli %arg1, %mul3A_65 : i32
    %add3A_67 = arith.constant 128 : i32
    %add3A_68 = arith.addi %mul3A_66, %add3A_67 : i32
    "tpu.region"() ({
      %run_scoped3A = tpu.sem_alloc : memref<!tpu.dma_semaphore, #tpu.memory_space<semaphore_mem>>
      %dma_start3A = arith.constant 0 : i32
      %dma_start3A_97 = tpu.memref_slice %arg6[%add3A_68, %dma_start3A] : memref<10240x128xf32, #tpu.memory_space<vmem_shared>> -> memref<64x128xf32, #tpu.memory_space<vmem_shared>>
      %dma_start3A_98 = arith.constant 0 : i32
      %dma_start3A_99 = tpu.memref_slice %arg6[%add3A_68, %dma_start3A_98] : memref<10240x128xf32, #tpu.memory_space<vmem_shared>> -> memref<64x128xf32, #tpu.memory_space<vmem_shared>>
      tpu.enqueue_dma source(%dma_start3A_99 : memref<64x128xf32, #tpu.memory_space<vmem_shared>>) target(%arg10 : memref<64x128xf32, #tpu.memory_space<vmem>>) target_semaphore(%run_scoped3A : memref<!tpu.dma_semaphore, #tpu.memory_space<semaphore_mem>>)
      %dma_wait3A = arith.constant 0 : i32
      %dma_wait3A_100 = tpu.memref_slice %arg6[%add3A_68, %dma_wait3A] : memref<10240x128xf32, #tpu.memory_space<vmem_shared>> -> memref<64x128xf32, #tpu.memory_space<vmem_shared>>
      %dma_wait3A_101 = arith.constant 0 : i32
      %dma_wait3A_102 = tpu.memref_slice %arg6[%add3A_68, %dma_wait3A_101] : memref<10240x128xf32, #tpu.memory_space<vmem_shared>> -> memref<64x128xf32, #tpu.memory_space<vmem_shared>>
      tpu.wait_dma2 semaphore(%run_scoped3A : memref<!tpu.dma_semaphore, #tpu.memory_space<semaphore_mem>>) src(%dma_wait3A_102 : memref<64x128xf32, #tpu.memory_space<vmem_shared>>) dst(%arg10 : memref<64x128xf32, #tpu.memory_space<vmem>>)
      tpu.yield
    }) : () -> ()
    "tpu.region"() ({
      %run_scoped3A = tpu.sem_alloc : memref<!tpu.dma_semaphore, #tpu.memory_space<semaphore_mem>>
      %dma_start3A = arith.constant 0 : i32
      %dma_start3A_97 = tpu.memref_slice %arg5[%arg0, %add3A_68, %dma_start3A] : memref<2x10240x128xf32, #tpu.memory_space<hbm>> -> memref<1x64x128xf32, #tpu.memory_space<hbm>>
      %dma_start3A_98 = tpu.memref_squeeze %dma_start3A_97 : memref<1x64x128xf32, #tpu.memory_space<hbm>> -> memref<64x128xf32, #tpu.memory_space<hbm>>
      %dma_start3A_99 = arith.constant 0 : i32
      %dma_start3A_100 = tpu.memref_slice %arg5[%arg0, %add3A_68, %dma_start3A_99] : memref<2x10240x128xf32, #tpu.memory_space<hbm>> -> memref<1x64x128xf32, #tpu.memory_space<hbm>>
      %dma_start3A_101 = tpu.memref_squeeze %dma_start3A_100 : memref<1x64x128xf32, #tpu.memory_space<hbm>> -> memref<64x128xf32, #tpu.memory_space<hbm>>
      tpu.enqueue_dma source(%arg10 : memref<64x128xf32, #tpu.memory_space<vmem>>) target(%dma_start3A_101 : memref<64x128xf32, #tpu.memory_space<hbm>>) target_semaphore(%run_scoped3A : memref<!tpu.dma_semaphore, #tpu.memory_space<semaphore_mem>>)
      %dma_wait3A = arith.constant 0 : i32
      %dma_wait3A_102 = tpu.memref_slice %arg5[%arg0, %add3A_68, %dma_wait3A] : memref<2x10240x128xf32, #tpu.memory_space<hbm>> -> memref<1x64x128xf32, #tpu.memory_space<hbm>>
      %dma_wait3A_103 = tpu.memref_squeeze %dma_wait3A_102 : memref<1x64x128xf32, #tpu.memory_space<hbm>> -> memref<64x128xf32, #tpu.memory_space<hbm>>
      %dma_wait3A_104 = arith.constant 0 : i32
      %dma_wait3A_105 = tpu.memref_slice %arg5[%arg0, %add3A_68, %dma_wait3A_104] : memref<2x10240x128xf32, #tpu.memory_space<hbm>> -> memref<1x64x128xf32, #tpu.memory_space<hbm>>
      %dma_wait3A_106 = tpu.memref_squeeze %dma_wait3A_105 : memref<1x64x128xf32, #tpu.memory_space<hbm>> -> memref<64x128xf32, #tpu.memory_space<hbm>>
      tpu.wait_dma2 semaphore(%run_scoped3A : memref<!tpu.dma_semaphore, #tpu.memory_space<semaphore_mem>>) src(%arg10 : memref<64x128xf32, #tpu.memory_space<vmem>>) dst(%dma_wait3A_106 : memref<64x128xf32, #tpu.memory_space<hbm>>)
      tpu.yield
    }) : () -> ()
    %mul3A_69 = arith.constant 640 : i32
    %mul3A_70 = arith.muli %arg1, %mul3A_69 : i32
    %add3A_71 = arith.constant 192 : i32
    %add3A_72 = arith.addi %mul3A_70, %add3A_71 : i32
    "tpu.region"() ({
      %run_scoped3A = tpu.sem_alloc : memref<!tpu.dma_semaphore, #tpu.memory_space<semaphore_mem>>
      %dma_start3A = arith.constant 0 : i32
      %dma_start3A_97 = tpu.memref_slice %arg6[%add3A_72, %dma_start3A] : memref<10240x128xf32, #tpu.memory_space<vmem_shared>> -> memref<64x128xf32, #tpu.memory_space<vmem_shared>>
      %dma_start3A_98 = arith.constant 0 : i32
      %dma_start3A_99 = tpu.memref_slice %arg6[%add3A_72, %dma_start3A_98] : memref<10240x128xf32, #tpu.memory_space<vmem_shared>> -> memref<64x128xf32, #tpu.memory_space<vmem_shared>>
      tpu.enqueue_dma source(%dma_start3A_99 : memref<64x128xf32, #tpu.memory_space<vmem_shared>>) target(%arg10 : memref<64x128xf32, #tpu.memory_space<vmem>>) target_semaphore(%run_scoped3A : memref<!tpu.dma_semaphore, #tpu.memory_space<semaphore_mem>>)
      %dma_wait3A = arith.constant 0 : i32
      %dma_wait3A_100 = tpu.memref_slice %arg6[%add3A_72, %dma_wait3A] : memref<10240x128xf32, #tpu.memory_space<vmem_shared>> -> memref<64x128xf32, #tpu.memory_space<vmem_shared>>
      %dma_wait3A_101 = arith.constant 0 : i32
      %dma_wait3A_102 = tpu.memref_slice %arg6[%add3A_72, %dma_wait3A_101] : memref<10240x128xf32, #tpu.memory_space<vmem_shared>> -> memref<64x128xf32, #tpu.memory_space<vmem_shared>>
      tpu.wait_dma2 semaphore(%run_scoped3A : memref<!tpu.dma_semaphore, #tpu.memory_space<semaphore_mem>>) src(%dma_wait3A_102 : memref<64x128xf32, #tpu.memory_space<vmem_shared>>) dst(%arg10 : memref<64x128xf32, #tpu.memory_space<vmem>>)
      tpu.yield
    }) : () -> ()
    "tpu.region"() ({
      %run_scoped3A = tpu.sem_alloc : memref<!tpu.dma_semaphore, #tpu.memory_space<semaphore_mem>>
      %dma_start3A = arith.constant 0 : i32
      %dma_start3A_97 = tpu.memref_slice %arg5[%arg0, %add3A_72, %dma_start3A] : memref<2x10240x128xf32, #tpu.memory_space<hbm>> -> memref<1x64x128xf32, #tpu.memory_space<hbm>>
      %dma_start3A_98 = tpu.memref_squeeze %dma_start3A_97 : memref<1x64x128xf32, #tpu.memory_space<hbm>> -> memref<64x128xf32, #tpu.memory_space<hbm>>
      %dma_start3A_99 = arith.constant 0 : i32
      %dma_start3A_100 = tpu.memref_slice %arg5[%arg0, %add3A_72, %dma_start3A_99] : memref<2x10240x128xf32, #tpu.memory_space<hbm>> -> memref<1x64x128xf32, #tpu.memory_space<hbm>>
      %dma_start3A_101 = tpu.memref_squeeze %dma_start3A_100 : memref<1x64x128xf32, #tpu.memory_space<hbm>> -> memref<64x128xf32, #tpu.memory_space<hbm>>
      tpu.enqueue_dma source(%arg10 : memref<64x128xf32, #tpu.memory_space<vmem>>) target(%dma_start3A_101 : memref<64x128xf32, #tpu.memory_space<hbm>>) target_semaphore(%run_scoped3A : memref<!tpu.dma_semaphore, #tpu.memory_space<semaphore_mem>>)
      %dma_wait3A = arith.constant 0 : i32
      %dma_wait3A_102 = tpu.memref_slice %arg5[%arg0, %add3A_72, %dma_wait3A] : memref<2x10240x128xf32, #tpu.memory_space<hbm>> -> memref<1x64x128xf32, #tpu.memory_space<hbm>>
      %dma_wait3A_103 = tpu.memref_squeeze %dma_wait3A_102 : memref<1x64x128xf32, #tpu.memory_space<hbm>> -> memref<64x128xf32, #tpu.memory_space<hbm>>
      %dma_wait3A_104 = arith.constant 0 : i32
      %dma_wait3A_105 = tpu.memref_slice %arg5[%arg0, %add3A_72, %dma_wait3A_104] : memref<2x10240x128xf32, #tpu.memory_space<hbm>> -> memref<1x64x128xf32, #tpu.memory_space<hbm>>
      %dma_wait3A_106 = tpu.memref_squeeze %dma_wait3A_105 : memref<1x64x128xf32, #tpu.memory_space<hbm>> -> memref<64x128xf32, #tpu.memory_space<hbm>>
      tpu.wait_dma2 semaphore(%run_scoped3A : memref<!tpu.dma_semaphore, #tpu.memory_space<semaphore_mem>>) src(%arg10 : memref<64x128xf32, #tpu.memory_space<vmem>>) dst(%dma_wait3A_106 : memref<64x128xf32, #tpu.memory_space<hbm>>)
      tpu.yield
    }) : () -> ()
    %mul3A_73 = arith.constant 640 : i32
    %mul3A_74 = arith.muli %arg1, %mul3A_73 : i32
    %add3A_75 = arith.constant 256 : i32
    %add3A_76 = arith.addi %mul3A_74, %add3A_75 : i32
    "tpu.region"() ({
      %run_scoped3A = tpu.sem_alloc : memref<!tpu.dma_semaphore, #tpu.memory_space<semaphore_mem>>
      %dma_start3A = arith.constant 0 : i32
      %dma_start3A_97 = tpu.memref_slice %arg6[%add3A_76, %dma_start3A] : memref<10240x128xf32, #tpu.memory_space<vmem_shared>> -> memref<64x128xf32, #tpu.memory_space<vmem_shared>>
      %dma_start3A_98 = arith.constant 0 : i32
      %dma_start3A_99 = tpu.memref_slice %arg6[%add3A_76, %dma_start3A_98] : memref<10240x128xf32, #tpu.memory_space<vmem_shared>> -> memref<64x128xf32, #tpu.memory_space<vmem_shared>>
      tpu.enqueue_dma source(%dma_start3A_99 : memref<64x128xf32, #tpu.memory_space<vmem_shared>>) target(%arg10 : memref<64x128xf32, #tpu.memory_space<vmem>>) target_semaphore(%run_scoped3A : memref<!tpu.dma_semaphore, #tpu.memory_space<semaphore_mem>>)
      %dma_wait3A = arith.constant 0 : i32
      %dma_wait3A_100 = tpu.memref_slice %arg6[%add3A_76, %dma_wait3A] : memref<10240x128xf32, #tpu.memory_space<vmem_shared>> -> memref<64x128xf32, #tpu.memory_space<vmem_shared>>
      %dma_wait3A_101 = arith.constant 0 : i32
      %dma_wait3A_102 = tpu.memref_slice %arg6[%add3A_76, %dma_wait3A_101] : memref<10240x128xf32, #tpu.memory_space<vmem_shared>> -> memref<64x128xf32, #tpu.memory_space<vmem_shared>>
      tpu.wait_dma2 semaphore(%run_scoped3A : memref<!tpu.dma_semaphore, #tpu.memory_space<semaphore_mem>>) src(%dma_wait3A_102 : memref<64x128xf32, #tpu.memory_space<vmem_shared>>) dst(%arg10 : memref<64x128xf32, #tpu.memory_space<vmem>>)
      tpu.yield
    }) : () -> ()
    "tpu.region"() ({
      %run_scoped3A = tpu.sem_alloc : memref<!tpu.dma_semaphore, #tpu.memory_space<semaphore_mem>>
      %dma_start3A = arith.constant 0 : i32
      %dma_start3A_97 = tpu.memref_slice %arg5[%arg0, %add3A_76, %dma_start3A] : memref<2x10240x128xf32, #tpu.memory_space<hbm>> -> memref<1x64x128xf32, #tpu.memory_space<hbm>>
      %dma_start3A_98 = tpu.memref_squeeze %dma_start3A_97 : memref<1x64x128xf32, #tpu.memory_space<hbm>> -> memref<64x128xf32, #tpu.memory_space<hbm>>
      %dma_start3A_99 = arith.constant 0 : i32
      %dma_start3A_100 = tpu.memref_slice %arg5[%arg0, %add3A_76, %dma_start3A_99] : memref<2x10240x128xf32, #tpu.memory_space<hbm>> -> memref<1x64x128xf32, #tpu.memory_space<hbm>>
      %dma_start3A_101 = tpu.memref_squeeze %dma_start3A_100 : memref<1x64x128xf32, #tpu.memory_space<hbm>> -> memref<64x128xf32, #tpu.memory_space<hbm>>
      tpu.enqueue_dma source(%arg10 : memref<64x128xf32, #tpu.memory_space<vmem>>) target(%dma_start3A_101 : memref<64x128xf32, #tpu.memory_space<hbm>>) target_semaphore(%run_scoped3A : memref<!tpu.dma_semaphore, #tpu.memory_space<semaphore_mem>>)
      %dma_wait3A = arith.constant 0 : i32
      %dma_wait3A_102 = tpu.memref_slice %arg5[%arg0, %add3A_76, %dma_wait3A] : memref<2x10240x128xf32, #tpu.memory_space<hbm>> -> memref<1x64x128xf32, #tpu.memory_space<hbm>>
      %dma_wait3A_103 = tpu.memref_squeeze %dma_wait3A_102 : memref<1x64x128xf32, #tpu.memory_space<hbm>> -> memref<64x128xf32, #tpu.memory_space<hbm>>
      %dma_wait3A_104 = arith.constant 0 : i32
      %dma_wait3A_105 = tpu.memref_slice %arg5[%arg0, %add3A_76, %dma_wait3A_104] : memref<2x10240x128xf32, #tpu.memory_space<hbm>> -> memref<1x64x128xf32, #tpu.memory_space<hbm>>
      %dma_wait3A_106 = tpu.memref_squeeze %dma_wait3A_105 : memref<1x64x128xf32, #tpu.memory_space<hbm>> -> memref<64x128xf32, #tpu.memory_space<hbm>>
      tpu.wait_dma2 semaphore(%run_scoped3A : memref<!tpu.dma_semaphore, #tpu.memory_space<semaphore_mem>>) src(%arg10 : memref<64x128xf32, #tpu.memory_space<vmem>>) dst(%dma_wait3A_106 : memref<64x128xf32, #tpu.memory_space<hbm>>)
      tpu.yield
    }) : () -> ()
    %mul3A_77 = arith.constant 640 : i32
    %mul3A_78 = arith.muli %arg1, %mul3A_77 : i32
    %add3A_79 = arith.constant 320 : i32
    %add3A_80 = arith.addi %mul3A_78, %add3A_79 : i32
    "tpu.region"() ({
      %run_scoped3A = tpu.sem_alloc : memref<!tpu.dma_semaphore, #tpu.memory_space<semaphore_mem>>
      %dma_start3A = arith.constant 0 : i32
      %dma_start3A_97 = tpu.memref_slice %arg6[%add3A_80, %dma_start3A] : memref<10240x128xf32, #tpu.memory_space<vmem_shared>> -> memref<64x128xf32, #tpu.memory_space<vmem_shared>>
      %dma_start3A_98 = arith.constant 0 : i32
      %dma_start3A_99 = tpu.memref_slice %arg6[%add3A_80, %dma_start3A_98] : memref<10240x128xf32, #tpu.memory_space<vmem_shared>> -> memref<64x128xf32, #tpu.memory_space<vmem_shared>>
      tpu.enqueue_dma source(%dma_start3A_99 : memref<64x128xf32, #tpu.memory_space<vmem_shared>>) target(%arg10 : memref<64x128xf32, #tpu.memory_space<vmem>>) target_semaphore(%run_scoped3A : memref<!tpu.dma_semaphore, #tpu.memory_space<semaphore_mem>>)
      %dma_wait3A = arith.constant 0 : i32
      %dma_wait3A_100 = tpu.memref_slice %arg6[%add3A_80, %dma_wait3A] : memref<10240x128xf32, #tpu.memory_space<vmem_shared>> -> memref<64x128xf32, #tpu.memory_space<vmem_shared>>
      %dma_wait3A_101 = arith.constant 0 : i32
      %dma_wait3A_102 = tpu.memref_slice %arg6[%add3A_80, %dma_wait3A_101] : memref<10240x128xf32, #tpu.memory_space<vmem_shared>> -> memref<64x128xf32, #tpu.memory_space<vmem_shared>>
      tpu.wait_dma2 semaphore(%run_scoped3A : memref<!tpu.dma_semaphore, #tpu.memory_space<semaphore_mem>>) src(%dma_wait3A_102 : memref<64x128xf32, #tpu.memory_space<vmem_shared>>) dst(%arg10 : memref<64x128xf32, #tpu.memory_space<vmem>>)
      tpu.yield
    }) : () -> ()
    "tpu.region"() ({
      %run_scoped3A = tpu.sem_alloc : memref<!tpu.dma_semaphore, #tpu.memory_space<semaphore_mem>>
      %dma_start3A = arith.constant 0 : i32
      %dma_start3A_97 = tpu.memref_slice %arg5[%arg0, %add3A_80, %dma_start3A] : memref<2x10240x128xf32, #tpu.memory_space<hbm>> -> memref<1x64x128xf32, #tpu.memory_space<hbm>>
      %dma_start3A_98 = tpu.memref_squeeze %dma_start3A_97 : memref<1x64x128xf32, #tpu.memory_space<hbm>> -> memref<64x128xf32, #tpu.memory_space<hbm>>
      %dma_start3A_99 = arith.constant 0 : i32
      %dma_start3A_100 = tpu.memref_slice %arg5[%arg0, %add3A_80, %dma_start3A_99] : memref<2x10240x128xf32, #tpu.memory_space<hbm>> -> memref<1x64x128xf32, #tpu.memory_space<hbm>>
      %dma_start3A_101 = tpu.memref_squeeze %dma_start3A_100 : memref<1x64x128xf32, #tpu.memory_space<hbm>> -> memref<64x128xf32, #tpu.memory_space<hbm>>
      tpu.enqueue_dma source(%arg10 : memref<64x128xf32, #tpu.memory_space<vmem>>) target(%dma_start3A_101 : memref<64x128xf32, #tpu.memory_space<hbm>>) target_semaphore(%run_scoped3A : memref<!tpu.dma_semaphore, #tpu.memory_space<semaphore_mem>>)
      %dma_wait3A = arith.constant 0 : i32
      %dma_wait3A_102 = tpu.memref_slice %arg5[%arg0, %add3A_80, %dma_wait3A] : memref<2x10240x128xf32, #tpu.memory_space<hbm>> -> memref<1x64x128xf32, #tpu.memory_space<hbm>>
      %dma_wait3A_103 = tpu.memref_squeeze %dma_wait3A_102 : memref<1x64x128xf32, #tpu.memory_space<hbm>> -> memref<64x128xf32, #tpu.memory_space<hbm>>
      %dma_wait3A_104 = arith.constant 0 : i32
      %dma_wait3A_105 = tpu.memref_slice %arg5[%arg0, %add3A_80, %dma_wait3A_104] : memref<2x10240x128xf32, #tpu.memory_space<hbm>> -> memref<1x64x128xf32, #tpu.memory_space<hbm>>
      %dma_wait3A_106 = tpu.memref_squeeze %dma_wait3A_105 : memref<1x64x128xf32, #tpu.memory_space<hbm>> -> memref<64x128xf32, #tpu.memory_space<hbm>>
      tpu.wait_dma2 semaphore(%run_scoped3A : memref<!tpu.dma_semaphore, #tpu.memory_space<semaphore_mem>>) src(%arg10 : memref<64x128xf32, #tpu.memory_space<vmem>>) dst(%dma_wait3A_106 : memref<64x128xf32, #tpu.memory_space<hbm>>)
      tpu.yield
    }) : () -> ()
    %mul3A_81 = arith.constant 640 : i32
    %mul3A_82 = arith.muli %arg1, %mul3A_81 : i32
    %add3A_83 = arith.constant 384 : i32
    %add3A_84 = arith.addi %mul3A_82, %add3A_83 : i32
    "tpu.region"() ({
      %run_scoped3A = tpu.sem_alloc : memref<!tpu.dma_semaphore, #tpu.memory_space<semaphore_mem>>
      %dma_start3A = arith.constant 0 : i32
      %dma_start3A_97 = tpu.memref_slice %arg6[%add3A_84, %dma_start3A] : memref<10240x128xf32, #tpu.memory_space<vmem_shared>> -> memref<64x128xf32, #tpu.memory_space<vmem_shared>>
      %dma_start3A_98 = arith.constant 0 : i32
      %dma_start3A_99 = tpu.memref_slice %arg6[%add3A_84, %dma_start3A_98] : memref<10240x128xf32, #tpu.memory_space<vmem_shared>> -> memref<64x128xf32, #tpu.memory_space<vmem_shared>>
      tpu.enqueue_dma source(%dma_start3A_99 : memref<64x128xf32, #tpu.memory_space<vmem_shared>>) target(%arg10 : memref<64x128xf32, #tpu.memory_space<vmem>>) target_semaphore(%run_scoped3A : memref<!tpu.dma_semaphore, #tpu.memory_space<semaphore_mem>>)
      %dma_wait3A = arith.constant 0 : i32
      %dma_wait3A_100 = tpu.memref_slice %arg6[%add3A_84, %dma_wait3A] : memref<10240x128xf32, #tpu.memory_space<vmem_shared>> -> memref<64x128xf32, #tpu.memory_space<vmem_shared>>
      %dma_wait3A_101 = arith.constant 0 : i32
      %dma_wait3A_102 = tpu.memref_slice %arg6[%add3A_84, %dma_wait3A_101] : memref<10240x128xf32, #tpu.memory_space<vmem_shared>> -> memref<64x128xf32, #tpu.memory_space<vmem_shared>>
      tpu.wait_dma2 semaphore(%run_scoped3A : memref<!tpu.dma_semaphore, #tpu.memory_space<semaphore_mem>>) src(%dma_wait3A_102 : memref<64x128xf32, #tpu.memory_space<vmem_shared>>) dst(%arg10 : memref<64x128xf32, #tpu.memory_space<vmem>>)
      tpu.yield
    }) : () -> ()
    "tpu.region"() ({
      %run_scoped3A = tpu.sem_alloc : memref<!tpu.dma_semaphore, #tpu.memory_space<semaphore_mem>>
      %dma_start3A = arith.constant 0 : i32
      %dma_start3A_97 = tpu.memref_slice %arg5[%arg0, %add3A_84, %dma_start3A] : memref<2x10240x128xf32, #tpu.memory_space<hbm>> -> memref<1x64x128xf32, #tpu.memory_space<hbm>>
      %dma_start3A_98 = tpu.memref_squeeze %dma_start3A_97 : memref<1x64x128xf32, #tpu.memory_space<hbm>> -> memref<64x128xf32, #tpu.memory_space<hbm>>
      %dma_start3A_99 = arith.constant 0 : i32
      %dma_start3A_100 = tpu.memref_slice %arg5[%arg0, %add3A_84, %dma_start3A_99] : memref<2x10240x128xf32, #tpu.memory_space<hbm>> -> memref<1x64x128xf32, #tpu.memory_space<hbm>>
      %dma_start3A_101 = tpu.memref_squeeze %dma_start3A_100 : memref<1x64x128xf32, #tpu.memory_space<hbm>> -> memref<64x128xf32, #tpu.memory_space<hbm>>
      tpu.enqueue_dma source(%arg10 : memref<64x128xf32, #tpu.memory_space<vmem>>) target(%dma_start3A_101 : memref<64x128xf32, #tpu.memory_space<hbm>>) target_semaphore(%run_scoped3A : memref<!tpu.dma_semaphore, #tpu.memory_space<semaphore_mem>>)
      %dma_wait3A = arith.constant 0 : i32
      %dma_wait3A_102 = tpu.memref_slice %arg5[%arg0, %add3A_84, %dma_wait3A] : memref<2x10240x128xf32, #tpu.memory_space<hbm>> -> memref<1x64x128xf32, #tpu.memory_space<hbm>>
      %dma_wait3A_103 = tpu.memref_squeeze %dma_wait3A_102 : memref<1x64x128xf32, #tpu.memory_space<hbm>> -> memref<64x128xf32, #tpu.memory_space<hbm>>
      %dma_wait3A_104 = arith.constant 0 : i32
      %dma_wait3A_105 = tpu.memref_slice %arg5[%arg0, %add3A_84, %dma_wait3A_104] : memref<2x10240x128xf32, #tpu.memory_space<hbm>> -> memref<1x64x128xf32, #tpu.memory_space<hbm>>
      %dma_wait3A_106 = tpu.memref_squeeze %dma_wait3A_105 : memref<1x64x128xf32, #tpu.memory_space<hbm>> -> memref<64x128xf32, #tpu.memory_space<hbm>>
      tpu.wait_dma2 semaphore(%run_scoped3A : memref<!tpu.dma_semaphore, #tpu.memory_space<semaphore_mem>>) src(%arg10 : memref<64x128xf32, #tpu.memory_space<vmem>>) dst(%dma_wait3A_106 : memref<64x128xf32, #tpu.memory_space<hbm>>)
      tpu.yield
    }) : () -> ()
    %mul3A_85 = arith.constant 640 : i32
    %mul3A_86 = arith.muli %arg1, %mul3A_85 : i32
    %add3A_87 = arith.constant 448 : i32
    %add3A_88 = arith.addi %mul3A_86, %add3A_87 : i32
    "tpu.region"() ({
      %run_scoped3A = tpu.sem_alloc : memref<!tpu.dma_semaphore, #tpu.memory_space<semaphore_mem>>
      %dma_start3A = arith.constant 0 : i32
      %dma_start3A_97 = tpu.memref_slice %arg6[%add3A_88, %dma_start3A] : memref<10240x128xf32, #tpu.memory_space<vmem_shared>> -> memref<64x128xf32, #tpu.memory_space<vmem_shared>>
      %dma_start3A_98 = arith.constant 0 : i32
      %dma_start3A_99 = tpu.memref_slice %arg6[%add3A_88, %dma_start3A_98] : memref<10240x128xf32, #tpu.memory_space<vmem_shared>> -> memref<64x128xf32, #tpu.memory_space<vmem_shared>>
      tpu.enqueue_dma source(%dma_start3A_99 : memref<64x128xf32, #tpu.memory_space<vmem_shared>>) target(%arg10 : memref<64x128xf32, #tpu.memory_space<vmem>>) target_semaphore(%run_scoped3A : memref<!tpu.dma_semaphore, #tpu.memory_space<semaphore_mem>>)
      %dma_wait3A = arith.constant 0 : i32
      %dma_wait3A_100 = tpu.memref_slice %arg6[%add3A_88, %dma_wait3A] : memref<10240x128xf32, #tpu.memory_space<vmem_shared>> -> memref<64x128xf32, #tpu.memory_space<vmem_shared>>
      %dma_wait3A_101 = arith.constant 0 : i32
      %dma_wait3A_102 = tpu.memref_slice %arg6[%add3A_88, %dma_wait3A_101] : memref<10240x128xf32, #tpu.memory_space<vmem_shared>> -> memref<64x128xf32, #tpu.memory_space<vmem_shared>>
      tpu.wait_dma2 semaphore(%run_scoped3A : memref<!tpu.dma_semaphore, #tpu.memory_space<semaphore_mem>>) src(%dma_wait3A_102 : memref<64x128xf32, #tpu.memory_space<vmem_shared>>) dst(%arg10 : memref<64x128xf32, #tpu.memory_space<vmem>>)
      tpu.yield
    }) : () -> ()
    "tpu.region"() ({
      %run_scoped3A = tpu.sem_alloc : memref<!tpu.dma_semaphore, #tpu.memory_space<semaphore_mem>>
      %dma_start3A = arith.constant 0 : i32
      %dma_start3A_97 = tpu.memref_slice %arg5[%arg0, %add3A_88, %dma_start3A] : memref<2x10240x128xf32, #tpu.memory_space<hbm>> -> memref<1x64x128xf32, #tpu.memory_space<hbm>>
      %dma_start3A_98 = tpu.memref_squeeze %dma_start3A_97 : memref<1x64x128xf32, #tpu.memory_space<hbm>> -> memref<64x128xf32, #tpu.memory_space<hbm>>
      %dma_start3A_99 = arith.constant 0 : i32
      %dma_start3A_100 = tpu.memref_slice %arg5[%arg0, %add3A_88, %dma_start3A_99] : memref<2x10240x128xf32, #tpu.memory_space<hbm>> -> memref<1x64x128xf32, #tpu.memory_space<hbm>>
      %dma_start3A_101 = tpu.memref_squeeze %dma_start3A_100 : memref<1x64x128xf32, #tpu.memory_space<hbm>> -> memref<64x128xf32, #tpu.memory_space<hbm>>
      tpu.enqueue_dma source(%arg10 : memref<64x128xf32, #tpu.memory_space<vmem>>) target(%dma_start3A_101 : memref<64x128xf32, #tpu.memory_space<hbm>>) target_semaphore(%run_scoped3A : memref<!tpu.dma_semaphore, #tpu.memory_space<semaphore_mem>>)
      %dma_wait3A = arith.constant 0 : i32
      %dma_wait3A_102 = tpu.memref_slice %arg5[%arg0, %add3A_88, %dma_wait3A] : memref<2x10240x128xf32, #tpu.memory_space<hbm>> -> memref<1x64x128xf32, #tpu.memory_space<hbm>>
      %dma_wait3A_103 = tpu.memref_squeeze %dma_wait3A_102 : memref<1x64x128xf32, #tpu.memory_space<hbm>> -> memref<64x128xf32, #tpu.memory_space<hbm>>
      %dma_wait3A_104 = arith.constant 0 : i32
      %dma_wait3A_105 = tpu.memref_slice %arg5[%arg0, %add3A_88, %dma_wait3A_104] : memref<2x10240x128xf32, #tpu.memory_space<hbm>> -> memref<1x64x128xf32, #tpu.memory_space<hbm>>
      %dma_wait3A_106 = tpu.memref_squeeze %dma_wait3A_105 : memref<1x64x128xf32, #tpu.memory_space<hbm>> -> memref<64x128xf32, #tpu.memory_space<hbm>>
      tpu.wait_dma2 semaphore(%run_scoped3A : memref<!tpu.dma_semaphore, #tpu.memory_space<semaphore_mem>>) src(%arg10 : memref<64x128xf32, #tpu.memory_space<vmem>>) dst(%dma_wait3A_106 : memref<64x128xf32, #tpu.memory_space<hbm>>)
      tpu.yield
    }) : () -> ()
    %mul3A_89 = arith.constant 640 : i32
    %mul3A_90 = arith.muli %arg1, %mul3A_89 : i32
    %add3A_91 = arith.constant 512 : i32
    %add3A_92 = arith.addi %mul3A_90, %add3A_91 : i32
    "tpu.region"() ({
      %run_scoped3A = tpu.sem_alloc : memref<!tpu.dma_semaphore, #tpu.memory_space<semaphore_mem>>
      %dma_start3A = arith.constant 0 : i32
      %dma_start3A_97 = tpu.memref_slice %arg6[%add3A_92, %dma_start3A] : memref<10240x128xf32, #tpu.memory_space<vmem_shared>> -> memref<64x128xf32, #tpu.memory_space<vmem_shared>>
      %dma_start3A_98 = arith.constant 0 : i32
      %dma_start3A_99 = tpu.memref_slice %arg6[%add3A_92, %dma_start3A_98] : memref<10240x128xf32, #tpu.memory_space<vmem_shared>> -> memref<64x128xf32, #tpu.memory_space<vmem_shared>>
      tpu.enqueue_dma source(%dma_start3A_99 : memref<64x128xf32, #tpu.memory_space<vmem_shared>>) target(%arg10 : memref<64x128xf32, #tpu.memory_space<vmem>>) target_semaphore(%run_scoped3A : memref<!tpu.dma_semaphore, #tpu.memory_space<semaphore_mem>>)
      %dma_wait3A = arith.constant 0 : i32
      %dma_wait3A_100 = tpu.memref_slice %arg6[%add3A_92, %dma_wait3A] : memref<10240x128xf32, #tpu.memory_space<vmem_shared>> -> memref<64x128xf32, #tpu.memory_space<vmem_shared>>
      %dma_wait3A_101 = arith.constant 0 : i32
      %dma_wait3A_102 = tpu.memref_slice %arg6[%add3A_92, %dma_wait3A_101] : memref<10240x128xf32, #tpu.memory_space<vmem_shared>> -> memref<64x128xf32, #tpu.memory_space<vmem_shared>>
      tpu.wait_dma2 semaphore(%run_scoped3A : memref<!tpu.dma_semaphore, #tpu.memory_space<semaphore_mem>>) src(%dma_wait3A_102 : memref<64x128xf32, #tpu.memory_space<vmem_shared>>) dst(%arg10 : memref<64x128xf32, #tpu.memory_space<vmem>>)
      tpu.yield
    }) : () -> ()
    "tpu.region"() ({
      %run_scoped3A = tpu.sem_alloc : memref<!tpu.dma_semaphore, #tpu.memory_space<semaphore_mem>>
      %dma_start3A = arith.constant 0 : i32
      %dma_start3A_97 = tpu.memref_slice %arg5[%arg0, %add3A_92, %dma_start3A] : memref<2x10240x128xf32, #tpu.memory_space<hbm>> -> memref<1x64x128xf32, #tpu.memory_space<hbm>>
      %dma_start3A_98 = tpu.memref_squeeze %dma_start3A_97 : memref<1x64x128xf32, #tpu.memory_space<hbm>> -> memref<64x128xf32, #tpu.memory_space<hbm>>
      %dma_start3A_99 = arith.constant 0 : i32
      %dma_start3A_100 = tpu.memref_slice %arg5[%arg0, %add3A_92, %dma_start3A_99] : memref<2x10240x128xf32, #tpu.memory_space<hbm>> -> memref<1x64x128xf32, #tpu.memory_space<hbm>>
      %dma_start3A_101 = tpu.memref_squeeze %dma_start3A_100 : memref<1x64x128xf32, #tpu.memory_space<hbm>> -> memref<64x128xf32, #tpu.memory_space<hbm>>
      tpu.enqueue_dma source(%arg10 : memref<64x128xf32, #tpu.memory_space<vmem>>) target(%dma_start3A_101 : memref<64x128xf32, #tpu.memory_space<hbm>>) target_semaphore(%run_scoped3A : memref<!tpu.dma_semaphore, #tpu.memory_space<semaphore_mem>>)
      %dma_wait3A = arith.constant 0 : i32
      %dma_wait3A_102 = tpu.memref_slice %arg5[%arg0, %add3A_92, %dma_wait3A] : memref<2x10240x128xf32, #tpu.memory_space<hbm>> -> memref<1x64x128xf32, #tpu.memory_space<hbm>>
      %dma_wait3A_103 = tpu.memref_squeeze %dma_wait3A_102 : memref<1x64x128xf32, #tpu.memory_space<hbm>> -> memref<64x128xf32, #tpu.memory_space<hbm>>
      %dma_wait3A_104 = arith.constant 0 : i32
      %dma_wait3A_105 = tpu.memref_slice %arg5[%arg0, %add3A_92, %dma_wait3A_104] : memref<2x10240x128xf32, #tpu.memory_space<hbm>> -> memref<1x64x128xf32, #tpu.memory_space<hbm>>
      %dma_wait3A_106 = tpu.memref_squeeze %dma_wait3A_105 : memref<1x64x128xf32, #tpu.memory_space<hbm>> -> memref<64x128xf32, #tpu.memory_space<hbm>>
      tpu.wait_dma2 semaphore(%run_scoped3A : memref<!tpu.dma_semaphore, #tpu.memory_space<semaphore_mem>>) src(%arg10 : memref<64x128xf32, #tpu.memory_space<vmem>>) dst(%dma_wait3A_106 : memref<64x128xf32, #tpu.memory_space<hbm>>)
      tpu.yield
    }) : () -> ()
    %mul3A_93 = arith.constant 640 : i32
    %mul3A_94 = arith.muli %arg1, %mul3A_93 : i32
    %add3A_95 = arith.constant 576 : i32
    %add3A_96 = arith.addi %mul3A_94, %add3A_95 : i32
    "tpu.region"() ({
      %run_scoped3A = tpu.sem_alloc : memref<!tpu.dma_semaphore, #tpu.memory_space<semaphore_mem>>
      %dma_start3A = arith.constant 0 : i32
      %dma_start3A_97 = tpu.memref_slice %arg6[%add3A_96, %dma_start3A] : memref<10240x128xf32, #tpu.memory_space<vmem_shared>> -> memref<64x128xf32, #tpu.memory_space<vmem_shared>>
      %dma_start3A_98 = arith.constant 0 : i32
      %dma_start3A_99 = tpu.memref_slice %arg6[%add3A_96, %dma_start3A_98] : memref<10240x128xf32, #tpu.memory_space<vmem_shared>> -> memref<64x128xf32, #tpu.memory_space<vmem_shared>>
      tpu.enqueue_dma source(%dma_start3A_99 : memref<64x128xf32, #tpu.memory_space<vmem_shared>>) target(%arg10 : memref<64x128xf32, #tpu.memory_space<vmem>>) target_semaphore(%run_scoped3A : memref<!tpu.dma_semaphore, #tpu.memory_space<semaphore_mem>>)
      %dma_wait3A = arith.constant 0 : i32
      %dma_wait3A_100 = tpu.memref_slice %arg6[%add3A_96, %dma_wait3A] : memref<10240x128xf32, #tpu.memory_space<vmem_shared>> -> memref<64x128xf32, #tpu.memory_space<vmem_shared>>
      %dma_wait3A_101 = arith.constant 0 : i32
      %dma_wait3A_102 = tpu.memref_slice %arg6[%add3A_96, %dma_wait3A_101] : memref<10240x128xf32, #tpu.memory_space<vmem_shared>> -> memref<64x128xf32, #tpu.memory_space<vmem_shared>>
      tpu.wait_dma2 semaphore(%run_scoped3A : memref<!tpu.dma_semaphore, #tpu.memory_space<semaphore_mem>>) src(%dma_wait3A_102 : memref<64x128xf32, #tpu.memory_space<vmem_shared>>) dst(%arg10 : memref<64x128xf32, #tpu.memory_space<vmem>>)
      tpu.yield
    }) : () -> ()
    "tpu.region"() ({
      %run_scoped3A = tpu.sem_alloc : memref<!tpu.dma_semaphore, #tpu.memory_space<semaphore_mem>>
      %dma_start3A = arith.constant 0 : i32
      %dma_start3A_97 = tpu.memref_slice %arg5[%arg0, %add3A_96, %dma_start3A] : memref<2x10240x128xf32, #tpu.memory_space<hbm>> -> memref<1x64x128xf32, #tpu.memory_space<hbm>>
      %dma_start3A_98 = tpu.memref_squeeze %dma_start3A_97 : memref<1x64x128xf32, #tpu.memory_space<hbm>> -> memref<64x128xf32, #tpu.memory_space<hbm>>
      %dma_start3A_99 = arith.constant 0 : i32
      %dma_start3A_100 = tpu.memref_slice %arg5[%arg0, %add3A_96, %dma_start3A_99] : memref<2x10240x128xf32, #tpu.memory_space<hbm>> -> memref<1x64x128xf32, #tpu.memory_space<hbm>>
      %dma_start3A_101 = tpu.memref_squeeze %dma_start3A_100 : memref<1x64x128xf32, #tpu.memory_space<hbm>> -> memref<64x128xf32, #tpu.memory_space<hbm>>
      tpu.enqueue_dma source(%arg10 : memref<64x128xf32, #tpu.memory_space<vmem>>) target(%dma_start3A_101 : memref<64x128xf32, #tpu.memory_space<hbm>>) target_semaphore(%run_scoped3A : memref<!tpu.dma_semaphore, #tpu.memory_space<semaphore_mem>>)
      %dma_wait3A = arith.constant 0 : i32
      %dma_wait3A_102 = tpu.memref_slice %arg5[%arg0, %add3A_96, %dma_wait3A] : memref<2x10240x128xf32, #tpu.memory_space<hbm>> -> memref<1x64x128xf32, #tpu.memory_space<hbm>>
      %dma_wait3A_103 = tpu.memref_squeeze %dma_wait3A_102 : memref<1x64x128xf32, #tpu.memory_space<hbm>> -> memref<64x128xf32, #tpu.memory_space<hbm>>
      %dma_wait3A_104 = arith.constant 0 : i32
      %dma_wait3A_105 = tpu.memref_slice %arg5[%arg0, %add3A_96, %dma_wait3A_104] : memref<2x10240x128xf32, #tpu.memory_space<hbm>> -> memref<1x64x128xf32, #tpu.memory_space<hbm>>
      %dma_wait3A_106 = tpu.memref_squeeze %dma_wait3A_105 : memref<1x64x128xf32, #tpu.memory_space<hbm>> -> memref<64x128xf32, #tpu.memory_space<hbm>>
      tpu.wait_dma2 semaphore(%run_scoped3A : memref<!tpu.dma_semaphore, #tpu.memory_space<semaphore_mem>>) src(%arg10 : memref<64x128xf32, #tpu.memory_space<vmem>>) dst(%dma_wait3A_106 : memref<64x128xf32, #tpu.memory_space<hbm>>)
      tpu.yield
    }) : () -> ()
    return
  }
}

#map = affine_map<(d0, d1) -> (0, 0)>
#map1 = affine_map<(d0, d1) -> (0, 0, 0)>
module attributes {stable_mosaic.version = 14 : i64} {
  func.func @_sc_edge_agg(%arg0: i32, %arg1: i32, %arg2: memref<10000x128xf32, #tpu.memory_space<hbm>>, %arg3: memref<2560x125xi32, #tpu.memory_space<hbm>>, %arg4: memref<2560x125xi32, #tpu.memory_space<hbm>>, %arg5: memref<2x10240x128xf32, #tpu.memory_space<hbm>>, %arg6: memref<10240x128xf32, #tpu.memory_space<vmem_shared>>, %arg7: memref<80x125xi32, #tpu.memory_space<vmem>>, %arg8: memref<80x125xi32, #tpu.memory_space<vmem>>, %arg9: memref<125x128xf32, #tpu.memory_space<vmem>>, %arg10: memref<64x128xf32, #tpu.memory_space<vmem>>) attributes {dimension_semantics = [#tpu.dimension_semantics<core_parallel>, #tpu.dimension_semantics<subcore_parallel>], iteration_bounds = array<i64: 2, 16>, scalar_prefetch = 0 : i64, scratch_operands = 5 : i64, tpu.core_type = #tpu.core_type<sc_vector_subcore>, window_params = [{transform_indices = #map}, {transform_indices = #map}, {transform_indices = #map}, {transform_indices = #map1}]} {
    %mul3A = arith.constant 16 : i32
    %mul3A_0 = arith.muli %arg0, %mul3A : i32
    %add3A = arith.addi %mul3A_0, %arg1 : i32
    %scan3A = arith.constant 0 : i32
    %scan3A_1 = arith.constant 0 : i32
    %scan3A_2 = arith.constant 64 : i32
    %scan3A_3 = arith.addi %scan3A_1, %scan3A_2 : i32
    %scan3A_4 = arith.constant 1 : i32
    scf.for %scan3A_97 = %scan3A_1 to %scan3A_3 step %scan3A_4  : i32 {
      %broadcast_in_dim3A = arith.constant 0.000000e+00 : f32
      %broadcast_in_dim3A_98 = vector.broadcast %broadcast_in_dim3A : f32 to vector<16xf32>
      %swap3A = arith.index_cast %scan3A_97 : i32 to index
      %swap3A_99 = arith.constant 0 : index
      %swap3A_100 = tpu.vector_load %arg10[%swap3A, %swap3A_99] {strides = array<i32>} : memref<64x128xf32, #tpu.memory_space<vmem>>, vector<1x16xf32>,
      %swap3A_101 = vector.shape_cast %swap3A_100 : vector<1x16xf32> to vector<16xf32>
      %swap3A_102 = vector.shape_cast %broadcast_in_dim3A_98 : vector<16xf32> to vector<1x16xf32>
      tpu.vector_store %arg10[%swap3A, %swap3A_99], %swap3A_102 {strides = array<i32>} : memref<64x128xf32, #tpu.memory_space<vmem>>, vector<1x16xf32>,
      %broadcast_in_dim3A_103 = arith.constant 0.000000e+00 : f32
      %broadcast_in_dim3A_104 = vector.broadcast %broadcast_in_dim3A_103 : f32 to vector<16xf32>
      %swap3A_105 = arith.index_cast %scan3A_97 : i32 to index
      %swap3A_106 = arith.constant 16 : index
      %swap3A_107 = tpu.vector_load %arg10[%swap3A_105, %swap3A_106] {strides = array<i32>} : memref<64x128xf32, #tpu.memory_space<vmem>>, vector<1x16xf32>,
      %swap3A_108 = vector.shape_cast %swap3A_107 : vector<1x16xf32> to vector<16xf32>
      %swap3A_109 = vector.shape_cast %broadcast_in_dim3A_104 : vector<16xf32> to vector<1x16xf32>
      tpu.vector_store %arg10[%swap3A_105, %swap3A_106], %swap3A_109 {strides = array<i32>} : memref<64x128xf32, #tpu.memory_space<vmem>>, vector<1x16xf32>,
      %broadcast_in_dim3A_110 = arith.constant 0.000000e+00 : f32
      %broadcast_in_dim3A_111 = vector.broadcast %broadcast_in_dim3A_110 : f32 to vector<16xf32>
      %swap3A_112 = arith.index_cast %scan3A_97 : i32 to index
      %swap3A_113 = arith.constant 32 : index
      %swap3A_114 = tpu.vector_load %arg10[%swap3A_112, %swap3A_113] {strides = array<i32>} : memref<64x128xf32, #tpu.memory_space<vmem>>, vector<1x16xf32>,
      %swap3A_115 = vector.shape_cast %swap3A_114 : vector<1x16xf32> to vector<16xf32>
      %swap3A_116 = vector.shape_cast %broadcast_in_dim3A_111 : vector<16xf32> to vector<1x16xf32>
      tpu.vector_store %arg10[%swap3A_112, %swap3A_113], %swap3A_116 {strides = array<i32>} : memref<64x128xf32, #tpu.memory_space<vmem>>, vector<1x16xf32>,
      %broadcast_in_dim3A_117 = arith.constant 0.000000e+00 : f32
      %broadcast_in_dim3A_118 = vector.broadcast %broadcast_in_dim3A_117 : f32 to vector<16xf32>
      %swap3A_119 = arith.index_cast %scan3A_97 : i32 to index
      %swap3A_120 = arith.constant 48 : index
      %swap3A_121 = tpu.vector_load %arg10[%swap3A_119, %swap3A_120] {strides = array<i32>} : memref<64x128xf32, #tpu.memory_space<vmem>>, vector<1x16xf32>,
      %swap3A_122 = vector.shape_cast %swap3A_121 : vector<1x16xf32> to vector<16xf32>
      %swap3A_123 = vector.shape_cast %broadcast_in_dim3A_118 : vector<16xf32> to vector<1x16xf32>
      tpu.vector_store %arg10[%swap3A_119, %swap3A_120], %swap3A_123 {strides = array<i32>} : memref<64x128xf32, #tpu.memory_space<vmem>>, vector<1x16xf32>,
      %broadcast_in_dim3A_124 = arith.constant 0.000000e+00 : f32
      %broadcast_in_dim3A_125 = vector.broadcast %broadcast_in_dim3A_124 : f32 to vector<16xf32>
      %swap3A_126 = arith.index_cast %scan3A_97 : i32 to index
      %swap3A_127 = arith.constant 64 : index
      %swap3A_128 = tpu.vector_load %arg10[%swap3A_126, %swap3A_127] {strides = array<i32>} : memref<64x128xf32, #tpu.memory_space<vmem>>, vector<1x16xf32>,
      %swap3A_129 = vector.shape_cast %swap3A_128 : vector<1x16xf32> to vector<16xf32>
      %swap3A_130 = vector.shape_cast %broadcast_in_dim3A_125 : vector<16xf32> to vector<1x16xf32>
      tpu.vector_store %arg10[%swap3A_126, %swap3A_127], %swap3A_130 {strides = array<i32>} : memref<64x128xf32, #tpu.memory_space<vmem>>, vector<1x16xf32>,
      %broadcast_in_dim3A_131 = arith.constant 0.000000e+00 : f32
      %broadcast_in_dim3A_132 = vector.broadcast %broadcast_in_dim3A_131 : f32 to vector<16xf32>
      %swap3A_133 = arith.index_cast %scan3A_97 : i32 to index
      %swap3A_134 = arith.constant 80 : index
      %swap3A_135 = tpu.vector_load %arg10[%swap3A_133, %swap3A_134] {strides = array<i32>} : memref<64x128xf32, #tpu.memory_space<vmem>>, vector<1x16xf32>,
      %swap3A_136 = vector.shape_cast %swap3A_135 : vector<1x16xf32> to vector<16xf32>
      %swap3A_137 = vector.shape_cast %broadcast_in_dim3A_132 : vector<16xf32> to vector<1x16xf32>
      tpu.vector_store %arg10[%swap3A_133, %swap3A_134], %swap3A_137 {strides = array<i32>} : memref<64x128xf32, #tpu.memory_space<vmem>>, vector<1x16xf32>,
      %broadcast_in_dim3A_138 = arith.constant 0.000000e+00 : f32
      %broadcast_in_dim3A_139 = vector.broadcast %broadcast_in_dim3A_138 : f32 to vector<16xf32>
      %swap3A_140 = arith.index_cast %scan3A_97 : i32 to index
      %swap3A_141 = arith.constant 96 : index
      %swap3A_142 = tpu.vector_load %arg10[%swap3A_140, %swap3A_141] {strides = array<i32>} : memref<64x128xf32, #tpu.memory_space<vmem>>, vector<1x16xf32>,
      %swap3A_143 = vector.shape_cast %swap3A_142 : vector<1x16xf32> to vector<16xf32>
      %swap3A_144 = vector.shape_cast %broadcast_in_dim3A_139 : vector<16xf32> to vector<1x16xf32>
      tpu.vector_store %arg10[%swap3A_140, %swap3A_141], %swap3A_144 {strides = array<i32>} : memref<64x128xf32, #tpu.memory_space<vmem>>, vector<1x16xf32>,
      %broadcast_in_dim3A_145 = arith.constant 0.000000e+00 : f32
      %broadcast_in_dim3A_146 = vector.broadcast %broadcast_in_dim3A_145 : f32 to vector<16xf32>
      %swap3A_147 = arith.index_cast %scan3A_97 : i32 to index
      %swap3A_148 = arith.constant 112 : index
      %swap3A_149 = tpu.vector_load %arg10[%swap3A_147, %swap3A_148] {strides = array<i32>} : memref<64x128xf32, #tpu.memory_space<vmem>>, vector<1x16xf32>,
      %swap3A_150 = vector.shape_cast %swap3A_149 : vector<1x16xf32> to vector<16xf32>
      %swap3A_151 = vector.shape_cast %broadcast_in_dim3A_146 : vector<16xf32> to vector<1x16xf32>
      tpu.vector_store %arg10[%swap3A_147, %swap3A_148], %swap3A_151 {strides = array<i32>} : memref<64x128xf32, #tpu.memory_space<vmem>>, vector<1x16xf32>,
    }
    %scan3A_5 = arith.constant 64 : i32
    %mul3A_6 = arith.constant 640 : i32
    %mul3A_7 = arith.muli %arg1, %mul3A_6 : i32
    %add3A_8 = arith.constant 0 : i32
    %add3A_9 = arith.addi %mul3A_7, %add3A_8 : i32
    "tpu.region"() ({
      %run_scoped3A = tpu.sem_alloc : memref<!tpu.dma_semaphore, #tpu.memory_space<semaphore_mem>>
      %dma_start3A = arith.constant 0 : i32
      %dma_start3A_97 = tpu.memref_slice %arg6[%add3A_9, %dma_start3A] : memref<10240x128xf32, #tpu.memory_space<vmem_shared>> -> memref<64x128xf32, #tpu.memory_space<vmem_shared>>
      %dma_start3A_98 = arith.constant 0 : i32
      %dma_start3A_99 = tpu.memref_slice %arg6[%add3A_9, %dma_start3A_98] : memref<10240x128xf32, #tpu.memory_space<vmem_shared>> -> memref<64x128xf32, #tpu.memory_space<vmem_shared>>
      tpu.enqueue_dma source(%arg10 : memref<64x128xf32, #tpu.memory_space<vmem>>) target(%dma_start3A_99 : memref<64x128xf32, #tpu.memory_space<vmem_shared>>) target_semaphore(%run_scoped3A : memref<!tpu.dma_semaphore, #tpu.memory_space<semaphore_mem>>)
      %dma_wait3A = arith.constant 0 : i32
      %dma_wait3A_100 = tpu.memref_slice %arg6[%add3A_9, %dma_wait3A] : memref<10240x128xf32, #tpu.memory_space<vmem_shared>> -> memref<64x128xf32, #tpu.memory_space<vmem_shared>>
      %dma_wait3A_101 = arith.constant 0 : i32
      %dma_wait3A_102 = tpu.memref_slice %arg6[%add3A_9, %dma_wait3A_101] : memref<10240x128xf32, #tpu.memory_space<vmem_shared>> -> memref<64x128xf32, #tpu.memory_space<vmem_shared>>
      tpu.wait_dma2 semaphore(%run_scoped3A : memref<!tpu.dma_semaphore, #tpu.memory_space<semaphore_mem>>) src(%arg10 : memref<64x128xf32, #tpu.memory_space<vmem>>) dst(%dma_wait3A_102 : memref<64x128xf32, #tpu.memory_space<vmem_shared>>)
      tpu.yield
    }) : () -> ()
    %mul3A_10 = arith.constant 640 : i32
    %mul3A_11 = arith.muli %arg1, %mul3A_10 : i32
    %add3A_12 = arith.constant 64 : i32
    %add3A_13 = arith.addi %mul3A_11, %add3A_12 : i32
    "tpu.region"() ({
      %run_scoped3A = tpu.sem_alloc : memref<!tpu.dma_semaphore, #tpu.memory_space<semaphore_mem>>
      %dma_start3A = arith.constant 0 : i32
      %dma_start3A_97 = tpu.memref_slice %arg6[%add3A_13, %dma_start3A] : memref<10240x128xf32, #tpu.memory_space<vmem_shared>> -> memref<64x128xf32, #tpu.memory_space<vmem_shared>>
      %dma_start3A_98 = arith.constant 0 : i32
      %dma_start3A_99 = tpu.memref_slice %arg6[%add3A_13, %dma_start3A_98] : memref<10240x128xf32, #tpu.memory_space<vmem_shared>> -> memref<64x128xf32, #tpu.memory_space<vmem_shared>>
      tpu.enqueue_dma source(%arg10 : memref<64x128xf32, #tpu.memory_space<vmem>>) target(%dma_start3A_99 : memref<64x128xf32, #tpu.memory_space<vmem_shared>>) target_semaphore(%run_scoped3A : memref<!tpu.dma_semaphore, #tpu.memory_space<semaphore_mem>>)
      %dma_wait3A = arith.constant 0 : i32
      %dma_wait3A_100 = tpu.memref_slice %arg6[%add3A_13, %dma_wait3A] : memref<10240x128xf32, #tpu.memory_space<vmem_shared>> -> memref<64x128xf32, #tpu.memory_space<vmem_shared>>
      %dma_wait3A_101 = arith.constant 0 : i32
      %dma_wait3A_102 = tpu.memref_slice %arg6[%add3A_13, %dma_wait3A_101] : memref<10240x128xf32, #tpu.memory_space<vmem_shared>> -> memref<64x128xf32, #tpu.memory_space<vmem_shared>>
      tpu.wait_dma2 semaphore(%run_scoped3A : memref<!tpu.dma_semaphore, #tpu.memory_space<semaphore_mem>>) src(%arg10 : memref<64x128xf32, #tpu.memory_space<vmem>>) dst(%dma_wait3A_102 : memref<64x128xf32, #tpu.memory_space<vmem_shared>>)
      tpu.yield
    }) : () -> ()
    %mul3A_14 = arith.constant 640 : i32
    %mul3A_15 = arith.muli %arg1, %mul3A_14 : i32
    %add3A_16 = arith.constant 128 : i32
    %add3A_17 = arith.addi %mul3A_15, %add3A_16 : i32
    "tpu.region"() ({
      %run_scoped3A = tpu.sem_alloc : memref<!tpu.dma_semaphore, #tpu.memory_space<semaphore_mem>>
      %dma_start3A = arith.constant 0 : i32
      %dma_start3A_97 = tpu.memref_slice %arg6[%add3A_17, %dma_start3A] : memref<10240x128xf32, #tpu.memory_space<vmem_shared>> -> memref<64x128xf32, #tpu.memory_space<vmem_shared>>
      %dma_start3A_98 = arith.constant 0 : i32
      %dma_start3A_99 = tpu.memref_slice %arg6[%add3A_17, %dma_start3A_98] : memref<10240x128xf32, #tpu.memory_space<vmem_shared>> -> memref<64x128xf32, #tpu.memory_space<vmem_shared>>
      tpu.enqueue_dma source(%arg10 : memref<64x128xf32, #tpu.memory_space<vmem>>) target(%dma_start3A_99 : memref<64x128xf32, #tpu.memory_space<vmem_shared>>) target_semaphore(%run_scoped3A : memref<!tpu.dma_semaphore, #tpu.memory_space<semaphore_mem>>)
      %dma_wait3A = arith.constant 0 : i32
      %dma_wait3A_100 = tpu.memref_slice %arg6[%add3A_17, %dma_wait3A] : memref<10240x128xf32, #tpu.memory_space<vmem_shared>> -> memref<64x128xf32, #tpu.memory_space<vmem_shared>>
      %dma_wait3A_101 = arith.constant 0 : i32
      %dma_wait3A_102 = tpu.memref_slice %arg6[%add3A_17, %dma_wait3A_101] : memref<10240x128xf32, #tpu.memory_space<vmem_shared>> -> memref<64x128xf32, #tpu.memory_space<vmem_shared>>
      tpu.wait_dma2 semaphore(%run_scoped3A : memref<!tpu.dma_semaphore, #tpu.memory_space<semaphore_mem>>) src(%arg10 : memref<64x128xf32, #tpu.memory_space<vmem>>) dst(%dma_wait3A_102 : memref<64x128xf32, #tpu.memory_space<vmem_shared>>)
      tpu.yield
    }) : () -> ()
    %mul3A_18 = arith.constant 640 : i32
    %mul3A_19 = arith.muli %arg1, %mul3A_18 : i32
    %add3A_20 = arith.constant 192 : i32
    %add3A_21 = arith.addi %mul3A_19, %add3A_20 : i32
    "tpu.region"() ({
      %run_scoped3A = tpu.sem_alloc : memref<!tpu.dma_semaphore, #tpu.memory_space<semaphore_mem>>
      %dma_start3A = arith.constant 0 : i32
      %dma_start3A_97 = tpu.memref_slice %arg6[%add3A_21, %dma_start3A] : memref<10240x128xf32, #tpu.memory_space<vmem_shared>> -> memref<64x128xf32, #tpu.memory_space<vmem_shared>>
      %dma_start3A_98 = arith.constant 0 : i32
      %dma_start3A_99 = tpu.memref_slice %arg6[%add3A_21, %dma_start3A_98] : memref<10240x128xf32, #tpu.memory_space<vmem_shared>> -> memref<64x128xf32, #tpu.memory_space<vmem_shared>>
      tpu.enqueue_dma source(%arg10 : memref<64x128xf32, #tpu.memory_space<vmem>>) target(%dma_start3A_99 : memref<64x128xf32, #tpu.memory_space<vmem_shared>>) target_semaphore(%run_scoped3A : memref<!tpu.dma_semaphore, #tpu.memory_space<semaphore_mem>>)
      %dma_wait3A = arith.constant 0 : i32
      %dma_wait3A_100 = tpu.memref_slice %arg6[%add3A_21, %dma_wait3A] : memref<10240x128xf32, #tpu.memory_space<vmem_shared>> -> memref<64x128xf32, #tpu.memory_space<vmem_shared>>
      %dma_wait3A_101 = arith.constant 0 : i32
      %dma_wait3A_102 = tpu.memref_slice %arg6[%add3A_21, %dma_wait3A_101] : memref<10240x128xf32, #tpu.memory_space<vmem_shared>> -> memref<64x128xf32, #tpu.memory_space<vmem_shared>>
      tpu.wait_dma2 semaphore(%run_scoped3A : memref<!tpu.dma_semaphore, #tpu.memory_space<semaphore_mem>>) src(%arg10 : memref<64x128xf32, #tpu.memory_space<vmem>>) dst(%dma_wait3A_102 : memref<64x128xf32, #tpu.memory_space<vmem_shared>>)
      tpu.yield
    }) : () -> ()
    %mul3A_22 = arith.constant 640 : i32
    %mul3A_23 = arith.muli %arg1, %mul3A_22 : i32
    %add3A_24 = arith.constant 256 : i32
    %add3A_25 = arith.addi %mul3A_23, %add3A_24 : i32
    "tpu.region"() ({
      %run_scoped3A = tpu.sem_alloc : memref<!tpu.dma_semaphore, #tpu.memory_space<semaphore_mem>>
      %dma_start3A = arith.constant 0 : i32
      %dma_start3A_97 = tpu.memref_slice %arg6[%add3A_25, %dma_start3A] : memref<10240x128xf32, #tpu.memory_space<vmem_shared>> -> memref<64x128xf32, #tpu.memory_space<vmem_shared>>
      %dma_start3A_98 = arith.constant 0 : i32
      %dma_start3A_99 = tpu.memref_slice %arg6[%add3A_25, %dma_start3A_98] : memref<10240x128xf32, #tpu.memory_space<vmem_shared>> -> memref<64x128xf32, #tpu.memory_space<vmem_shared>>
      tpu.enqueue_dma source(%arg10 : memref<64x128xf32, #tpu.memory_space<vmem>>) target(%dma_start3A_99 : memref<64x128xf32, #tpu.memory_space<vmem_shared>>) target_semaphore(%run_scoped3A : memref<!tpu.dma_semaphore, #tpu.memory_space<semaphore_mem>>)
      %dma_wait3A = arith.constant 0 : i32
      %dma_wait3A_100 = tpu.memref_slice %arg6[%add3A_25, %dma_wait3A] : memref<10240x128xf32, #tpu.memory_space<vmem_shared>> -> memref<64x128xf32, #tpu.memory_space<vmem_shared>>
      %dma_wait3A_101 = arith.constant 0 : i32
      %dma_wait3A_102 = tpu.memref_slice %arg6[%add3A_25, %dma_wait3A_101] : memref<10240x128xf32, #tpu.memory_space<vmem_shared>> -> memref<64x128xf32, #tpu.memory_space<vmem_shared>>
      tpu.wait_dma2 semaphore(%run_scoped3A : memref<!tpu.dma_semaphore, #tpu.memory_space<semaphore_mem>>) src(%arg10 : memref<64x128xf32, #tpu.memory_space<vmem>>) dst(%dma_wait3A_102 : memref<64x128xf32, #tpu.memory_space<vmem_shared>>)
      tpu.yield
    }) : () -> ()
    %mul3A_26 = arith.constant 640 : i32
    %mul3A_27 = arith.muli %arg1, %mul3A_26 : i32
    %add3A_28 = arith.constant 320 : i32
    %add3A_29 = arith.addi %mul3A_27, %add3A_28 : i32
    "tpu.region"() ({
      %run_scoped3A = tpu.sem_alloc : memref<!tpu.dma_semaphore, #tpu.memory_space<semaphore_mem>>
      %dma_start3A = arith.constant 0 : i32
      %dma_start3A_97 = tpu.memref_slice %arg6[%add3A_29, %dma_start3A] : memref<10240x128xf32, #tpu.memory_space<vmem_shared>> -> memref<64x128xf32, #tpu.memory_space<vmem_shared>>
      %dma_start3A_98 = arith.constant 0 : i32
      %dma_start3A_99 = tpu.memref_slice %arg6[%add3A_29, %dma_start3A_98] : memref<10240x128xf32, #tpu.memory_space<vmem_shared>> -> memref<64x128xf32, #tpu.memory_space<vmem_shared>>
      tpu.enqueue_dma source(%arg10 : memref<64x128xf32, #tpu.memory_space<vmem>>) target(%dma_start3A_99 : memref<64x128xf32, #tpu.memory_space<vmem_shared>>) target_semaphore(%run_scoped3A : memref<!tpu.dma_semaphore, #tpu.memory_space<semaphore_mem>>)
      %dma_wait3A = arith.constant 0 : i32
      %dma_wait3A_100 = tpu.memref_slice %arg6[%add3A_29, %dma_wait3A] : memref<10240x128xf32, #tpu.memory_space<vmem_shared>> -> memref<64x128xf32, #tpu.memory_space<vmem_shared>>
      %dma_wait3A_101 = arith.constant 0 : i32
      %dma_wait3A_102 = tpu.memref_slice %arg6[%add3A_29, %dma_wait3A_101] : memref<10240x128xf32, #tpu.memory_space<vmem_shared>> -> memref<64x128xf32, #tpu.memory_space<vmem_shared>>
      tpu.wait_dma2 semaphore(%run_scoped3A : memref<!tpu.dma_semaphore, #tpu.memory_space<semaphore_mem>>) src(%arg10 : memref<64x128xf32, #tpu.memory_space<vmem>>) dst(%dma_wait3A_102 : memref<64x128xf32, #tpu.memory_space<vmem_shared>>)
      tpu.yield
    }) : () -> ()
    %mul3A_30 = arith.constant 640 : i32
    %mul3A_31 = arith.muli %arg1, %mul3A_30 : i32
    %add3A_32 = arith.constant 384 : i32
    %add3A_33 = arith.addi %mul3A_31, %add3A_32 : i32
    "tpu.region"() ({
      %run_scoped3A = tpu.sem_alloc : memref<!tpu.dma_semaphore, #tpu.memory_space<semaphore_mem>>
      %dma_start3A = arith.constant 0 : i32
      %dma_start3A_97 = tpu.memref_slice %arg6[%add3A_33, %dma_start3A] : memref<10240x128xf32, #tpu.memory_space<vmem_shared>> -> memref<64x128xf32, #tpu.memory_space<vmem_shared>>
      %dma_start3A_98 = arith.constant 0 : i32
      %dma_start3A_99 = tpu.memref_slice %arg6[%add3A_33, %dma_start3A_98] : memref<10240x128xf32, #tpu.memory_space<vmem_shared>> -> memref<64x128xf32, #tpu.memory_space<vmem_shared>>
      tpu.enqueue_dma source(%arg10 : memref<64x128xf32, #tpu.memory_space<vmem>>) target(%dma_start3A_99 : memref<64x128xf32, #tpu.memory_space<vmem_shared>>) target_semaphore(%run_scoped3A : memref<!tpu.dma_semaphore, #tpu.memory_space<semaphore_mem>>)
      %dma_wait3A = arith.constant 0 : i32
      %dma_wait3A_100 = tpu.memref_slice %arg6[%add3A_33, %dma_wait3A] : memref<10240x128xf32, #tpu.memory_space<vmem_shared>> -> memref<64x128xf32, #tpu.memory_space<vmem_shared>>
      %dma_wait3A_101 = arith.constant 0 : i32
      %dma_wait3A_102 = tpu.memref_slice %arg6[%add3A_33, %dma_wait3A_101] : memref<10240x128xf32, #tpu.memory_space<vmem_shared>> -> memref<64x128xf32, #tpu.memory_space<vmem_shared>>
      tpu.wait_dma2 semaphore(%run_scoped3A : memref<!tpu.dma_semaphore, #tpu.memory_space<semaphore_mem>>) src(%arg10 : memref<64x128xf32, #tpu.memory_space<vmem>>) dst(%dma_wait3A_102 : memref<64x128xf32, #tpu.memory_space<vmem_shared>>)
      tpu.yield
    }) : () -> ()
    %mul3A_34 = arith.constant 640 : i32
    %mul3A_35 = arith.muli %arg1, %mul3A_34 : i32
    %add3A_36 = arith.constant 448 : i32
    %add3A_37 = arith.addi %mul3A_35, %add3A_36 : i32
    "tpu.region"() ({
      %run_scoped3A = tpu.sem_alloc : memref<!tpu.dma_semaphore, #tpu.memory_space<semaphore_mem>>
      %dma_start3A = arith.constant 0 : i32
      %dma_start3A_97 = tpu.memref_slice %arg6[%add3A_37, %dma_start3A] : memref<10240x128xf32, #tpu.memory_space<vmem_shared>> -> memref<64x128xf32, #tpu.memory_space<vmem_shared>>
      %dma_start3A_98 = arith.constant 0 : i32
      %dma_start3A_99 = tpu.memref_slice %arg6[%add3A_37, %dma_start3A_98] : memref<10240x128xf32, #tpu.memory_space<vmem_shared>> -> memref<64x128xf32, #tpu.memory_space<vmem_shared>>
      tpu.enqueue_dma source(%arg10 : memref<64x128xf32, #tpu.memory_space<vmem>>) target(%dma_start3A_99 : memref<64x128xf32, #tpu.memory_space<vmem_shared>>) target_semaphore(%run_scoped3A : memref<!tpu.dma_semaphore, #tpu.memory_space<semaphore_mem>>)
      %dma_wait3A = arith.constant 0 : i32
      %dma_wait3A_100 = tpu.memref_slice %arg6[%add3A_37, %dma_wait3A] : memref<10240x128xf32, #tpu.memory_space<vmem_shared>> -> memref<64x128xf32, #tpu.memory_space<vmem_shared>>
      %dma_wait3A_101 = arith.constant 0 : i32
      %dma_wait3A_102 = tpu.memref_slice %arg6[%add3A_37, %dma_wait3A_101] : memref<10240x128xf32, #tpu.memory_space<vmem_shared>> -> memref<64x128xf32, #tpu.memory_space<vmem_shared>>
      tpu.wait_dma2 semaphore(%run_scoped3A : memref<!tpu.dma_semaphore, #tpu.memory_space<semaphore_mem>>) src(%arg10 : memref<64x128xf32, #tpu.memory_space<vmem>>) dst(%dma_wait3A_102 : memref<64x128xf32, #tpu.memory_space<vmem_shared>>)
      tpu.yield
    }) : () -> ()
    %mul3A_38 = arith.constant 640 : i32
    %mul3A_39 = arith.muli %arg1, %mul3A_38 : i32
    %add3A_40 = arith.constant 512 : i32
    %add3A_41 = arith.addi %mul3A_39, %add3A_40 : i32
    "tpu.region"() ({
      %run_scoped3A = tpu.sem_alloc : memref<!tpu.dma_semaphore, #tpu.memory_space<semaphore_mem>>
      %dma_start3A = arith.constant 0 : i32
      %dma_start3A_97 = tpu.memref_slice %arg6[%add3A_41, %dma_start3A] : memref<10240x128xf32, #tpu.memory_space<vmem_shared>> -> memref<64x128xf32, #tpu.memory_space<vmem_shared>>
      %dma_start3A_98 = arith.constant 0 : i32
      %dma_start3A_99 = tpu.memref_slice %arg6[%add3A_41, %dma_start3A_98] : memref<10240x128xf32, #tpu.memory_space<vmem_shared>> -> memref<64x128xf32, #tpu.memory_space<vmem_shared>>
      tpu.enqueue_dma source(%arg10 : memref<64x128xf32, #tpu.memory_space<vmem>>) target(%dma_start3A_99 : memref<64x128xf32, #tpu.memory_space<vmem_shared>>) target_semaphore(%run_scoped3A : memref<!tpu.dma_semaphore, #tpu.memory_space<semaphore_mem>>)
      %dma_wait3A = arith.constant 0 : i32
      %dma_wait3A_100 = tpu.memref_slice %arg6[%add3A_41, %dma_wait3A] : memref<10240x128xf32, #tpu.memory_space<vmem_shared>> -> memref<64x128xf32, #tpu.memory_space<vmem_shared>>
      %dma_wait3A_101 = arith.constant 0 : i32
      %dma_wait3A_102 = tpu.memref_slice %arg6[%add3A_41, %dma_wait3A_101] : memref<10240x128xf32, #tpu.memory_space<vmem_shared>> -> memref<64x128xf32, #tpu.memory_space<vmem_shared>>
      tpu.wait_dma2 semaphore(%run_scoped3A : memref<!tpu.dma_semaphore, #tpu.memory_space<semaphore_mem>>) src(%arg10 : memref<64x128xf32, #tpu.memory_space<vmem>>) dst(%dma_wait3A_102 : memref<64x128xf32, #tpu.memory_space<vmem_shared>>)
      tpu.yield
    }) : () -> ()
    %mul3A_42 = arith.constant 640 : i32
    %mul3A_43 = arith.muli %arg1, %mul3A_42 : i32
    %add3A_44 = arith.constant 576 : i32
    %add3A_45 = arith.addi %mul3A_43, %add3A_44 : i32
    "tpu.region"() ({
      %run_scoped3A = tpu.sem_alloc : memref<!tpu.dma_semaphore, #tpu.memory_space<semaphore_mem>>
      %dma_start3A = arith.constant 0 : i32
      %dma_start3A_97 = tpu.memref_slice %arg6[%add3A_45, %dma_start3A] : memref<10240x128xf32, #tpu.memory_space<vmem_shared>> -> memref<64x128xf32, #tpu.memory_space<vmem_shared>>
      %dma_start3A_98 = arith.constant 0 : i32
      %dma_start3A_99 = tpu.memref_slice %arg6[%add3A_45, %dma_start3A_98] : memref<10240x128xf32, #tpu.memory_space<vmem_shared>> -> memref<64x128xf32, #tpu.memory_space<vmem_shared>>
      tpu.enqueue_dma source(%arg10 : memref<64x128xf32, #tpu.memory_space<vmem>>) target(%dma_start3A_99 : memref<64x128xf32, #tpu.memory_space<vmem_shared>>) target_semaphore(%run_scoped3A : memref<!tpu.dma_semaphore, #tpu.memory_space<semaphore_mem>>)
      %dma_wait3A = arith.constant 0 : i32
      %dma_wait3A_100 = tpu.memref_slice %arg6[%add3A_45, %dma_wait3A] : memref<10240x128xf32, #tpu.memory_space<vmem_shared>> -> memref<64x128xf32, #tpu.memory_space<vmem_shared>>
      %dma_wait3A_101 = arith.constant 0 : i32
      %dma_wait3A_102 = tpu.memref_slice %arg6[%add3A_45, %dma_wait3A_101] : memref<10240x128xf32, #tpu.memory_space<vmem_shared>> -> memref<64x128xf32, #tpu.memory_space<vmem_shared>>
      tpu.wait_dma2 semaphore(%run_scoped3A : memref<!tpu.dma_semaphore, #tpu.memory_space<semaphore_mem>>) src(%arg10 : memref<64x128xf32, #tpu.memory_space<vmem>>) dst(%dma_wait3A_102 : memref<64x128xf32, #tpu.memory_space<vmem_shared>>)
      tpu.yield
    }) : () -> ()
    %barrier3A = arith.constant 0 : index
    tpu.barrier barrier_id(%barrier3A)
    %mul3A_46 = arith.constant 80 : i32
    %mul3A_47 = arith.muli %add3A, %mul3A_46 : i32
    "tpu.region"() ({
      %run_scoped3A = tpu.sem_alloc : memref<!tpu.dma_semaphore, #tpu.memory_space<semaphore_mem>>
      %dma_start3A = arith.constant 0 : i32
      %dma_start3A_97 = tpu.memref_slice %arg3[%mul3A_47, %dma_start3A] : memref<2560x125xi32, #tpu.memory_space<hbm>> -> memref<80x125xi32, #tpu.memory_space<hbm>>
      %dma_start3A_98 = arith.constant 0 : i32
      %dma_start3A_99 = tpu.memref_slice %arg3[%mul3A_47, %dma_start3A_98] : memref<2560x125xi32, #tpu.memory_space<hbm>> -> memref<80x125xi32, #tpu.memory_space<hbm>>
      tpu.enqueue_dma source(%dma_start3A_99 : memref<80x125xi32, #tpu.memory_space<hbm>>) target(%arg7 : memref<80x125xi32, #tpu.memory_space<vmem>>) target_semaphore(%run_scoped3A : memref<!tpu.dma_semaphore, #tpu.memory_space<semaphore_mem>>)
      %dma_wait3A = arith.constant 0 : i32
      %dma_wait3A_100 = tpu.memref_slice %arg3[%mul3A_47, %dma_wait3A] : memref<2560x125xi32, #tpu.memory_space<hbm>> -> memref<80x125xi32, #tpu.memory_space<hbm>>
      %dma_wait3A_101 = arith.constant 0 : i32
      %dma_wait3A_102 = tpu.memref_slice %arg3[%mul3A_47, %dma_wait3A_101] : memref<2560x125xi32, #tpu.memory_space<hbm>> -> memref<80x125xi32, #tpu.memory_space<hbm>>
      tpu.wait_dma2 semaphore(%run_scoped3A : memref<!tpu.dma_semaphore, #tpu.memory_space<semaphore_mem>>) src(%dma_wait3A_102 : memref<80x125xi32, #tpu.memory_space<hbm>>) dst(%arg7 : memref<80x125xi32, #tpu.memory_space<vmem>>)
      tpu.yield
    }) : () -> ()
    %mul3A_48 = arith.constant 80 : i32
    %mul3A_49 = arith.muli %add3A, %mul3A_48 : i32
    "tpu.region"() ({
      %run_scoped3A = tpu.sem_alloc : memref<!tpu.dma_semaphore, #tpu.memory_space<semaphore_mem>>
      %dma_start3A = arith.constant 0 : i32
      %dma_start3A_97 = tpu.memref_slice %arg4[%mul3A_49, %dma_start3A] : memref<2560x125xi32, #tpu.memory_space<hbm>> -> memref<80x125xi32, #tpu.memory_space<hbm>>
      %dma_start3A_98 = arith.constant 0 : i32
      %dma_start3A_99 = tpu.memref_slice %arg4[%mul3A_49, %dma_start3A_98] : memref<2560x125xi32, #tpu.memory_space<hbm>> -> memref<80x125xi32, #tpu.memory_space<hbm>>
      tpu.enqueue_dma source(%dma_start3A_99 : memref<80x125xi32, #tpu.memory_space<hbm>>) target(%arg8 : memref<80x125xi32, #tpu.memory_space<vmem>>) target_semaphore(%run_scoped3A : memref<!tpu.dma_semaphore, #tpu.memory_space<semaphore_mem>>)
      %dma_wait3A = arith.constant 0 : i32
      %dma_wait3A_100 = tpu.memref_slice %arg4[%mul3A_49, %dma_wait3A] : memref<2560x125xi32, #tpu.memory_space<hbm>> -> memref<80x125xi32, #tpu.memory_space<hbm>>
      %dma_wait3A_101 = arith.constant 0 : i32
      %dma_wait3A_102 = tpu.memref_slice %arg4[%mul3A_49, %dma_wait3A_101] : memref<2560x125xi32, #tpu.memory_space<hbm>> -> memref<80x125xi32, #tpu.memory_space<hbm>>
      tpu.wait_dma2 semaphore(%run_scoped3A : memref<!tpu.dma_semaphore, #tpu.memory_space<semaphore_mem>>) src(%dma_wait3A_102 : memref<80x125xi32, #tpu.memory_space<hbm>>) dst(%arg8 : memref<80x125xi32, #tpu.memory_space<vmem>>)
      tpu.yield
    }) : () -> ()
    %scan3A_50 = arith.constant 0 : i32
    %scan3A_51 = arith.constant 0 : i32
    %scan3A_52 = arith.constant 80 : i32
    %scan3A_53 = arith.addi %scan3A_51, %scan3A_52 : i32
    %scan3A_54 = arith.constant 1 : i32
    scf.for %scan3A_97 = %scan3A_51 to %scan3A_53 step %scan3A_54  : i32 {
      "tpu.region"() ({
        %run_scoped3A = tpu.sem_alloc : memref<!tpu.dma_semaphore, #tpu.memory_space<semaphore_mem>>
        %dma_start3A = arith.constant 0 : i32
        %dma_start3A_98 = tpu.memref_slice %arg7[%scan3A_97, %dma_start3A] : memref<80x125xi32, #tpu.memory_space<vmem>> -> memref<1x125xi32, #tpu.memory_space<vmem>>
        %dma_start3A_99 = tpu.memref_squeeze %dma_start3A_98 : memref<1x125xi32, #tpu.memory_space<vmem>> -> memref<125xi32, #tpu.memory_space<vmem>>
        %dma_start3A_100 = arith.constant 0 : i32
        %dma_start3A_101 = arith.constant 0 : i32
        %dma_start3A_102 = tpu.memref_slice %arg2[%dma_start3A_100, %dma_start3A_101] : memref<10000x128xf32, #tpu.memory_space<hbm>> -> memref<10000x128xf32, #tpu.memory_space<hbm>>
        tpu.enqueue_indirect_dma source(%dma_start3A_102 : memref<10000x128xf32, #tpu.memory_space<hbm>>) target(%arg9 : memref<125x128xf32, #tpu.memory_space<vmem>>) offsets(%dma_start3A_99 : memref<125xi32, #tpu.memory_space<vmem>>) semaphore(%run_scoped3A : memref<!tpu.dma_semaphore, #tpu.memory_space<semaphore_mem>>)
        %dma_wait3A = arith.constant 0 : i32
        %dma_wait3A_103 = tpu.memref_slice %arg7[%scan3A_97, %dma_wait3A] : memref<80x125xi32, #tpu.memory_space<vmem>> -> memref<1x125xi32, #tpu.memory_space<vmem>>
        %dma_wait3A_104 = tpu.memref_squeeze %dma_wait3A_103 : memref<1x125xi32, #tpu.memory_space<vmem>> -> memref<125xi32, #tpu.memory_space<vmem>>
        %dma_wait3A_105 = arith.constant 0 : i32
        %dma_wait3A_106 = arith.constant 0 : i32
        %dma_wait3A_107 = tpu.memref_slice %arg2[%dma_wait3A_105, %dma_wait3A_106] : memref<10000x128xf32, #tpu.memory_space<hbm>> -> memref<10000x128xf32, #tpu.memory_space<hbm>>
        tpu.wait_indirect_dma semaphore(%run_scoped3A : memref<!tpu.dma_semaphore, #tpu.memory_space<semaphore_mem>>) src(%dma_wait3A_107 : memref<10000x128xf32, #tpu.memory_space<hbm>>) dst(%arg9 : memref<125x128xf32, #tpu.memory_space<vmem>>)
        tpu.yield
      }) : () -> ()
      "tpu.region"() ({
        %run_scoped3A = tpu.sem_alloc : memref<!tpu.dma_semaphore, #tpu.memory_space<semaphore_mem>>
        %dma_start3A = arith.constant 0 : i32
        %dma_start3A_98 = tpu.memref_slice %arg8[%scan3A_97, %dma_start3A] : memref<80x125xi32, #tpu.memory_space<vmem>> -> memref<1x125xi32, #tpu.memory_space<vmem>>
        %dma_start3A_99 = tpu.memref_squeeze %dma_start3A_98 : memref<1x125xi32, #tpu.memory_space<vmem>> -> memref<125xi32, #tpu.memory_space<vmem>>
        %dma_start3A_100 = arith.constant 0 : i32
        %dma_start3A_101 = arith.constant 0 : i32
        %dma_start3A_102 = tpu.memref_slice %arg6[%dma_start3A_100, %dma_start3A_101] : memref<10240x128xf32, #tpu.memory_space<vmem_shared>> -> memref<10240x128xf32, #tpu.memory_space<vmem_shared>>
        tpu.enqueue_indirect_dma source(%arg9 : memref<125x128xf32, #tpu.memory_space<vmem>>) target(%dma_start3A_102 : memref<10240x128xf32, #tpu.memory_space<vmem_shared>>) offsets(%dma_start3A_99 : memref<125xi32, #tpu.memory_space<vmem>>) semaphore(%run_scoped3A : memref<!tpu.dma_semaphore, #tpu.memory_space<semaphore_mem>>) {add = true}
        %dma_wait3A = arith.constant 0 : i32
        %dma_wait3A_103 = tpu.memref_slice %arg8[%scan3A_97, %dma_wait3A] : memref<80x125xi32, #tpu.memory_space<vmem>> -> memref<1x125xi32, #tpu.memory_space<vmem>>
        %dma_wait3A_104 = tpu.memref_squeeze %dma_wait3A_103 : memref<1x125xi32, #tpu.memory_space<vmem>> -> memref<125xi32, #tpu.memory_space<vmem>>
        %dma_wait3A_105 = arith.constant 0 : i32
        %dma_wait3A_106 = arith.constant 0 : i32
        %dma_wait3A_107 = tpu.memref_slice %arg6[%dma_wait3A_105, %dma_wait3A_106] : memref<10240x128xf32, #tpu.memory_space<vmem_shared>> -> memref<10240x128xf32, #tpu.memory_space<vmem_shared>>
        tpu.wait_indirect_dma semaphore(%run_scoped3A : memref<!tpu.dma_semaphore, #tpu.memory_space<semaphore_mem>>) src(%arg9 : memref<125x128xf32, #tpu.memory_space<vmem>>) dst(%dma_wait3A_107 : memref<10240x128xf32, #tpu.memory_space<vmem_shared>>)
        tpu.yield
      }) : () -> ()
    }
    %scan3A_55 = arith.constant 80 : i32
    %barrier3A_56 = arith.constant 0 : index
    tpu.barrier barrier_id(%barrier3A_56)
    %mul3A_57 = arith.constant 640 : i32
    %mul3A_58 = arith.muli %arg1, %mul3A_57 : i32
    %add3A_59 = arith.constant 0 : i32
    %add3A_60 = arith.addi %mul3A_58, %add3A_59 : i32
    "tpu.region"() ({
      %run_scoped3A = tpu.sem_alloc : memref<!tpu.dma_semaphore, #tpu.memory_space<semaphore_mem>>
      %dma_start3A = arith.constant 0 : i32
      %dma_start3A_97 = tpu.memref_slice %arg6[%add3A_60, %dma_start3A] : memref<10240x128xf32, #tpu.memory_space<vmem_shared>> -> memref<64x128xf32, #tpu.memory_space<vmem_shared>>
      %dma_start3A_98 = arith.constant 0 : i32
      %dma_start3A_99 = tpu.memref_slice %arg6[%add3A_60, %dma_start3A_98] : memref<10240x128xf32, #tpu.memory_space<vmem_shared>> -> memref<64x128xf32, #tpu.memory_space<vmem_shared>>
      tpu.enqueue_dma source(%dma_start3A_99 : memref<64x128xf32, #tpu.memory_space<vmem_shared>>) target(%arg10 : memref<64x128xf32, #tpu.memory_space<vmem>>) target_semaphore(%run_scoped3A : memref<!tpu.dma_semaphore, #tpu.memory_space<semaphore_mem>>)
      %dma_wait3A = arith.constant 0 : i32
      %dma_wait3A_100 = tpu.memref_slice %arg6[%add3A_60, %dma_wait3A] : memref<10240x128xf32, #tpu.memory_space<vmem_shared>> -> memref<64x128xf32, #tpu.memory_space<vmem_shared>>
      %dma_wait3A_101 = arith.constant 0 : i32
      %dma_wait3A_102 = tpu.memref_slice %arg6[%add3A_60, %dma_wait3A_101] : memref<10240x128xf32, #tpu.memory_space<vmem_shared>> -> memref<64x128xf32, #tpu.memory_space<vmem_shared>>
      tpu.wait_dma2 semaphore(%run_scoped3A : memref<!tpu.dma_semaphore, #tpu.memory_space<semaphore_mem>>) src(%dma_wait3A_102 : memref<64x128xf32, #tpu.memory_space<vmem_shared>>) dst(%arg10 : memref<64x128xf32, #tpu.memory_space<vmem>>)
      tpu.yield
    }) : () -> ()
    "tpu.region"() ({
      %run_scoped3A = tpu.sem_alloc : memref<!tpu.dma_semaphore, #tpu.memory_space<semaphore_mem>>
      %dma_start3A = arith.constant 0 : i32
      %dma_start3A_97 = tpu.memref_slice %arg5[%arg0, %add3A_60, %dma_start3A] : memref<2x10240x128xf32, #tpu.memory_space<hbm>> -> memref<1x64x128xf32, #tpu.memory_space<hbm>>
      %dma_start3A_98 = tpu.memref_squeeze %dma_start3A_97 : memref<1x64x128xf32, #tpu.memory_space<hbm>> -> memref<64x128xf32, #tpu.memory_space<hbm>>
      %dma_start3A_99 = arith.constant 0 : i32
      %dma_start3A_100 = tpu.memref_slice %arg5[%arg0, %add3A_60, %dma_start3A_99] : memref<2x10240x128xf32, #tpu.memory_space<hbm>> -> memref<1x64x128xf32, #tpu.memory_space<hbm>>
      %dma_start3A_101 = tpu.memref_squeeze %dma_start3A_100 : memref<1x64x128xf32, #tpu.memory_space<hbm>> -> memref<64x128xf32, #tpu.memory_space<hbm>>
      tpu.enqueue_dma source(%arg10 : memref<64x128xf32, #tpu.memory_space<vmem>>) target(%dma_start3A_101 : memref<64x128xf32, #tpu.memory_space<hbm>>) target_semaphore(%run_scoped3A : memref<!tpu.dma_semaphore, #tpu.memory_space<semaphore_mem>>)
      %dma_wait3A = arith.constant 0 : i32
      %dma_wait3A_102 = tpu.memref_slice %arg5[%arg0, %add3A_60, %dma_wait3A] : memref<2x10240x128xf32, #tpu.memory_space<hbm>> -> memref<1x64x128xf32, #tpu.memory_space<hbm>>
      %dma_wait3A_103 = tpu.memref_squeeze %dma_wait3A_102 : memref<1x64x128xf32, #tpu.memory_space<hbm>> -> memref<64x128xf32, #tpu.memory_space<hbm>>
      %dma_wait3A_104 = arith.constant 0 : i32
      %dma_wait3A_105 = tpu.memref_slice %arg5[%arg0, %add3A_60, %dma_wait3A_104] : memref<2x10240x128xf32, #tpu.memory_space<hbm>> -> memref<1x64x128xf32, #tpu.memory_space<hbm>>
      %dma_wait3A_106 = tpu.memref_squeeze %dma_wait3A_105 : memref<1x64x128xf32, #tpu.memory_space<hbm>> -> memref<64x128xf32, #tpu.memory_space<hbm>>
      tpu.wait_dma2 semaphore(%run_scoped3A : memref<!tpu.dma_semaphore, #tpu.memory_space<semaphore_mem>>) src(%arg10 : memref<64x128xf32, #tpu.memory_space<vmem>>) dst(%dma_wait3A_106 : memref<64x128xf32, #tpu.memory_space<hbm>>)
      tpu.yield
    }) : () -> ()
    %mul3A_61 = arith.constant 640 : i32
    %mul3A_62 = arith.muli %arg1, %mul3A_61 : i32
    %add3A_63 = arith.constant 64 : i32
    %add3A_64 = arith.addi %mul3A_62, %add3A_63 : i32
    "tpu.region"() ({
      %run_scoped3A = tpu.sem_alloc : memref<!tpu.dma_semaphore, #tpu.memory_space<semaphore_mem>>
      %dma_start3A = arith.constant 0 : i32
      %dma_start3A_97 = tpu.memref_slice %arg6[%add3A_64, %dma_start3A] : memref<10240x128xf32, #tpu.memory_space<vmem_shared>> -> memref<64x128xf32, #tpu.memory_space<vmem_shared>>
      %dma_start3A_98 = arith.constant 0 : i32
      %dma_start3A_99 = tpu.memref_slice %arg6[%add3A_64, %dma_start3A_98] : memref<10240x128xf32, #tpu.memory_space<vmem_shared>> -> memref<64x128xf32, #tpu.memory_space<vmem_shared>>
      tpu.enqueue_dma source(%dma_start3A_99 : memref<64x128xf32, #tpu.memory_space<vmem_shared>>) target(%arg10 : memref<64x128xf32, #tpu.memory_space<vmem>>) target_semaphore(%run_scoped3A : memref<!tpu.dma_semaphore, #tpu.memory_space<semaphore_mem>>)
      %dma_wait3A = arith.constant 0 : i32
      %dma_wait3A_100 = tpu.memref_slice %arg6[%add3A_64, %dma_wait3A] : memref<10240x128xf32, #tpu.memory_space<vmem_shared>> -> memref<64x128xf32, #tpu.memory_space<vmem_shared>>
      %dma_wait3A_101 = arith.constant 0 : i32
      %dma_wait3A_102 = tpu.memref_slice %arg6[%add3A_64, %dma_wait3A_101] : memref<10240x128xf32, #tpu.memory_space<vmem_shared>> -> memref<64x128xf32, #tpu.memory_space<vmem_shared>>
      tpu.wait_dma2 semaphore(%run_scoped3A : memref<!tpu.dma_semaphore, #tpu.memory_space<semaphore_mem>>) src(%dma_wait3A_102 : memref<64x128xf32, #tpu.memory_space<vmem_shared>>) dst(%arg10 : memref<64x128xf32, #tpu.memory_space<vmem>>)
      tpu.yield
    }) : () -> ()
    "tpu.region"() ({
      %run_scoped3A = tpu.sem_alloc : memref<!tpu.dma_semaphore, #tpu.memory_space<semaphore_mem>>
      %dma_start3A = arith.constant 0 : i32
      %dma_start3A_97 = tpu.memref_slice %arg5[%arg0, %add3A_64, %dma_start3A] : memref<2x10240x128xf32, #tpu.memory_space<hbm>> -> memref<1x64x128xf32, #tpu.memory_space<hbm>>
      %dma_start3A_98 = tpu.memref_squeeze %dma_start3A_97 : memref<1x64x128xf32, #tpu.memory_space<hbm>> -> memref<64x128xf32, #tpu.memory_space<hbm>>
      %dma_start3A_99 = arith.constant 0 : i32
      %dma_start3A_100 = tpu.memref_slice %arg5[%arg0, %add3A_64, %dma_start3A_99] : memref<2x10240x128xf32, #tpu.memory_space<hbm>> -> memref<1x64x128xf32, #tpu.memory_space<hbm>>
      %dma_start3A_101 = tpu.memref_squeeze %dma_start3A_100 : memref<1x64x128xf32, #tpu.memory_space<hbm>> -> memref<64x128xf32, #tpu.memory_space<hbm>>
      tpu.enqueue_dma source(%arg10 : memref<64x128xf32, #tpu.memory_space<vmem>>) target(%dma_start3A_101 : memref<64x128xf32, #tpu.memory_space<hbm>>) target_semaphore(%run_scoped3A : memref<!tpu.dma_semaphore, #tpu.memory_space<semaphore_mem>>)
      %dma_wait3A = arith.constant 0 : i32
      %dma_wait3A_102 = tpu.memref_slice %arg5[%arg0, %add3A_64, %dma_wait3A] : memref<2x10240x128xf32, #tpu.memory_space<hbm>> -> memref<1x64x128xf32, #tpu.memory_space<hbm>>
      %dma_wait3A_103 = tpu.memref_squeeze %dma_wait3A_102 : memref<1x64x128xf32, #tpu.memory_space<hbm>> -> memref<64x128xf32, #tpu.memory_space<hbm>>
      %dma_wait3A_104 = arith.constant 0 : i32
      %dma_wait3A_105 = tpu.memref_slice %arg5[%arg0, %add3A_64, %dma_wait3A_104] : memref<2x10240x128xf32, #tpu.memory_space<hbm>> -> memref<1x64x128xf32, #tpu.memory_space<hbm>>
      %dma_wait3A_106 = tpu.memref_squeeze %dma_wait3A_105 : memref<1x64x128xf32, #tpu.memory_space<hbm>> -> memref<64x128xf32, #tpu.memory_space<hbm>>
      tpu.wait_dma2 semaphore(%run_scoped3A : memref<!tpu.dma_semaphore, #tpu.memory_space<semaphore_mem>>) src(%arg10 : memref<64x128xf32, #tpu.memory_space<vmem>>) dst(%dma_wait3A_106 : memref<64x128xf32, #tpu.memory_space<hbm>>)
      tpu.yield
    }) : () -> ()
    %mul3A_65 = arith.constant 640 : i32
    %mul3A_66 = arith.muli %arg1, %mul3A_65 : i32
    %add3A_67 = arith.constant 128 : i32
    %add3A_68 = arith.addi %mul3A_66, %add3A_67 : i32
    "tpu.region"() ({
      %run_scoped3A = tpu.sem_alloc : memref<!tpu.dma_semaphore, #tpu.memory_space<semaphore_mem>>
      %dma_start3A = arith.constant 0 : i32
      %dma_start3A_97 = tpu.memref_slice %arg6[%add3A_68, %dma_start3A] : memref<10240x128xf32, #tpu.memory_space<vmem_shared>> -> memref<64x128xf32, #tpu.memory_space<vmem_shared>>
      %dma_start3A_98 = arith.constant 0 : i32
      %dma_start3A_99 = tpu.memref_slice %arg6[%add3A_68, %dma_start3A_98] : memref<10240x128xf32, #tpu.memory_space<vmem_shared>> -> memref<64x128xf32, #tpu.memory_space<vmem_shared>>
      tpu.enqueue_dma source(%dma_start3A_99 : memref<64x128xf32, #tpu.memory_space<vmem_shared>>) target(%arg10 : memref<64x128xf32, #tpu.memory_space<vmem>>) target_semaphore(%run_scoped3A : memref<!tpu.dma_semaphore, #tpu.memory_space<semaphore_mem>>)
      %dma_wait3A = arith.constant 0 : i32
      %dma_wait3A_100 = tpu.memref_slice %arg6[%add3A_68, %dma_wait3A] : memref<10240x128xf32, #tpu.memory_space<vmem_shared>> -> memref<64x128xf32, #tpu.memory_space<vmem_shared>>
      %dma_wait3A_101 = arith.constant 0 : i32
      %dma_wait3A_102 = tpu.memref_slice %arg6[%add3A_68, %dma_wait3A_101] : memref<10240x128xf32, #tpu.memory_space<vmem_shared>> -> memref<64x128xf32, #tpu.memory_space<vmem_shared>>
      tpu.wait_dma2 semaphore(%run_scoped3A : memref<!tpu.dma_semaphore, #tpu.memory_space<semaphore_mem>>) src(%dma_wait3A_102 : memref<64x128xf32, #tpu.memory_space<vmem_shared>>) dst(%arg10 : memref<64x128xf32, #tpu.memory_space<vmem>>)
      tpu.yield
    }) : () -> ()
    "tpu.region"() ({
      %run_scoped3A = tpu.sem_alloc : memref<!tpu.dma_semaphore, #tpu.memory_space<semaphore_mem>>
      %dma_start3A = arith.constant 0 : i32
      %dma_start3A_97 = tpu.memref_slice %arg5[%arg0, %add3A_68, %dma_start3A] : memref<2x10240x128xf32, #tpu.memory_space<hbm>> -> memref<1x64x128xf32, #tpu.memory_space<hbm>>
      %dma_start3A_98 = tpu.memref_squeeze %dma_start3A_97 : memref<1x64x128xf32, #tpu.memory_space<hbm>> -> memref<64x128xf32, #tpu.memory_space<hbm>>
      %dma_start3A_99 = arith.constant 0 : i32
      %dma_start3A_100 = tpu.memref_slice %arg5[%arg0, %add3A_68, %dma_start3A_99] : memref<2x10240x128xf32, #tpu.memory_space<hbm>> -> memref<1x64x128xf32, #tpu.memory_space<hbm>>
      %dma_start3A_101 = tpu.memref_squeeze %dma_start3A_100 : memref<1x64x128xf32, #tpu.memory_space<hbm>> -> memref<64x128xf32, #tpu.memory_space<hbm>>
      tpu.enqueue_dma source(%arg10 : memref<64x128xf32, #tpu.memory_space<vmem>>) target(%dma_start3A_101 : memref<64x128xf32, #tpu.memory_space<hbm>>) target_semaphore(%run_scoped3A : memref<!tpu.dma_semaphore, #tpu.memory_space<semaphore_mem>>)
      %dma_wait3A = arith.constant 0 : i32
      %dma_wait3A_102 = tpu.memref_slice %arg5[%arg0, %add3A_68, %dma_wait3A] : memref<2x10240x128xf32, #tpu.memory_space<hbm>> -> memref<1x64x128xf32, #tpu.memory_space<hbm>>
      %dma_wait3A_103 = tpu.memref_squeeze %dma_wait3A_102 : memref<1x64x128xf32, #tpu.memory_space<hbm>> -> memref<64x128xf32, #tpu.memory_space<hbm>>
      %dma_wait3A_104 = arith.constant 0 : i32
      %dma_wait3A_105 = tpu.memref_slice %arg5[%arg0, %add3A_68, %dma_wait3A_104] : memref<2x10240x128xf32, #tpu.memory_space<hbm>> -> memref<1x64x128xf32, #tpu.memory_space<hbm>>
      %dma_wait3A_106 = tpu.memref_squeeze %dma_wait3A_105 : memref<1x64x128xf32, #tpu.memory_space<hbm>> -> memref<64x128xf32, #tpu.memory_space<hbm>>
      tpu.wait_dma2 semaphore(%run_scoped3A : memref<!tpu.dma_semaphore, #tpu.memory_space<semaphore_mem>>) src(%arg10 : memref<64x128xf32, #tpu.memory_space<vmem>>) dst(%dma_wait3A_106 : memref<64x128xf32, #tpu.memory_space<hbm>>)
      tpu.yield
    }) : () -> ()
    %mul3A_69 = arith.constant 640 : i32
    %mul3A_70 = arith.muli %arg1, %mul3A_69 : i32
    %add3A_71 = arith.constant 192 : i32
    %add3A_72 = arith.addi %mul3A_70, %add3A_71 : i32
    "tpu.region"() ({
      %run_scoped3A = tpu.sem_alloc : memref<!tpu.dma_semaphore, #tpu.memory_space<semaphore_mem>>
      %dma_start3A = arith.constant 0 : i32
      %dma_start3A_97 = tpu.memref_slice %arg6[%add3A_72, %dma_start3A] : memref<10240x128xf32, #tpu.memory_space<vmem_shared>> -> memref<64x128xf32, #tpu.memory_space<vmem_shared>>
      %dma_start3A_98 = arith.constant 0 : i32
      %dma_start3A_99 = tpu.memref_slice %arg6[%add3A_72, %dma_start3A_98] : memref<10240x128xf32, #tpu.memory_space<vmem_shared>> -> memref<64x128xf32, #tpu.memory_space<vmem_shared>>
      tpu.enqueue_dma source(%dma_start3A_99 : memref<64x128xf32, #tpu.memory_space<vmem_shared>>) target(%arg10 : memref<64x128xf32, #tpu.memory_space<vmem>>) target_semaphore(%run_scoped3A : memref<!tpu.dma_semaphore, #tpu.memory_space<semaphore_mem>>)
      %dma_wait3A = arith.constant 0 : i32
      %dma_wait3A_100 = tpu.memref_slice %arg6[%add3A_72, %dma_wait3A] : memref<10240x128xf32, #tpu.memory_space<vmem_shared>> -> memref<64x128xf32, #tpu.memory_space<vmem_shared>>
      %dma_wait3A_101 = arith.constant 0 : i32
      %dma_wait3A_102 = tpu.memref_slice %arg6[%add3A_72, %dma_wait3A_101] : memref<10240x128xf32, #tpu.memory_space<vmem_shared>> -> memref<64x128xf32, #tpu.memory_space<vmem_shared>>
      tpu.wait_dma2 semaphore(%run_scoped3A : memref<!tpu.dma_semaphore, #tpu.memory_space<semaphore_mem>>) src(%dma_wait3A_102 : memref<64x128xf32, #tpu.memory_space<vmem_shared>>) dst(%arg10 : memref<64x128xf32, #tpu.memory_space<vmem>>)
      tpu.yield
    }) : () -> ()
    "tpu.region"() ({
      %run_scoped3A = tpu.sem_alloc : memref<!tpu.dma_semaphore, #tpu.memory_space<semaphore_mem>>
      %dma_start3A = arith.constant 0 : i32
      %dma_start3A_97 = tpu.memref_slice %arg5[%arg0, %add3A_72, %dma_start3A] : memref<2x10240x128xf32, #tpu.memory_space<hbm>> -> memref<1x64x128xf32, #tpu.memory_space<hbm>>
      %dma_start3A_98 = tpu.memref_squeeze %dma_start3A_97 : memref<1x64x128xf32, #tpu.memory_space<hbm>> -> memref<64x128xf32, #tpu.memory_space<hbm>>
      %dma_start3A_99 = arith.constant 0 : i32
      %dma_start3A_100 = tpu.memref_slice %arg5[%arg0, %add3A_72, %dma_start3A_99] : memref<2x10240x128xf32, #tpu.memory_space<hbm>> -> memref<1x64x128xf32, #tpu.memory_space<hbm>>
      %dma_start3A_101 = tpu.memref_squeeze %dma_start3A_100 : memref<1x64x128xf32, #tpu.memory_space<hbm>> -> memref<64x128xf32, #tpu.memory_space<hbm>>
      tpu.enqueue_dma source(%arg10 : memref<64x128xf32, #tpu.memory_space<vmem>>) target(%dma_start3A_101 : memref<64x128xf32, #tpu.memory_space<hbm>>) target_semaphore(%run_scoped3A : memref<!tpu.dma_semaphore, #tpu.memory_space<semaphore_mem>>)
      %dma_wait3A = arith.constant 0 : i32
      %dma_wait3A_102 = tpu.memref_slice %arg5[%arg0, %add3A_72, %dma_wait3A] : memref<2x10240x128xf32, #tpu.memory_space<hbm>> -> memref<1x64x128xf32, #tpu.memory_space<hbm>>
      %dma_wait3A_103 = tpu.memref_squeeze %dma_wait3A_102 : memref<1x64x128xf32, #tpu.memory_space<hbm>> -> memref<64x128xf32, #tpu.memory_space<hbm>>
      %dma_wait3A_104 = arith.constant 0 : i32
      %dma_wait3A_105 = tpu.memref_slice %arg5[%arg0, %add3A_72, %dma_wait3A_104] : memref<2x10240x128xf32, #tpu.memory_space<hbm>> -> memref<1x64x128xf32, #tpu.memory_space<hbm>>
      %dma_wait3A_106 = tpu.memref_squeeze %dma_wait3A_105 : memref<1x64x128xf32, #tpu.memory_space<hbm>> -> memref<64x128xf32, #tpu.memory_space<hbm>>
      tpu.wait_dma2 semaphore(%run_scoped3A : memref<!tpu.dma_semaphore, #tpu.memory_space<semaphore_mem>>) src(%arg10 : memref<64x128xf32, #tpu.memory_space<vmem>>) dst(%dma_wait3A_106 : memref<64x128xf32, #tpu.memory_space<hbm>>)
      tpu.yield
    }) : () -> ()
    %mul3A_73 = arith.constant 640 : i32
    %mul3A_74 = arith.muli %arg1, %mul3A_73 : i32
    %add3A_75 = arith.constant 256 : i32
    %add3A_76 = arith.addi %mul3A_74, %add3A_75 : i32
    "tpu.region"() ({
      %run_scoped3A = tpu.sem_alloc : memref<!tpu.dma_semaphore, #tpu.memory_space<semaphore_mem>>
      %dma_start3A = arith.constant 0 : i32
      %dma_start3A_97 = tpu.memref_slice %arg6[%add3A_76, %dma_start3A] : memref<10240x128xf32, #tpu.memory_space<vmem_shared>> -> memref<64x128xf32, #tpu.memory_space<vmem_shared>>
      %dma_start3A_98 = arith.constant 0 : i32
      %dma_start3A_99 = tpu.memref_slice %arg6[%add3A_76, %dma_start3A_98] : memref<10240x128xf32, #tpu.memory_space<vmem_shared>> -> memref<64x128xf32, #tpu.memory_space<vmem_shared>>
      tpu.enqueue_dma source(%dma_start3A_99 : memref<64x128xf32, #tpu.memory_space<vmem_shared>>) target(%arg10 : memref<64x128xf32, #tpu.memory_space<vmem>>) target_semaphore(%run_scoped3A : memref<!tpu.dma_semaphore, #tpu.memory_space<semaphore_mem>>)
      %dma_wait3A = arith.constant 0 : i32
      %dma_wait3A_100 = tpu.memref_slice %arg6[%add3A_76, %dma_wait3A] : memref<10240x128xf32, #tpu.memory_space<vmem_shared>> -> memref<64x128xf32, #tpu.memory_space<vmem_shared>>
      %dma_wait3A_101 = arith.constant 0 : i32
      %dma_wait3A_102 = tpu.memref_slice %arg6[%add3A_76, %dma_wait3A_101] : memref<10240x128xf32, #tpu.memory_space<vmem_shared>> -> memref<64x128xf32, #tpu.memory_space<vmem_shared>>
      tpu.wait_dma2 semaphore(%run_scoped3A : memref<!tpu.dma_semaphore, #tpu.memory_space<semaphore_mem>>) src(%dma_wait3A_102 : memref<64x128xf32, #tpu.memory_space<vmem_shared>>) dst(%arg10 : memref<64x128xf32, #tpu.memory_space<vmem>>)
      tpu.yield
    }) : () -> ()
    "tpu.region"() ({
      %run_scoped3A = tpu.sem_alloc : memref<!tpu.dma_semaphore, #tpu.memory_space<semaphore_mem>>
      %dma_start3A = arith.constant 0 : i32
      %dma_start3A_97 = tpu.memref_slice %arg5[%arg0, %add3A_76, %dma_start3A] : memref<2x10240x128xf32, #tpu.memory_space<hbm>> -> memref<1x64x128xf32, #tpu.memory_space<hbm>>
      %dma_start3A_98 = tpu.memref_squeeze %dma_start3A_97 : memref<1x64x128xf32, #tpu.memory_space<hbm>> -> memref<64x128xf32, #tpu.memory_space<hbm>>
      %dma_start3A_99 = arith.constant 0 : i32
      %dma_start3A_100 = tpu.memref_slice %arg5[%arg0, %add3A_76, %dma_start3A_99] : memref<2x10240x128xf32, #tpu.memory_space<hbm>> -> memref<1x64x128xf32, #tpu.memory_space<hbm>>
      %dma_start3A_101 = tpu.memref_squeeze %dma_start3A_100 : memref<1x64x128xf32, #tpu.memory_space<hbm>> -> memref<64x128xf32, #tpu.memory_space<hbm>>
      tpu.enqueue_dma source(%arg10 : memref<64x128xf32, #tpu.memory_space<vmem>>) target(%dma_start3A_101 : memref<64x128xf32, #tpu.memory_space<hbm>>) target_semaphore(%run_scoped3A : memref<!tpu.dma_semaphore, #tpu.memory_space<semaphore_mem>>)
      %dma_wait3A = arith.constant 0 : i32
      %dma_wait3A_102 = tpu.memref_slice %arg5[%arg0, %add3A_76, %dma_wait3A] : memref<2x10240x128xf32, #tpu.memory_space<hbm>> -> memref<1x64x128xf32, #tpu.memory_space<hbm>>
      %dma_wait3A_103 = tpu.memref_squeeze %dma_wait3A_102 : memref<1x64x128xf32, #tpu.memory_space<hbm>> -> memref<64x128xf32, #tpu.memory_space<hbm>>
      %dma_wait3A_104 = arith.constant 0 : i32
      %dma_wait3A_105 = tpu.memref_slice %arg5[%arg0, %add3A_76, %dma_wait3A_104] : memref<2x10240x128xf32, #tpu.memory_space<hbm>> -> memref<1x64x128xf32, #tpu.memory_space<hbm>>
      %dma_wait3A_106 = tpu.memref_squeeze %dma_wait3A_105 : memref<1x64x128xf32, #tpu.memory_space<hbm>> -> memref<64x128xf32, #tpu.memory_space<hbm>>
      tpu.wait_dma2 semaphore(%run_scoped3A : memref<!tpu.dma_semaphore, #tpu.memory_space<semaphore_mem>>) src(%arg10 : memref<64x128xf32, #tpu.memory_space<vmem>>) dst(%dma_wait3A_106 : memref<64x128xf32, #tpu.memory_space<hbm>>)
      tpu.yield
    }) : () -> ()
    %mul3A_77 = arith.constant 640 : i32
    %mul3A_78 = arith.muli %arg1, %mul3A_77 : i32
    %add3A_79 = arith.constant 320 : i32
    %add3A_80 = arith.addi %mul3A_78, %add3A_79 : i32
    "tpu.region"() ({
      %run_scoped3A = tpu.sem_alloc : memref<!tpu.dma_semaphore, #tpu.memory_space<semaphore_mem>>
      %dma_start3A = arith.constant 0 : i32
      %dma_start3A_97 = tpu.memref_slice %arg6[%add3A_80, %dma_start3A] : memref<10240x128xf32, #tpu.memory_space<vmem_shared>> -> memref<64x128xf32, #tpu.memory_space<vmem_shared>>
      %dma_start3A_98 = arith.constant 0 : i32
      %dma_start3A_99 = tpu.memref_slice %arg6[%add3A_80, %dma_start3A_98] : memref<10240x128xf32, #tpu.memory_space<vmem_shared>> -> memref<64x128xf32, #tpu.memory_space<vmem_shared>>
      tpu.enqueue_dma source(%dma_start3A_99 : memref<64x128xf32, #tpu.memory_space<vmem_shared>>) target(%arg10 : memref<64x128xf32, #tpu.memory_space<vmem>>) target_semaphore(%run_scoped3A : memref<!tpu.dma_semaphore, #tpu.memory_space<semaphore_mem>>)
      %dma_wait3A = arith.constant 0 : i32
      %dma_wait3A_100 = tpu.memref_slice %arg6[%add3A_80, %dma_wait3A] : memref<10240x128xf32, #tpu.memory_space<vmem_shared>> -> memref<64x128xf32, #tpu.memory_space<vmem_shared>>
      %dma_wait3A_101 = arith.constant 0 : i32
      %dma_wait3A_102 = tpu.memref_slice %arg6[%add3A_80, %dma_wait3A_101] : memref<10240x128xf32, #tpu.memory_space<vmem_shared>> -> memref<64x128xf32, #tpu.memory_space<vmem_shared>>
      tpu.wait_dma2 semaphore(%run_scoped3A : memref<!tpu.dma_semaphore, #tpu.memory_space<semaphore_mem>>) src(%dma_wait3A_102 : memref<64x128xf32, #tpu.memory_space<vmem_shared>>) dst(%arg10 : memref<64x128xf32, #tpu.memory_space<vmem>>)
      tpu.yield
    }) : () -> ()
    "tpu.region"() ({
      %run_scoped3A = tpu.sem_alloc : memref<!tpu.dma_semaphore, #tpu.memory_space<semaphore_mem>>
      %dma_start3A = arith.constant 0 : i32
      %dma_start3A_97 = tpu.memref_slice %arg5[%arg0, %add3A_80, %dma_start3A] : memref<2x10240x128xf32, #tpu.memory_space<hbm>> -> memref<1x64x128xf32, #tpu.memory_space<hbm>>
      %dma_start3A_98 = tpu.memref_squeeze %dma_start3A_97 : memref<1x64x128xf32, #tpu.memory_space<hbm>> -> memref<64x128xf32, #tpu.memory_space<hbm>>
      %dma_start3A_99 = arith.constant 0 : i32
      %dma_start3A_100 = tpu.memref_slice %arg5[%arg0, %add3A_80, %dma_start3A_99] : memref<2x10240x128xf32, #tpu.memory_space<hbm>> -> memref<1x64x128xf32, #tpu.memory_space<hbm>>
      %dma_start3A_101 = tpu.memref_squeeze %dma_start3A_100 : memref<1x64x128xf32, #tpu.memory_space<hbm>> -> memref<64x128xf32, #tpu.memory_space<hbm>>
      tpu.enqueue_dma source(%arg10 : memref<64x128xf32, #tpu.memory_space<vmem>>) target(%dma_start3A_101 : memref<64x128xf32, #tpu.memory_space<hbm>>) target_semaphore(%run_scoped3A : memref<!tpu.dma_semaphore, #tpu.memory_space<semaphore_mem>>)
      %dma_wait3A = arith.constant 0 : i32
      %dma_wait3A_102 = tpu.memref_slice %arg5[%arg0, %add3A_80, %dma_wait3A] : memref<2x10240x128xf32, #tpu.memory_space<hbm>> -> memref<1x64x128xf32, #tpu.memory_space<hbm>>
      %dma_wait3A_103 = tpu.memref_squeeze %dma_wait3A_102 : memref<1x64x128xf32, #tpu.memory_space<hbm>> -> memref<64x128xf32, #tpu.memory_space<hbm>>
      %dma_wait3A_104 = arith.constant 0 : i32
      %dma_wait3A_105 = tpu.memref_slice %arg5[%arg0, %add3A_80, %dma_wait3A_104] : memref<2x10240x128xf32, #tpu.memory_space<hbm>> -> memref<1x64x128xf32, #tpu.memory_space<hbm>>
      %dma_wait3A_106 = tpu.memref_squeeze %dma_wait3A_105 : memref<1x64x128xf32, #tpu.memory_space<hbm>> -> memref<64x128xf32, #tpu.memory_space<hbm>>
      tpu.wait_dma2 semaphore(%run_scoped3A : memref<!tpu.dma_semaphore, #tpu.memory_space<semaphore_mem>>) src(%arg10 : memref<64x128xf32, #tpu.memory_space<vmem>>) dst(%dma_wait3A_106 : memref<64x128xf32, #tpu.memory_space<hbm>>)
      tpu.yield
    }) : () -> ()
    %mul3A_81 = arith.constant 640 : i32
    %mul3A_82 = arith.muli %arg1, %mul3A_81 : i32
    %add3A_83 = arith.constant 384 : i32
    %add3A_84 = arith.addi %mul3A_82, %add3A_83 : i32
    "tpu.region"() ({
      %run_scoped3A = tpu.sem_alloc : memref<!tpu.dma_semaphore, #tpu.memory_space<semaphore_mem>>
      %dma_start3A = arith.constant 0 : i32
      %dma_start3A_97 = tpu.memref_slice %arg6[%add3A_84, %dma_start3A] : memref<10240x128xf32, #tpu.memory_space<vmem_shared>> -> memref<64x128xf32, #tpu.memory_space<vmem_shared>>
      %dma_start3A_98 = arith.constant 0 : i32
      %dma_start3A_99 = tpu.memref_slice %arg6[%add3A_84, %dma_start3A_98] : memref<10240x128xf32, #tpu.memory_space<vmem_shared>> -> memref<64x128xf32, #tpu.memory_space<vmem_shared>>
      tpu.enqueue_dma source(%dma_start3A_99 : memref<64x128xf32, #tpu.memory_space<vmem_shared>>) target(%arg10 : memref<64x128xf32, #tpu.memory_space<vmem>>) target_semaphore(%run_scoped3A : memref<!tpu.dma_semaphore, #tpu.memory_space<semaphore_mem>>)
      %dma_wait3A = arith.constant 0 : i32
      %dma_wait3A_100 = tpu.memref_slice %arg6[%add3A_84, %dma_wait3A] : memref<10240x128xf32, #tpu.memory_space<vmem_shared>> -> memref<64x128xf32, #tpu.memory_space<vmem_shared>>
      %dma_wait3A_101 = arith.constant 0 : i32
      %dma_wait3A_102 = tpu.memref_slice %arg6[%add3A_84, %dma_wait3A_101] : memref<10240x128xf32, #tpu.memory_space<vmem_shared>> -> memref<64x128xf32, #tpu.memory_space<vmem_shared>>
      tpu.wait_dma2 semaphore(%run_scoped3A : memref<!tpu.dma_semaphore, #tpu.memory_space<semaphore_mem>>) src(%dma_wait3A_102 : memref<64x128xf32, #tpu.memory_space<vmem_shared>>) dst(%arg10 : memref<64x128xf32, #tpu.memory_space<vmem>>)
      tpu.yield
    }) : () -> ()
    "tpu.region"() ({
      %run_scoped3A = tpu.sem_alloc : memref<!tpu.dma_semaphore, #tpu.memory_space<semaphore_mem>>
      %dma_start3A = arith.constant 0 : i32
      %dma_start3A_97 = tpu.memref_slice %arg5[%arg0, %add3A_84, %dma_start3A] : memref<2x10240x128xf32, #tpu.memory_space<hbm>> -> memref<1x64x128xf32, #tpu.memory_space<hbm>>
      %dma_start3A_98 = tpu.memref_squeeze %dma_start3A_97 : memref<1x64x128xf32, #tpu.memory_space<hbm>> -> memref<64x128xf32, #tpu.memory_space<hbm>>
      %dma_start3A_99 = arith.constant 0 : i32
      %dma_start3A_100 = tpu.memref_slice %arg5[%arg0, %add3A_84, %dma_start3A_99] : memref<2x10240x128xf32, #tpu.memory_space<hbm>> -> memref<1x64x128xf32, #tpu.memory_space<hbm>>
      %dma_start3A_101 = tpu.memref_squeeze %dma_start3A_100 : memref<1x64x128xf32, #tpu.memory_space<hbm>> -> memref<64x128xf32, #tpu.memory_space<hbm>>
      tpu.enqueue_dma source(%arg10 : memref<64x128xf32, #tpu.memory_space<vmem>>) target(%dma_start3A_101 : memref<64x128xf32, #tpu.memory_space<hbm>>) target_semaphore(%run_scoped3A : memref<!tpu.dma_semaphore, #tpu.memory_space<semaphore_mem>>)
      %dma_wait3A = arith.constant 0 : i32
      %dma_wait3A_102 = tpu.memref_slice %arg5[%arg0, %add3A_84, %dma_wait3A] : memref<2x10240x128xf32, #tpu.memory_space<hbm>> -> memref<1x64x128xf32, #tpu.memory_space<hbm>>
      %dma_wait3A_103 = tpu.memref_squeeze %dma_wait3A_102 : memref<1x64x128xf32, #tpu.memory_space<hbm>> -> memref<64x128xf32, #tpu.memory_space<hbm>>
      %dma_wait3A_104 = arith.constant 0 : i32
      %dma_wait3A_105 = tpu.memref_slice %arg5[%arg0, %add3A_84, %dma_wait3A_104] : memref<2x10240x128xf32, #tpu.memory_space<hbm>> -> memref<1x64x128xf32, #tpu.memory_space<hbm>>
      %dma_wait3A_106 = tpu.memref_squeeze %dma_wait3A_105 : memref<1x64x128xf32, #tpu.memory_space<hbm>> -> memref<64x128xf32, #tpu.memory_space<hbm>>
      tpu.wait_dma2 semaphore(%run_scoped3A : memref<!tpu.dma_semaphore, #tpu.memory_space<semaphore_mem>>) src(%arg10 : memref<64x128xf32, #tpu.memory_space<vmem>>) dst(%dma_wait3A_106 : memref<64x128xf32, #tpu.memory_space<hbm>>)
      tpu.yield
    }) : () -> ()
    %mul3A_85 = arith.constant 640 : i32
    %mul3A_86 = arith.muli %arg1, %mul3A_85 : i32
    %add3A_87 = arith.constant 448 : i32
    %add3A_88 = arith.addi %mul3A_86, %add3A_87 : i32
    "tpu.region"() ({
      %run_scoped3A = tpu.sem_alloc : memref<!tpu.dma_semaphore, #tpu.memory_space<semaphore_mem>>
      %dma_start3A = arith.constant 0 : i32
      %dma_start3A_97 = tpu.memref_slice %arg6[%add3A_88, %dma_start3A] : memref<10240x128xf32, #tpu.memory_space<vmem_shared>> -> memref<64x128xf32, #tpu.memory_space<vmem_shared>>
      %dma_start3A_98 = arith.constant 0 : i32
      %dma_start3A_99 = tpu.memref_slice %arg6[%add3A_88, %dma_start3A_98] : memref<10240x128xf32, #tpu.memory_space<vmem_shared>> -> memref<64x128xf32, #tpu.memory_space<vmem_shared>>
      tpu.enqueue_dma source(%dma_start3A_99 : memref<64x128xf32, #tpu.memory_space<vmem_shared>>) target(%arg10 : memref<64x128xf32, #tpu.memory_space<vmem>>) target_semaphore(%run_scoped3A : memref<!tpu.dma_semaphore, #tpu.memory_space<semaphore_mem>>)
      %dma_wait3A = arith.constant 0 : i32
      %dma_wait3A_100 = tpu.memref_slice %arg6[%add3A_88, %dma_wait3A] : memref<10240x128xf32, #tpu.memory_space<vmem_shared>> -> memref<64x128xf32, #tpu.memory_space<vmem_shared>>
      %dma_wait3A_101 = arith.constant 0 : i32
      %dma_wait3A_102 = tpu.memref_slice %arg6[%add3A_88, %dma_wait3A_101] : memref<10240x128xf32, #tpu.memory_space<vmem_shared>> -> memref<64x128xf32, #tpu.memory_space<vmem_shared>>
      tpu.wait_dma2 semaphore(%run_scoped3A : memref<!tpu.dma_semaphore, #tpu.memory_space<semaphore_mem>>) src(%dma_wait3A_102 : memref<64x128xf32, #tpu.memory_space<vmem_shared>>) dst(%arg10 : memref<64x128xf32, #tpu.memory_space<vmem>>)
      tpu.yield
    }) : () -> ()
    "tpu.region"() ({
      %run_scoped3A = tpu.sem_alloc : memref<!tpu.dma_semaphore, #tpu.memory_space<semaphore_mem>>
      %dma_start3A = arith.constant 0 : i32
      %dma_start3A_97 = tpu.memref_slice %arg5[%arg0, %add3A_88, %dma_start3A] : memref<2x10240x128xf32, #tpu.memory_space<hbm>> -> memref<1x64x128xf32, #tpu.memory_space<hbm>>
      %dma_start3A_98 = tpu.memref_squeeze %dma_start3A_97 : memref<1x64x128xf32, #tpu.memory_space<hbm>> -> memref<64x128xf32, #tpu.memory_space<hbm>>
      %dma_start3A_99 = arith.constant 0 : i32
      %dma_start3A_100 = tpu.memref_slice %arg5[%arg0, %add3A_88, %dma_start3A_99] : memref<2x10240x128xf32, #tpu.memory_space<hbm>> -> memref<1x64x128xf32, #tpu.memory_space<hbm>>
      %dma_start3A_101 = tpu.memref_squeeze %dma_start3A_100 : memref<1x64x128xf32, #tpu.memory_space<hbm>> -> memref<64x128xf32, #tpu.memory_space<hbm>>
      tpu.enqueue_dma source(%arg10 : memref<64x128xf32, #tpu.memory_space<vmem>>) target(%dma_start3A_101 : memref<64x128xf32, #tpu.memory_space<hbm>>) target_semaphore(%run_scoped3A : memref<!tpu.dma_semaphore, #tpu.memory_space<semaphore_mem>>)
      %dma_wait3A = arith.constant 0 : i32
      %dma_wait3A_102 = tpu.memref_slice %arg5[%arg0, %add3A_88, %dma_wait3A] : memref<2x10240x128xf32, #tpu.memory_space<hbm>> -> memref<1x64x128xf32, #tpu.memory_space<hbm>>
      %dma_wait3A_103 = tpu.memref_squeeze %dma_wait3A_102 : memref<1x64x128xf32, #tpu.memory_space<hbm>> -> memref<64x128xf32, #tpu.memory_space<hbm>>
      %dma_wait3A_104 = arith.constant 0 : i32
      %dma_wait3A_105 = tpu.memref_slice %arg5[%arg0, %add3A_88, %dma_wait3A_104] : memref<2x10240x128xf32, #tpu.memory_space<hbm>> -> memref<1x64x128xf32, #tpu.memory_space<hbm>>
      %dma_wait3A_106 = tpu.memref_squeeze %dma_wait3A_105 : memref<1x64x128xf32, #tpu.memory_space<hbm>> -> memref<64x128xf32, #tpu.memory_space<hbm>>
      tpu.wait_dma2 semaphore(%run_scoped3A : memref<!tpu.dma_semaphore, #tpu.memory_space<semaphore_mem>>) src(%arg10 : memref<64x128xf32, #tpu.memory_space<vmem>>) dst(%dma_wait3A_106 : memref<64x128xf32, #tpu.memory_space<hbm>>)
      tpu.yield
    }) : () -> ()
    %mul3A_89 = arith.constant 640 : i32
    %mul3A_90 = arith.muli %arg1, %mul3A_89 : i32
    %add3A_91 = arith.constant 512 : i32
    %add3A_92 = arith.addi %mul3A_90, %add3A_91 : i32
    "tpu.region"() ({
      %run_scoped3A = tpu.sem_alloc : memref<!tpu.dma_semaphore, #tpu.memory_space<semaphore_mem>>
      %dma_start3A = arith.constant 0 : i32
      %dma_start3A_97 = tpu.memref_slice %arg6[%add3A_92, %dma_start3A] : memref<10240x128xf32, #tpu.memory_space<vmem_shared>> -> memref<64x128xf32, #tpu.memory_space<vmem_shared>>
      %dma_start3A_98 = arith.constant 0 : i32
      %dma_start3A_99 = tpu.memref_slice %arg6[%add3A_92, %dma_start3A_98] : memref<10240x128xf32, #tpu.memory_space<vmem_shared>> -> memref<64x128xf32, #tpu.memory_space<vmem_shared>>
      tpu.enqueue_dma source(%dma_start3A_99 : memref<64x128xf32, #tpu.memory_space<vmem_shared>>) target(%arg10 : memref<64x128xf32, #tpu.memory_space<vmem>>) target_semaphore(%run_scoped3A : memref<!tpu.dma_semaphore, #tpu.memory_space<semaphore_mem>>)
      %dma_wait3A = arith.constant 0 : i32
      %dma_wait3A_100 = tpu.memref_slice %arg6[%add3A_92, %dma_wait3A] : memref<10240x128xf32, #tpu.memory_space<vmem_shared>> -> memref<64x128xf32, #tpu.memory_space<vmem_shared>>
      %dma_wait3A_101 = arith.constant 0 : i32
      %dma_wait3A_102 = tpu.memref_slice %arg6[%add3A_92, %dma_wait3A_101] : memref<10240x128xf32, #tpu.memory_space<vmem_shared>> -> memref<64x128xf32, #tpu.memory_space<vmem_shared>>
      tpu.wait_dma2 semaphore(%run_scoped3A : memref<!tpu.dma_semaphore, #tpu.memory_space<semaphore_mem>>) src(%dma_wait3A_102 : memref<64x128xf32, #tpu.memory_space<vmem_shared>>) dst(%arg10 : memref<64x128xf32, #tpu.memory_space<vmem>>)
      tpu.yield
    }) : () -> ()
    "tpu.region"() ({
      %run_scoped3A = tpu.sem_alloc : memref<!tpu.dma_semaphore, #tpu.memory_space<semaphore_mem>>
      %dma_start3A = arith.constant 0 : i32
      %dma_start3A_97 = tpu.memref_slice %arg5[%arg0, %add3A_92, %dma_start3A] : memref<2x10240x128xf32, #tpu.memory_space<hbm>> -> memref<1x64x128xf32, #tpu.memory_space<hbm>>
      %dma_start3A_98 = tpu.memref_squeeze %dma_start3A_97 : memref<1x64x128xf32, #tpu.memory_space<hbm>> -> memref<64x128xf32, #tpu.memory_space<hbm>>
      %dma_start3A_99 = arith.constant 0 : i32
      %dma_start3A_100 = tpu.memref_slice %arg5[%arg0, %add3A_92, %dma_start3A_99] : memref<2x10240x128xf32, #tpu.memory_space<hbm>> -> memref<1x64x128xf32, #tpu.memory_space<hbm>>
      %dma_start3A_101 = tpu.memref_squeeze %dma_start3A_100 : memref<1x64x128xf32, #tpu.memory_space<hbm>> -> memref<64x128xf32, #tpu.memory_space<hbm>>
      tpu.enqueue_dma source(%arg10 : memref<64x128xf32, #tpu.memory_space<vmem>>) target(%dma_start3A_101 : memref<64x128xf32, #tpu.memory_space<hbm>>) target_semaphore(%run_scoped3A : memref<!tpu.dma_semaphore, #tpu.memory_space<semaphore_mem>>)
      %dma_wait3A = arith.constant 0 : i32
      %dma_wait3A_102 = tpu.memref_slice %arg5[%arg0, %add3A_92, %dma_wait3A] : memref<2x10240x128xf32, #tpu.memory_space<hbm>> -> memref<1x64x128xf32, #tpu.memory_space<hbm>>
      %dma_wait3A_103 = tpu.memref_squeeze %dma_wait3A_102 : memref<1x64x128xf32, #tpu.memory_space<hbm>> -> memref<64x128xf32, #tpu.memory_space<hbm>>
      %dma_wait3A_104 = arith.constant 0 : i32
      %dma_wait3A_105 = tpu.memref_slice %arg5[%arg0, %add3A_92, %dma_wait3A_104] : memref<2x10240x128xf32, #tpu.memory_space<hbm>> -> memref<1x64x128xf32, #tpu.memory_space<hbm>>
      %dma_wait3A_106 = tpu.memref_squeeze %dma_wait3A_105 : memref<1x64x128xf32, #tpu.memory_space<hbm>> -> memref<64x128xf32, #tpu.memory_space<hbm>>
      tpu.wait_dma2 semaphore(%run_scoped3A : memref<!tpu.dma_semaphore, #tpu.memory_space<semaphore_mem>>) src(%arg10 : memref<64x128xf32, #tpu.memory_space<vmem>>) dst(%dma_wait3A_106 : memref<64x128xf32, #tpu.memory_space<hbm>>)
      tpu.yield
    }) : () -> ()
    %mul3A_93 = arith.constant 640 : i32
    %mul3A_94 = arith.muli %arg1, %mul3A_93 : i32
    %add3A_95 = arith.constant 576 : i32
    %add3A_96 = arith.addi %mul3A_94, %add3A_95 : i32
    "tpu.region"() ({
      %run_scoped3A = tpu.sem_alloc : memref<!tpu.dma_semaphore, #tpu.memory_space<semaphore_mem>>
      %dma_start3A = arith.constant 0 : i32
      %dma_start3A_97 = tpu.memref_slice %arg6[%add3A_96, %dma_start3A] : memref<10240x128xf32, #tpu.memory_space<vmem_shared>> -> memref<64x128xf32, #tpu.memory_space<vmem_shared>>
      %dma_start3A_98 = arith.constant 0 : i32
      %dma_start3A_99 = tpu.memref_slice %arg6[%add3A_96, %dma_start3A_98] : memref<10240x128xf32, #tpu.memory_space<vmem_shared>> -> memref<64x128xf32, #tpu.memory_space<vmem_shared>>
      tpu.enqueue_dma source(%dma_start3A_99 : memref<64x128xf32, #tpu.memory_space<vmem_shared>>) target(%arg10 : memref<64x128xf32, #tpu.memory_space<vmem>>) target_semaphore(%run_scoped3A : memref<!tpu.dma_semaphore, #tpu.memory_space<semaphore_mem>>)
      %dma_wait3A = arith.constant 0 : i32
      %dma_wait3A_100 = tpu.memref_slice %arg6[%add3A_96, %dma_wait3A] : memref<10240x128xf32, #tpu.memory_space<vmem_shared>> -> memref<64x128xf32, #tpu.memory_space<vmem_shared>>
      %dma_wait3A_101 = arith.constant 0 : i32
      %dma_wait3A_102 = tpu.memref_slice %arg6[%add3A_96, %dma_wait3A_101] : memref<10240x128xf32, #tpu.memory_space<vmem_shared>> -> memref<64x128xf32, #tpu.memory_space<vmem_shared>>
      tpu.wait_dma2 semaphore(%run_scoped3A : memref<!tpu.dma_semaphore, #tpu.memory_space<semaphore_mem>>) src(%dma_wait3A_102 : memref<64x128xf32, #tpu.memory_space<vmem_shared>>) dst(%arg10 : memref<64x128xf32, #tpu.memory_space<vmem>>)
      tpu.yield
    }) : () -> ()
    "tpu.region"() ({
      %run_scoped3A = tpu.sem_alloc : memref<!tpu.dma_semaphore, #tpu.memory_space<semaphore_mem>>
      %dma_start3A = arith.constant 0 : i32
      %dma_start3A_97 = tpu.memref_slice %arg5[%arg0, %add3A_96, %dma_start3A] : memref<2x10240x128xf32, #tpu.memory_space<hbm>> -> memref<1x64x128xf32, #tpu.memory_space<hbm>>
      %dma_start3A_98 = tpu.memref_squeeze %dma_start3A_97 : memref<1x64x128xf32, #tpu.memory_space<hbm>> -> memref<64x128xf32, #tpu.memory_space<hbm>>
      %dma_start3A_99 = arith.constant 0 : i32
      %dma_start3A_100 = tpu.memref_slice %arg5[%arg0, %add3A_96, %dma_start3A_99] : memref<2x10240x128xf32, #tpu.memory_space<hbm>> -> memref<1x64x128xf32, #tpu.memory_space<hbm>>
      %dma_start3A_101 = tpu.memref_squeeze %dma_start3A_100 : memref<1x64x128xf32, #tpu.memory_space<hbm>> -> memref<64x128xf32, #tpu.memory_space<hbm>>
      tpu.enqueue_dma source(%arg10 : memref<64x128xf32, #tpu.memory_space<vmem>>) target(%dma_start3A_101 : memref<64x128xf32, #tpu.memory_space<hbm>>) target_semaphore(%run_scoped3A : memref<!tpu.dma_semaphore, #tpu.memory_space<semaphore_mem>>)
      %dma_wait3A = arith.constant 0 : i32
      %dma_wait3A_102 = tpu.memref_slice %arg5[%arg0, %add3A_96, %dma_wait3A] : memref<2x10240x128xf32, #tpu.memory_space<hbm>> -> memref<1x64x128xf32, #tpu.memory_space<hbm>>
      %dma_wait3A_103 = tpu.memref_squeeze %dma_wait3A_102 : memref<1x64x128xf32, #tpu.memory_space<hbm>> -> memref<64x128xf32, #tpu.memory_space<hbm>>
      %dma_wait3A_104 = arith.constant 0 : i32
      %dma_wait3A_105 = tpu.memref_slice %arg5[%arg0, %add3A_96, %dma_wait3A_104] : memref<2x10240x128xf32, #tpu.memory_space<hbm>> -> memref<1x64x128xf32, #tpu.memory_space<hbm>>
      %dma_wait3A_106 = tpu.memref_squeeze %dma_wait3A_105 : memref<1x64x128xf32, #tpu.memory_space<hbm>> -> memref<64x128xf32, #tpu.memory_space<hbm>>
      tpu.wait_dma2 semaphore(%run_scoped3A : memref<!tpu.dma_semaphore, #tpu.memory_space<semaphore_mem>>) src(%arg10 : memref<64x128xf32, #tpu.memory_space<vmem>>) dst(%dma_wait3A_106 : memref<64x128xf32, #tpu.memory_space<hbm>>)
      tpu.yield
    }) : () -> ()
    return
  }
}

module attributes {stable_mosaic.version = 14 : i64} {
  func.func @_tc_first_body(%arg0: i32, %arg1: memref<1000x2xf32, #tpu.memory_space<vmem>>, %arg2: memref<1000x128xf32, #tpu.memory_space<vmem>>, %arg3: memref<128x128xf32, #tpu.memory_space<vmem>>, %arg4: memref<1000x128xf32, #tpu.memory_space<vmem>>, %arg5: memref<1000x1xf32, #tpu.memory_space<vmem>>) attributes {dimension_semantics = [#tpu.dimension_semantics<arbitrary>], iteration_bounds = array<i64: 10>, scalar_prefetch = 0 : i64, scratch_operands = 0 : i64, tpu.core_type = #tpu.core_type<tc>, window_params = [{transform_indices = @transform_0, window_bounds = array<i64: 1000, 2>}, {transform_indices = @transform_1, window_bounds = array<i64: 1000, 128>}, {pipeline_mode = #tpu.pipeline_mode<synchronous>, transform_indices = @transform_2, window_bounds = array<i64: 128, 128>}, {transform_indices = @transform_3, window_bounds = array<i64: 1000, 128>}, {transform_indices = @transform_4, window_bounds = array<i64: 1000, 1>}]} {
    %get3A = arith.constant 0 : index
    %get3A_0 = arith.constant 0 : index
    %get3A_1 = vector.load %arg1[%get3A, %get3A_0] : memref<1000x2xf32, #tpu.memory_space<vmem>>, vector<1000x1xf32>
    %get3A_2 = vector.shape_cast %get3A_1 : vector<1000x1xf32> to vector<1000xf32>
    %get3A_3 = arith.constant 0 : index
    %get3A_4 = arith.constant 1 : index
    %get3A_5 = vector.load %arg1[%get3A_3, %get3A_4] : memref<1000x2xf32, #tpu.memory_space<vmem>>, vector<1000x1xf32>
    %get3A_6 = vector.shape_cast %get3A_5 : vector<1000x1xf32> to vector<1000xf32>
    %add3A = arith.addf %get3A_2, %get3A_6 : vector<1000xf32>
    %max3A = arith.constant 1.000000e+00 : f32
    %max3A_7 = vector.broadcast %max3A : f32 to vector<1000xf32>
    %max3A_8 = arith.maximumf %add3A, %max3A_7 : vector<1000xf32>
    %rsqrt3A = math.rsqrt %max3A_8 : vector<1000xf32>
    %get3A_9 = arith.constant 0 : index
    %get3A_10 = arith.constant 0 : index
    %get3A_11 = vector.load %arg2[%get3A_9, %get3A_10] : memref<1000x128xf32, #tpu.memory_space<vmem>>, vector<1000x128xf32>
    %get3A_12 = arith.constant 0 : index
    %get3A_13 = arith.constant 0 : index
    %get3A_14 = vector.load %arg3[%get3A_12, %get3A_13] : memref<128x128xf32, #tpu.memory_space<vmem>>, vector<128x128xf32>
    %dot_general3A = arith.constant dense<0.000000e+00> : vector<1000x128xf32>
    %dot_general3A_15 = tpu.matmul %get3A_11, %get3A_14, %dot_general3A {dimension_numbers = #tpu.dot_dimension_numbers<[1], [0], [0], [1], [0, 0, 1, 1], [], []>, transpose_lhs_hint = false} : vector<1000x128xf32>, vector<128x128xf32>, vector<1000x128xf32> -> vector<1000x128xf32>
    %broadcast_in_dim3A = vector.shape_cast %rsqrt3A : vector<1000xf32> to vector<1000x1xf32>
    %mul3A = vector.broadcast %broadcast_in_dim3A : vector<1000x1xf32> to vector<1000x128xf32>
    %mul3A_16 = arith.mulf %dot_general3A_15, %mul3A : vector<1000x128xf32>
    %swap3A = arith.constant 0 : index
    %swap3A_17 = arith.constant 0 : index
    %swap3A_18 = vector.load %arg4[%swap3A, %swap3A_17] : memref<1000x128xf32, #tpu.memory_space<vmem>>, vector<1000x128xf32>
    tpu.vector_store %arg4[%swap3A, %swap3A_17], %mul3A_16 {strides = array<i32>} : memref<1000x128xf32, #tpu.memory_space<vmem>>, vector<1000x128xf32>,
    %broadcast_in_dim3A_19 = vector.shape_cast %rsqrt3A : vector<1000xf32> to vector<1000x1xf32>
    %swap3A_20 = arith.constant 0 : index
    %swap3A_21 = arith.constant 0 : index
    %swap3A_22 = vector.load %arg5[%swap3A_20, %swap3A_21] : memref<1000x1xf32, #tpu.memory_space<vmem>>, vector<1000x1xf32>
    tpu.vector_store %arg5[%swap3A_20, %swap3A_21], %broadcast_in_dim3A_19 {strides = array<i32>} : memref<1000x1xf32, #tpu.memory_space<vmem>>, vector<1000x1xf32>,
    return
  }
  func.func @transform_0(%arg0: i32) -> (i32, i32) {
    %c0_i32 = arith.constant 0 : i32
    %c0_i32_0 = arith.constant 0 : i32
    return %arg0, %c0_i32 : i32, i32
  }
  func.func @transform_1(%arg0: i32) -> (i32, i32) {
    %c0_i32 = arith.constant 0 : i32
    %c0_i32_0 = arith.constant 0 : i32
    return %arg0, %c0_i32 : i32, i32
  }
  func.func @transform_2(%arg0: i32) -> (i32, i32) {
    %c0_i32 = arith.constant 0 : i32
    %c0_i32_0 = arith.constant 0 : i32
    %c0_i32_1 = arith.constant 0 : i32
    return %c0_i32, %c0_i32_0 : i32, i32
  }
  func.func @transform_3(%arg0: i32) -> (i32, i32) {
    %c0_i32 = arith.constant 0 : i32
    %c0_i32_0 = arith.constant 0 : i32
    return %arg0, %c0_i32 : i32, i32
  }
  func.func @transform_4(%arg0: i32) -> (i32, i32) {
    %c0_i32 = arith.constant 0 : i32
    %c0_i32_0 = arith.constant 0 : i32
    return %arg0, %c0_i32 : i32, i32
  }
}

module attributes {stable_mosaic.version = 14 : i64} {
  func.func @_tc_mid_body(%arg0: i32, %arg1: memref<2x1000x128xf32, #tpu.memory_space<vmem>>, %arg2: memref<1000x1xf32, #tpu.memory_space<vmem>>, %arg3: memref<1x128xf32, #tpu.memory_space<vmem>>, %arg4: memref<128x128xf32, #tpu.memory_space<vmem>>, %arg5: memref<1000x128xf32, #tpu.memory_space<vmem>>) attributes {dimension_semantics = [#tpu.dimension_semantics<arbitrary>], iteration_bounds = array<i64: 10>, scalar_prefetch = 0 : i64, scratch_operands = 0 : i64, tpu.core_type = #tpu.core_type<tc>, window_params = [{transform_indices = @transform_0, window_bounds = array<i64: 2, 1000, 128>}, {transform_indices = @transform_1, window_bounds = array<i64: 1000, 1>}, {pipeline_mode = #tpu.pipeline_mode<synchronous>, transform_indices = @transform_2, window_bounds = array<i64: 1, 128>}, {pipeline_mode = #tpu.pipeline_mode<synchronous>, transform_indices = @transform_3, window_bounds = array<i64: 128, 128>}, {transform_indices = @transform_4, window_bounds = array<i64: 1000, 128>}]} {
    %get3A = arith.constant 0 : index
    %get3A_0 = arith.constant 0 : index
    %get3A_1 = vector.load %arg2[%get3A, %get3A_0] : memref<1000x1xf32, #tpu.memory_space<vmem>>, vector<1000x1xf32>
    %get3A_2 = arith.constant 0 : index
    %get3A_3 = arith.constant 0 : index
    %get3A_4 = arith.constant 0 : index
    %get3A_5 = vector.load %arg1[%get3A_2, %get3A_3, %get3A_4] : memref<2x1000x128xf32, #tpu.memory_space<vmem>>, vector<1x1000x128xf32>
    %get3A_6 = vector.shape_cast %get3A_5 : vector<1x1000x128xf32> to vector<1000x128xf32>
    %get3A_7 = arith.constant 1 : index
    %get3A_8 = arith.constant 0 : index
    %get3A_9 = arith.constant 0 : index
    %get3A_10 = vector.load %arg1[%get3A_7, %get3A_8, %get3A_9] : memref<2x1000x128xf32, #tpu.memory_space<vmem>>, vector<1x1000x128xf32>
    %get3A_11 = vector.shape_cast %get3A_10 : vector<1x1000x128xf32> to vector<1000x128xf32>
    %add3A = arith.addf %get3A_6, %get3A_11 : vector<1000x128xf32>
    %mul3A = vector.broadcast %get3A_1 : vector<1000x1xf32> to vector<1000x128xf32>
    %mul3A_12 = arith.mulf %add3A, %mul3A : vector<1000x128xf32>
    %get3A_13 = arith.constant 0 : index
    %get3A_14 = arith.constant 0 : index
    %get3A_15 = vector.load %arg3[%get3A_13, %get3A_14] : memref<1x128xf32, #tpu.memory_space<vmem>>, vector<1x128xf32>
    %add3A_16 = vector.broadcast %get3A_15 : vector<1x128xf32> to vector<1000x128xf32>
    %add3A_17 = arith.addf %mul3A_12, %add3A_16 : vector<1000x128xf32>
    %get3A_18 = arith.constant 0 : index
    %get3A_19 = arith.constant 0 : index
    %get3A_20 = vector.load %arg4[%get3A_18, %get3A_19] : memref<128x128xf32, #tpu.memory_space<vmem>>, vector<128x128xf32>
    %dot_general3A = arith.constant dense<0.000000e+00> : vector<1000x128xf32>
    %dot_general3A_21 = tpu.matmul %add3A_17, %get3A_20, %dot_general3A {dimension_numbers = #tpu.dot_dimension_numbers<[1], [0], [0], [1], [0, 0, 1, 1], [], []>, transpose_lhs_hint = false} : vector<1000x128xf32>, vector<128x128xf32>, vector<1000x128xf32> -> vector<1000x128xf32>
    %mul3A_22 = vector.broadcast %get3A_1 : vector<1000x1xf32> to vector<1000x128xf32>
    %mul3A_23 = arith.mulf %dot_general3A_21, %mul3A_22 : vector<1000x128xf32>
    %swap3A = arith.constant 0 : index
    %swap3A_24 = arith.constant 0 : index
    %swap3A_25 = vector.load %arg5[%swap3A, %swap3A_24] : memref<1000x128xf32, #tpu.memory_space<vmem>>, vector<1000x128xf32>
    tpu.vector_store %arg5[%swap3A, %swap3A_24], %mul3A_23 {strides = array<i32>} : memref<1000x128xf32, #tpu.memory_space<vmem>>, vector<1000x128xf32>,
    return
  }
  func.func @transform_0(%arg0: i32) -> (i32, i32, i32) {
    %c0_i32 = arith.constant 0 : i32
    %c0_i32_0 = arith.constant 0 : i32
    %c0_i32_1 = arith.constant 0 : i32
    return %c0_i32, %arg0, %c0_i32_0 : i32, i32, i32
  }
  func.func @transform_1(%arg0: i32) -> (i32, i32) {
    %c0_i32 = arith.constant 0 : i32
    %c0_i32_0 = arith.constant 0 : i32
    return %arg0, %c0_i32 : i32, i32
  }
  func.func @transform_2(%arg0: i32) -> (i32, i32) {
    %c0_i32 = arith.constant 0 : i32
    %c0_i32_0 = arith.constant 0 : i32
    %c0_i32_1 = arith.constant 0 : i32
    return %c0_i32, %c0_i32_0 : i32, i32
  }
  func.func @transform_3(%arg0: i32) -> (i32, i32) {
    %c0_i32 = arith.constant 0 : i32
    %c0_i32_0 = arith.constant 0 : i32
    %c0_i32_1 = arith.constant 0 : i32
    return %c0_i32, %c0_i32_0 : i32, i32
  }
  func.func @transform_4(%arg0: i32) -> (i32, i32) {
    %c0_i32 = arith.constant 0 : i32
    %c0_i32_0 = arith.constant 0 : i32
    return %arg0, %c0_i32 : i32, i32
  }
}

module attributes {stable_mosaic.version = 14 : i64} {
  func.func @_tc_final_body(%arg0: i32, %arg1: memref<2x1000x128xf32, #tpu.memory_space<vmem>>, %arg2: memref<1000x1xf32, #tpu.memory_space<vmem>>, %arg3: memref<1x128xf32, #tpu.memory_space<vmem>>, %arg4: memref<1000x128xf32, #tpu.memory_space<vmem>>) attributes {dimension_semantics = [#tpu.dimension_semantics<arbitrary>], iteration_bounds = array<i64: 10>, scalar_prefetch = 0 : i64, scratch_operands = 0 : i64, tpu.core_type = #tpu.core_type<tc>, window_params = [{transform_indices = @transform_0, window_bounds = array<i64: 2, 1000, 128>}, {transform_indices = @transform_1, window_bounds = array<i64: 1000, 1>}, {pipeline_mode = #tpu.pipeline_mode<synchronous>, transform_indices = @transform_2, window_bounds = array<i64: 1, 128>}, {transform_indices = @transform_3, window_bounds = array<i64: 1000, 128>}]} {
    %get3A = arith.constant 0 : index
    %get3A_0 = arith.constant 0 : index
    %get3A_1 = arith.constant 0 : index
    %get3A_2 = vector.load %arg1[%get3A, %get3A_0, %get3A_1] : memref<2x1000x128xf32, #tpu.memory_space<vmem>>, vector<1x1000x128xf32>
    %get3A_3 = vector.shape_cast %get3A_2 : vector<1x1000x128xf32> to vector<1000x128xf32>
    %get3A_4 = arith.constant 1 : index
    %get3A_5 = arith.constant 0 : index
    %get3A_6 = arith.constant 0 : index
    %get3A_7 = vector.load %arg1[%get3A_4, %get3A_5, %get3A_6] : memref<2x1000x128xf32, #tpu.memory_space<vmem>>, vector<1x1000x128xf32>
    %get3A_8 = vector.shape_cast %get3A_7 : vector<1x1000x128xf32> to vector<1000x128xf32>
    %add3A = arith.addf %get3A_3, %get3A_8 : vector<1000x128xf32>
    %get3A_9 = arith.constant 0 : index
    %get3A_10 = arith.constant 0 : index
    %get3A_11 = vector.load %arg2[%get3A_9, %get3A_10] : memref<1000x1xf32, #tpu.memory_space<vmem>>, vector<1000x1xf32>
    %mul3A = vector.broadcast %get3A_11 : vector<1000x1xf32> to vector<1000x128xf32>
    %mul3A_12 = arith.mulf %add3A, %mul3A : vector<1000x128xf32>
    %get3A_13 = arith.constant 0 : index
    %get3A_14 = arith.constant 0 : index
    %get3A_15 = vector.load %arg3[%get3A_13, %get3A_14] : memref<1x128xf32, #tpu.memory_space<vmem>>, vector<1x128xf32>
    %add3A_16 = vector.broadcast %get3A_15 : vector<1x128xf32> to vector<1000x128xf32>
    %add3A_17 = arith.addf %mul3A_12, %add3A_16 : vector<1000x128xf32>
    %swap3A = arith.constant 0 : index
    %swap3A_18 = arith.constant 0 : index
    %swap3A_19 = vector.load %arg4[%swap3A, %swap3A_18] : memref<1000x128xf32, #tpu.memory_space<vmem>>, vector<1000x128xf32>
    tpu.vector_store %arg4[%swap3A, %swap3A_18], %add3A_17 {strides = array<i32>} : memref<1000x128xf32, #tpu.memory_space<vmem>>, vector<1000x128xf32>,
    return
  }
  func.func @transform_0(%arg0: i32) -> (i32, i32, i32) {
    %c0_i32 = arith.constant 0 : i32
    %c0_i32_0 = arith.constant 0 : i32
    %c0_i32_1 = arith.constant 0 : i32
    return %c0_i32, %arg0, %c0_i32_0 : i32, i32, i32
  }
  func.func @transform_1(%arg0: i32) -> (i32, i32) {
    %c0_i32 = arith.constant 0 : i32
    %c0_i32_0 = arith.constant 0 : i32
    return %arg0, %c0_i32 : i32, i32
  }
  func.func @transform_2(%arg0: i32) -> (i32, i32) {
    %c0_i32 = arith.constant 0 : i32
    %c0_i32_0 = arith.constant 0 : i32
    %c0_i32_1 = arith.constant 0 : i32
    return %c0_i32, %c0_i32_0 : i32, i32
  }
  func.func @transform_3(%arg0: i32) -> (i32, i32) {
    %c0_i32 = arith.constant 0 : i32
    %c0_i32_0 = arith.constant 0 : i32
    return %arg0, %c0_i32 : i32, i32
  }
}

</mosaic_0001>

<sc_bundles>
// kernel: kernel.11.cloned.1.call-start
scs
__scs_entry_jumppad:
0x0: {  	(pc) =	sbr.rel $0x88, $3  }
0x1: {  	(tag) =	ssettag $0x0;
	lr =	simm.s32 $0x1  }
0x2: {  	[smem:$0x3F9B] =	sst lr;
	_ =	strace $0xD0000000  }
0x3: {  	_ = 	snop  }
0x4: {  	_ = 	snop  }
0x5: {  	_ = 	snop  }
0x6: {  	_ = 	snop  }
0x7: {  	_ = 	snop  }
__scs_overlays_trampoline_lowered:
0x8: {  	[smem:$0x3FAA] =	sst s0  }
0x9: {  	[smem:$0x3FAB] =	sst s1  }
0xa: {  	[smem:$0x3FAC] =	sst s2  }
0xb: {  	[smem:$0x3FAD] =	sst s3  }
0xc: {  	[smem:$0x3FAE] =	sst s4  }
0xd: {  	[smem:$0x3FAF] =	sst s5  }
0xe: {  	[smem:$0x3FB0] =	sst s6  }
0xf: {  	[smem:$0x3FB1] =	sst s7  }
0x10: {  	[smem:$0x3FB2] =	sst s8  }
0x11: {  	[smem:$0x3FB3] =	sst s9;
	s0 =	simm.s32 @!p0 $0x0  }
0x12: {  	s1 =	sld [smem:$0x3F99];
	s0 =	simm.s32 @p0 $0x1  }
0x13: {  	[smem:$0x3FB4] =	sst s0;
	s0 =	simm.s32 @!p1 $0x0  }
0x14: {  	s2 =	sld [smem:$0x3F98];
	s0 =	simm.s32 @p1 $0x1  }
0x15: {  	[smem:$0x3FB5] =	sst s0;
	s0 =	simm.s32 @!p2 $0x0  }
0x16: {  	s3 =	sld [smem:$0x3FDB];
	s0 =	simm.s32 @p2 $0x1  }
0x17: {  	s4 =	simm.s32 $0x1BF5;
	[smem:$0x3FB7] =	sst s0  }
0x18: {  	s0 =	sld [smem:$0x3F9A];
	_ =	swait.ge [sflag:s4], $0x0  }
0x19: {  	s7 =	sld [smem:$0x3F9B]  }
0x1a: {  	s8 =	sadd.s32 $0xFFFFE003, lr  }
0x1b: {  	s9 =	sadd.s32 $0xFFFFFEF7, lr;
	s5 =	simm.s32 $0xFFFFFFFF;
	p2 =	slt.u32 s8, $0xFFFFF086  }
0x1c: {  	p1 =	slt.u32 s9, $0xF7A;
	s5 =	simm.s32 @!p2 $0x0  }
0x1d: {  	s5 =	simm.s32 @p1 $0x1;
	p0 =	seq.s32 s7, s2  }
0x1e: {  	s7 =	smul.u32 @!p0 $0xF7A, s2;
	p2 =	seq.s32 @!p0 s5, $0x0  }
0x1f: {  	s9 =	smul.u32 $0xF7A, s1;
	s8 =	simm.s32 @!p0 $0x1BF5;
	p2 =	por !p2, p0  }
0x20: {  	[sflag:s8] =	ssyncset.s32 @!p0 $0xFFFFF086;
	s6 =	sadd.s32 @!p0 s3, s7;
	s7 =	simm.s32 @!p0 $0x108  }
0x21: {  	s3 =	sadd.s32 s3, s9;
	s6 =	sadd.s32 @!p0 $0x88, s6;
	s7 =	simm.s32 @p2 $0x1082  }
0x22: {  	[simem:s7], [sflag:s8] =	dma.local @!p0 [hbm:s6], $0xF7A  }
0x23: {  	s9 =	sor.u32 $0xD0000000, s2;
	s6 =	simm.s32 $0x108;
	_ =	swait.ge @!p0 [sflag:s8], $0x0  }
0x24: {  	s3 =	sadd.s32 $0x88, s3;
	s6 =	simm.s32 @!p1 $0x1082;
	[sflag:s4] =	ssyncset.s32 $0xFFFFF086  }
0x25: {  	[simem:s6], [sflag:s4] =	dma.local [hbm:s3], $0xF7A  }
0x26: {  	[smem:$0x3F9B] =	sst s1;
	(tag) =	ssettag s2;
	_ =	strace s9  }
0x27: {  	s1 =	sld [smem:$0x3FAB]  }
0x28: {  	s2 =	sld [smem:$0x3FAC]  }
0x29: {  	s4 =	sld [smem:$0x3FAE]  }
0x2a: {  	p0 =	seq.s32 s5, $0x0;
	s5 =	sld [smem:$0x3FAF]  }
0x2b: {  	s6 =	sld [smem:$0x3FB0]  }
0x2c: {  	s7 =	sld [smem:$0x3FB1]  }
0x2d: {  	s3 =	simm.s32 $0x108;
	s8 =	sld [smem:$0x3FB2]  }
0x2e: {  	s3 =	simm.s32 @!p0 $0x1082;
	s9 =	sld [smem:$0x3FB3]  }
0x2f: {  	lr =	sadd.s32 s0, s3;
	s0 =	sld [smem:$0x3FAA]  }
0x30: {  	s3 =	sld [smem:$0x3FAD]  }
0x31: {  	[smem:$0x3FB6] =	sst s10  }
0x32: {  	s10 =	sld [smem:$0x3FB4];
	_ =	sdelay $0x3  }
0x33: {  	p0 =	seq.s32 s10, $0x1;
	s10 =	sld [smem:$0x3FB6];
	_ =	sdelay $0x3  }
0x34: {  	[smem:$0x3FB6] =	sst s10  }
0x35: {  	s10 =	sld [smem:$0x3FB5];
	_ =	sdelay $0x3  }
0x36: {  	p1 =	seq.s32 s10, $0x1;
	s10 =	sld [smem:$0x3FB6];
	_ =	sdelay $0x3  }
0x37: {  	[smem:$0x3FB6] =	sst s10  }
0x38: {  	s10 =	sld [smem:$0x3FB7]  }
0x39: {  	_ = 	snop;
	(pc) =	sbr.ind lr, $3  }
0x3a: {  	_ = 	snop  }
0x3b: {  	_ = 	snop  }
0x3c: {  	p2 =	seq.s32 s10, $0x1;
	s10 =	sld [smem:$0x3FB6]  }
0x3d: {  	_ =	shalt  }
0x3e: {  	_ =	shalt  }
0x3f: {  	_ =	shalt  }
0x40: {  	_ =	shalt  }
0x41: {  	_ =	shalt  }
0x42: {  	_ =	shalt  }
0x43: {  	_ =	shalt  }
0x44: {  	_ =	shalt  }
0x45: {  	_ =	shalt  }
0x46: {  	_ =	shalt  }
0x47: {  	_ =	shalt  }
0x48: {  	_ =	shalt  }
0x49: {  	_ =	shalt  }
0x4a: {  	_ =	shalt  }
0x4b: {  	_ =	shalt  }
0x4c: {  	_ =	shalt  }
0x4d: {  	_ =	shalt  }
0x4e: {  	_ =	shalt  }
0x4f: {  	_ =	shalt  }
0x50: {  	_ =	shalt  }
0x51: {  	_ =	shalt  }
0x52: {  	_ =	shalt  }
0x53: {  	_ =	shalt  }
0x54: {  	_ =	shalt  }
0x55: {  	_ =	shalt  }
0x56: {  	_ =	shalt  }
0x57: {  	_ =	shalt  }
0x58: {  	_ =	shalt  }
0x59: {  	_ =	shalt  }
0x5a: {  	_ =	shalt  }
0x5b: {  	_ =	shalt  }
0x5c: {  	_ =	shalt  }
0x5d: {  	_ =	shalt  }
0x5e: {  	_ =	shalt  }
0x5f: {  	_ =	shalt  }
0x60: {  	_ =	shalt  }
0x61: {  	_ =	shalt  }
0x62: {  	_ =	shalt  }
0x63: {  	_ =	shalt  }
0x64: {  	_ =	shalt  }
0x65: {  	_ =	shalt  }
0x66: {  	_ =	shalt  }
0x67: {  	_ =	shalt  }
0x68: {  	_ =	shalt  }
0x69: {  	_ =	shalt  }
0x6a: {  	_ =	shalt  }
0x6b: {  	_ =	shalt  }
0x6c: {  	_ =	shalt  }
0x6d: {  	_ =	shalt  }
0x6e: {  	_ =	shalt  }
0x6f: {  	_ =	shalt  }
0x70: {  	_ =	shalt  }
0x71: {  	_ =	shalt  }
0x72: {  	_ =	shalt  }
0x73: {  	_ =	shalt  }
0x74: {  	_ =	shalt  }
0x75: {  	_ =	shalt  }
0x76: {  	_ =	shalt  }
0x77: {  	_ =	shalt  }
0x78: {  	_ =	shalt  }
0x79: {  	_ =	shalt  }
0x7a: {  	_ =	shalt  }
0x7b: {  	_ =	shalt  }
0x7c: {  	_ =	shalt  }
0x7d: {  	_ =	shalt  }
0x7e: {  	_ =	shalt  }
0x7f: {  	_ =	shalt  }
0x80: {  	_ =	shalt  }
0x81: {  	_ =	shalt  }
0x82: {  	_ =	shalt  }
0x83: {  	_ =	shalt  }
0x84: {  	_ =	shalt  }
0x85: {  	_ =	shalt  }
0x86: {  	_ =	shalt  }
0x87: {  	_ =	shalt  }
.Lfunc_end0:
.L_simem_size_0:
called_computation.1_lowered:
.L_overlay_start_0:
0x88: {  	s2 =	sld [smem:$0x3FD9]  }
0x89: {  	s3 =	sld [smem:$0x3FFE];
	_ =	sdelay $0x1  }
0x8a: {  	s1 =	srdreg.scid  }
0x8b: {  	s0 =	sand.u32 $0x1, s1  }
0x8c: {  	s17 =	sshll.u32 s0, $0xA;
	s2 =	sadd.s32 s3, s2  }
0x8d: {  	s2 =	sadd.s32 s2, s17  }
0x8e: {  	[smem:$0x3FC2] =	sst s2  }
0x8f: {  	_ = 	snop  }
0x90: {  	s2 =	sld [smem:$0x3FD0];
	(tm) =	ssettm $0x1  }
0x91: {  	s18 =	sld [smem:$0x3FFB];
	_ =	sdelay $0x3  }
0x92: {  	_ =	strace s18  }
0x93: {  	s3 =	sld [smem:$0x3FFC];
	_ =	sdelay $0x3  }
0x94: {  	_ =	strace s3  }
0x95: {  	s3 =	sld [smem:$0x3FFD];
	_ =	sdelay $0x3  }
0x96: {  	_ =	strace s3  }
0x97: {  	_ =	strace $0x8FFFFFFF  }
0x98: {  	s19 =	sld [smem:$0x3FDB];
	_ =	sdelay $0x1  }
0x99: {  	s4 =	simm.s32 $_scs_section_size  }
0x9a: {  	s5 =	simm.s32 $_size__tile_overlayer_lowered;
	s6 =	simm.s32 $_tile_overlayer_lowered  }
0x9b: {  	s22 =	simm.s32 $0x1BFF;
	s21 =	sshll.u32 s6, $0x1;
	s3 =	sadd.s32 s4, s19  }
0x9c: {  	s7 =	simm.s32 $0x0;
	s20 =	sshll.u32 s5, $0x1;
	s5 =	sadd.s32 s21, s3  }
0x9d: {  	[timem:s7], [sflag:s22] =	dma.local [hbm:s5], s20  }
0x9e: {  	_ =	swait.ge [sflag:s22], s20  }
0x9f: {  	s4 =	ssub.s32 $0x0, s20;
	[sflag:s22] =	ssyncset.done $0x0  }
0xa0: {  	[sflag:s22] =	ssyncadd.s32 s4;
	_ =	sdelay $0x1  }
0xa1: {  	s23 =	simm.s32 $0x1B8B  }
0xa2: {  	_ =	swait.ge [sflag:s23], $0x1  }
0xa3: {  	[sflag:s23] =	ssyncset.done $0x0  }
0xa4: {  	s25 =	simm.s32 $0x1B8E;
	s24 =	sld [smem:$0x3FFE];
	[sflag:s23] =	ssyncadd.s32 $0xFFFFFFFF  }
0xa5: {  	s26 =	simm.s32 $execute0_lowered;
	[smem:$0x3FD2] =	sst s25  }
0xa6: {  	s5 =	sshll.u32 s26, $0x1;
	_ =	strace $0x80000049;
	[dreg:$0x1] =	wrdreg $0xFFFFFFFF  }
0xa7: {  	s28 =	simm.s32 $_size_execute0_lowered;
	s3 =	sadd.s32 s3, s5;
	[dreg:$0x0] =	wrdreg $0x0  }
0xa8: {  	s5 =	sshll.u32 s28, $0x1;
	[dreg:$0x2] =	wrdreg s3  }
0xa9: {  	[dreg:$0x3] =	wrdreg s5  }
0xaa: {  	[dreg:$0x4] =	wrdreg $0xC0  }
0xab: {  	_ =	task [dreg:s7], $0x5FFFF  }
0xac: {  	[dreg:$0x1] =	wrdreg $0xFFFFFFFF  }
0xad: {  	[dreg:$0x0] =	wrdreg $0x60  }
0xae: {  	[dreg:$0x2] =	wrdreg s2  }
0xaf: {  	[dreg:$0x3] =	wrdreg s24  }
0xb0: {  	[dreg:$0x4] =	wrdreg $0x0  }
0xb1: {  	[dreg:$0x5] =	wrdreg $0x9  }
0xb2: {  	_ =	task.clear_ibuf [dreg:s7], $0x6FFFF;
	_ =	strace $0x90000049  }
0xb3: {  	s29 =	simm.s32 $0x9;
	_ =	strace $0x8000004B  }
0xb4: {  	_ =	swait.ge [sflag:s29], $0x1  }
0xb5: {  	[sflag:s29] =	ssyncadd.s32 $0xFFFFFFFF  }
0xb6: {  	_ =	strace $0x9000004B  }
0xb7: {  	_ =	sfence  }
0xb8: {  	s30 =	sld [smem:$0x0];
	_ =	sdelay $0x2  }
0xb9: {  	s31 =	sshll.u32 s1, $0xD;
	s1 =	sshrl.u32 s1, $0x2  }
0xba: {  	s3 =	sand.u32 $0x4000, s31;
	s1 =	sadd.s32 s1, s30  }
0xbb: {  	s0 =	sor.u32 s3, s0;
	s1 =	sshll.u32 s1, $0x11  }
0xbc: {  	s0 =	sor.u32 s1, s0  }
0xbd: {  	s0 =	sadd.s32 $0x8F2B, s0  }
0xbe: {  	[sflag:s0] =	ssyncadd.remote.s32 $0x1  }
0xbf: {  	_ =	sfence.sel $0xFFFF  }
0xc0: {  	[dreg:$0x0] =	wrdreg $0xFFFFFFFF;
	(pc) =	sbr.abs _section_cstart, $3  }
0xc1: {  	[dreg:$0x1] =	wrdreg $0xFFFFFFFF  }
0xc2: {  	_ =	task.clear_ibuf [dreg:s7], $0x2FFFF;
	_ =	strace $0x9FFFFFFF  }
0xc3: {  	(tm) =	ssettm $0x7FFFFFFF  }
tec
execute0_lowered:
.L_overlay_start_1:
0x0: {  	(tag) =	ssettag $0x1  }
0x1: {  	s0 =	srdreg.scid;
	s1 =	rddreg [dreg:$0x0]  }
0x2: {  	s8 =	stileid.u32;
	s4 =	rddreg [dreg:$0x1];
	s29 =	simm.s32 $0x1D000  }
0x3: {  	s30 =	simm.s32 $0x1;
	s0 =	sand.u32 $0x1, s0;
	s6 =	smul.u32 $0x14000, s8  }
0x4: {  	s31 =	simm.s32 $0x19000;
	s15 =	smul.u32 $0x50000, s8;
	s2 =	sshll.u32 s0, $0x4  }
0x5: {  	s5 =	ssub.s32 $0x2, s0;
	s0 =	smul.u32 $0x140000, s0;
	s3 =	sor.u32 s8, s2  }
0x6: {  	s2 =	simm.s32 $0x0;
	s7 =	sshrl.u32 s5, $0x1;
	s16 =	sor.u32 $0x2000, s6  }
0x7: {  	s17 =	sadd.s32 $0x4000, s6;
	s18 =	sadd.s32 $0x6000, s6;
	s19 =	sadd.s32 $0x8000, s6  }
0x8: {  	s20 =	sadd.s32 $0xA000, s6;
	s21 =	sadd.s32 $0xC000, s6;
	s22 =	sadd.s32 $0xE000, s6  }
0x9: {  	s23 =	sadd.s32 $0x10000, s6;
	s24 =	sadd.s32 $0x12000, s6;
	s3 =	smul.u32 $0x500, s3  }
0xa: {  	[smem:$0x7FF] =	sst s2;
	s11 =	ssub.s32 s5, s7;
	s25 =	sadd.s32 s6, s0  }
0xb: {  	s26 =	sadd.s32 s0, s16;
	s8 =	sadd.s32 s0, s17;
	s10 =	sadd.s32 s0, s18  }
0xc: {  	s12 =	sadd.s32 s0, s19;
	s14 =	sadd.s32 s0, s20;
	s5 =	sshrl.u32 s25, $0x3  }
0xd: {  	s7 =	sshrl.u32 s26, $0x3;
	s9 =	sshrl.u32 s8, $0x3;
	s6 =	sshrl.u32 s10, $0x3  }
0xe: {  	s8 =	sshrl.u32 s14, $0x3;
	s10 =	sadd.s32 s0, s22;
	s26 =	sshrl.u32 s15, $0x2  }
0xf: {  	s28 =	smax.u32 s11, $0x1;
	s3 =	sadd.s32 s3, s4;
	s4 =	sadd.s32 $0x15E00, s4  }
0x10: {  	s11 =	simm.s32 $0x0;
	s10 =	sshrl.u32 s10, $0x3;
	s5 =	sadd.s32 s4, s5  }
0x11: {  	s13 =	sadd.s32 s4, s6;
	s8 =	sadd.s32 s4, s8;
	[dreg:$0x4] =	wrdreg s5  }
0x12: {  	s10 =	sadd.s32 s4, s10;
	s5 =	sadd.s32 s4, s7;
	[dreg:$0x7] =	wrdreg s13  }
0x13: {  	s7 =	sshrl.u32 s12, $0x3;
	s12 =	sadd.s32 s0, s23;
	s13 =	rddreg [dreg:$0x2]  }
0x14: {  	[dreg:$0x5] =	wrdreg s5;
	s5 =	sadd.s32 s4, s9;
	s25 =	sadd.s32 s4, s7  }
0x15: {  	s9 =	sadd.s32 s0, s21;
	s12 =	sshrl.u32 s12, $0x3;
	s0 =	sadd.s32 s0, s24  }
0x16: {  	s15 =	sadd.s32 s26, s13;
	s16 =	sadd.s32 s16, s13;
	s17 =	sadd.s32 s17, s13  }
0x17: {  	s18 =	sadd.s32 s18, s13;
	s19 =	sadd.s32 s19, s13;
	s20 =	sadd.s32 s20, s13  }
0x18: {  	s21 =	sadd.s32 s21, s13;
	s22 =	sadd.s32 s22, s13;
	s23 =	sadd.s32 s23, s13  }
0x19: {  	s24 =	sadd.s32 s24, s13;
	s26 =	sadd.s32 $0x1E00, s3;
	[dreg:$0x6] =	wrdreg s5  }
0x1a: {  	[dreg:$0x8] =	wrdreg s25;
	s9 =	sshrl.u32 s9, $0x3;
	s12 =	sadd.s32 s4, s12  }
0x1b: {  	s0 =	sshrl.u32 s0, $0x3;
	s25 =	sadd.s32 $0xBE00, s3;
	s9 =	sadd.s32 s4, s9  }
0x1c: {  	v0 =	vimm.f32 $0.0e+00;
	s14 =	sadd.s32 s4, s0;
	_ =	strace $0x8000004A;
	s0 =	simm.s32 $0x7D  }
.LBB2_1:
0x1d: {  	s3 =	simm.s32 $0x0;
	s4 =	simm.s32 $0x200  }
.LBB2_2:
0x1e: {  	p0 =	sne.s32 s4, $0x7E00;
	[tilespmem:s3+$0x1D070] =	vst v0  }
0x1f: {  	[tilespmem:s3+$0x1D000] =	vst v0  }
0x20: {  	[tilespmem:s3+$0x1D010] =	vst v0  }
.Ltmp0:
0x21: {  	[tilespmem:s3+$0x1D020] =	vst v0;
	(pc) =	sbr.rel @p0 .LBB2_2-.Ltmp0, $4  }
0x22: {  	[tilespmem:s3+$0x1D030] =	vst v0  }
0x23: {  	[tilespmem:s3+$0x1D040] =	vst v0  }
0x24: {  	[tilespmem:s3+$0x1D050] =	vst v0  }
0x25: {  	[tilespmem:s3+$0x1D060] =	vst v0;
	s3 =	sshra.s32 s4, $0x2;
	s4 =	sadd.s32 $0x200, s4  }
0x26: {  	[tilespmem:s3+$0x1D070] =	vst v0  }
0x27: {  	[tilespmem:s3+$0x1D000] =	vst v0  }
0x28: {  	[tilespmem:s3+$0x1D010] =	vst v0  }
0x29: {  	[tilespmem:s3+$0x1D020] =	vst v0  }
0x2a: {  	[tilespmem:s3+$0x1D030] =	vst v0  }
0x2b: {  	[tilespmem:s3+$0x1D040] =	vst v0  }
0x2c: {  	[tilespmem:s3+$0x1D050] =	vst v0  }
0x2d: {  	[tilespmem:s3+$0x1D060] =	vst v0  }
0x2e: {  	[spmem:s15] =	stream.linear.scatter [tilespmem:s29], [sflag:$0x1], $0x2000, $0x38;
	[tilespmem:$0x1F000] =	vst v63  }
0x2f: {  	_ =	swait.ge [sflag:s30], $0x2000  }
0x30: {  	[sflag:s30] =	ssyncset.done $0x0  }
0x31: {  	[sflag:s30] =	ssyncadd.s32 $0xFFFFE000  }
0x32: {  	[spmem:s16] =	stream.linear.scatter [tilespmem:s29], [sflag:$0x1], $0x2000, $0x38;
	[tilespmem:$0x1F000] =	vst v63  }
0x33: {  	_ =	swait.ge [sflag:s30], $0x2000  }
0x34: {  	[sflag:s30] =	ssyncset.done $0x0  }
0x35: {  	[sflag:s30] =	ssyncadd.s32 $0xFFFFE000  }
0x36: {  	[spmem:s17] =	stream.linear.scatter [tilespmem:s29], [sflag:$0x1], $0x2000, $0x38;
	[tilespmem:$0x1F000] =	vst v63  }
0x37: {  	_ =	swait.ge [sflag:s30], $0x2000  }
0x38: {  	[sflag:s30] =	ssyncset.done $0x0  }
0x39: {  	[sflag:s30] =	ssyncadd.s32 $0xFFFFE000  }
0x3a: {  	[spmem:s18] =	stream.linear.scatter [tilespmem:s29], [sflag:$0x1], $0x2000, $0x38;
	[tilespmem:$0x1F000] =	vst v63  }
0x3b: {  	_ =	swait.ge [sflag:s30], $0x2000  }
0x3c: {  	[sflag:s30] =	ssyncset.done $0x0  }
0x3d: {  	[sflag:s30] =	ssyncadd.s32 $0xFFFFE000  }
0x3e: {  	[spmem:s19] =	stream.linear.scatter [tilespmem:s29], [sflag:$0x1], $0x2000, $0x38;
	[tilespmem:$0x1F000] =	vst v63  }
0x3f: {  	_ =	swait.ge [sflag:s30], $0x2000  }
0x40: {  	[sflag:s30] =	ssyncset.done $0x0  }
0x41: {  	[sflag:s30] =	ssyncadd.s32 $0xFFFFE000  }
0x42: {  	[spmem:s20] =	stream.linear.scatter [tilespmem:s29], [sflag:$0x1], $0x2000, $0x38;
	[tilespmem:$0x1F000] =	vst v63  }
0x43: {  	_ =	swait.ge [sflag:s30], $0x2000  }
0x44: {  	[sflag:s30] =	ssyncset.done $0x0  }
0x45: {  	[sflag:s30] =	ssyncadd.s32 $0xFFFFE000  }
0x46: {  	[spmem:s21] =	stream.linear.scatter [tilespmem:s29], [sflag:$0x1], $0x2000, $0x38;
	[tilespmem:$0x1F000] =	vst v63  }
0x47: {  	_ =	swait.ge [sflag:s30], $0x2000  }
0x48: {  	[sflag:s30] =	ssyncset.done $0x0  }
0x49: {  	[sflag:s30] =	ssyncadd.s32 $0xFFFFE000  }
0x4a: {  	[spmem:s22] =	stream.linear.scatter [tilespmem:s29], [sflag:$0x1], $0x2000, $0x38;
	[tilespmem:$0x1F000] =	vst v63  }
0x4b: {  	_ =	swait.ge [sflag:s30], $0x2000  }
0x4c: {  	[sflag:s30] =	ssyncset.done $0x0  }
0x4d: {  	[sflag:s30] =	ssyncadd.s32 $0xFFFFE000  }
0x4e: {  	[spmem:s23] =	stream.linear.scatter [tilespmem:s29], [sflag:$0x1], $0x2000, $0x38;
	[tilespmem:$0x1F000] =	vst v63  }
0x4f: {  	_ =	swait.ge [sflag:s30], $0x2000  }
0x50: {  	[sflag:s30] =	ssyncset.done $0x0  }
0x51: {  	[sflag:s30] =	ssyncadd.s32 $0xFFFFE000  }
0x52: {  	[spmem:s24] =	stream.linear.scatter [tilespmem:s29], [sflag:$0x1], $0x2000, $0x38;
	[tilespmem:$0x1F000] =	vst v63  }
0x53: {  	_ =	swait.ge [sflag:s30], $0x2000  }
0x54: {  	[sflag:s30] =	ssyncset.done $0x0  }
0x55: {  	[sflag:s30] =	ssyncadd.s32 $0xFFFFE000  }
0x56: {  	s7 =	simm.s32 $0x0;
	s4 =	simm.s32 $0x14000;
	[bflag:$0x0] =	sbarrier.arrive $0xFFFF  }
0x57: {  	[tilespmem:s4], [sflag:$0x1] =	stream.linear.gather [hbm4b:s25+s7], $0x2800, $0x38;
	[tilespmem:$0x1F000] =	vst v63  }
0x58: {  	_ =	swait.ge [sflag:s30], $0x2800  }
0x59: {  	[sflag:s30] =	ssyncset.done $0x0  }
0x5a: {  	s5 =	simm.s32 $0x16800;
	[sflag:s30] =	ssyncadd.s32 $0xFFFFD800  }
0x5b: {  	[tilespmem:s5], [sflag:$0x1] =	stream.linear.gather [hbm4b:s26+s7], $0x2800, $0x38;
	[tilespmem:$0x1F000] =	vst v63  }
0x5c: {  	_ =	swait.ge [sflag:s30], $0x2800  }
0x5d: {  	[sflag:s30] =	ssyncset.done $0x0  }
0x5e: {  	s6 =	simm.s32 $0x14000;
	[sflag:s30] =	ssyncadd.s32 $0xFFFFD800  }
0x5f: {  	[tilespmem:s31], [sflag:$0x1] =	stream.indirect.gather [hbm4b:s1+s0], $0x80, s6, s0, $0xb8;
	[tilespmem:$0x1F000] =	vst v63  }
0x60: {  	_ =	swait.ge [sflag:s30], $0x3E80  }
0x61: {  	[sflag:s30] =	ssyncset.done $0x0  }
0x62: {  	s7 =	simm.s32 $0x16800;
	[sflag:s30] =	ssyncadd.s32 $0xFFFFC180  }
0x63: {  	[spmem:s13] =	stream.indirect.scatter.add.f32 [tilespmem:s31], [sflag:$0x1], $0x80, s7, s0, $0xb8;
	[tilespmem:$0x1F000] =	vst v63  }
0x64: {  	_ =	swait.ge [sflag:s30], $0x3E80  }
0x65: {  	s3 =	simm.s32 $0x80;
	s4 =	simm.s32 $0x400;
	[sflag:s30] =	ssyncset.done $0x0  }
.LBB2_4:
0x66: {  	s5 =	sadd.s32 $0x14000, s3  }
0x67: {  	[sflag:s30] =	ssyncadd.s32 $0xFFFFC180;
	s6 =	smov.u32 s4;
	s7 =	sadd.s32 $0x200, s4  }
0x68: {  	[tilespmem:s31], [sflag:$0x1] =	stream.indirect.gather [hbm4b:s1+s0], $0x80, s5, s0, $0xb8;
	[tilespmem:$0x1F000] =	vst v63  }
0x69: {  	p0 =	sne.s32 s4, $0x9E00;
	_ =	swait.ge [sflag:s30], $0x3E80  }
.Ltmp1:
0x6a: {  	[sflag:s30] =	ssyncset.done $0x0;
	(pc) =	sbr.rel @p0 .LBB2_4-.Ltmp1, $4  }
0x6b: {  	s3 =	sadd.s32 $0x16800, s3;
	[sflag:s30] =	ssyncadd.s32 $0xFFFFC180  }
0x6c: {  	[spmem:s13] =	stream.indirect.scatter.add.f32 [tilespmem:s31], [sflag:$0x1], $0x80, s3, s0, $0xb8;
	[tilespmem:$0x1F000] =	vst v63  }
0x6d: {  	_ =	swait.ge [sflag:s30], $0x3E80  }
0x6e: {  	s4 =	smov.u32 s7;
	s3 =	sshra.s32 s6, $0x2;
	[sflag:s30] =	ssyncset.done $0x0  }
0x6f: {  	s4 =	sadd.s32 $0x14000, s3;
	[sflag:s30] =	ssyncadd.s32 $0xFFFFC180  }
0x70: {  	[tilespmem:s31], [sflag:$0x1] =	stream.indirect.gather [hbm4b:s1+s0], $0x80, s4, s0, $0xb8;
	[tilespmem:$0x1F000] =	vst v63  }
0x71: {  	_ =	swait.ge [sflag:s30], $0x3E80  }
0x72: {  	[sflag:s30] =	ssyncset.done $0x0  }
0x73: {  	s6 =	sadd.s32 $0x16800, s3;
	[sflag:s30] =	ssyncadd.s32 $0xFFFFC180  }
0x74: {  	[spmem:s13] =	stream.indirect.scatter.add.f32 [tilespmem:s31], [sflag:$0x1], $0x80, s6, s0, $0xb8;
	[tilespmem:$0x1F000] =	vst v63  }
0x75: {  	_ =	swait.ge [sflag:s30], $0x3E80  }
0x76: {  	[sflag:s30] =	ssyncset.done $0x0  }
0x77: {  	[sflag:s30] =	ssyncadd.s32 $0xFFFFC180  }
0x78: {  	[bflag:$0x0] =	sbarrier.arrive $0xFFFF  }
0x79: {  	[tilespmem:s29], [sflag:$0x1] =	stream.linear.gather [spmem:s15], $0x2000, $0x38;
	[tilespmem:$0x1F000] =	vst v63  }
0x7a: {  	_ =	swait.ge [sflag:s30], $0x2000  }
0x7b: {  	[sflag:s30] =	ssyncset.done $0x0  }
0x7c: {  	s7 =	rddreg [dreg:$0x4];
	[sflag:s30] =	ssyncadd.s32 $0xFFFFE000  }
0x7d: {  	[hbm4b:s7+s2] =	stream.linear.scatter [tilespmem:s29], [sflag:$0x1], $0x2000, $0x38;
	[tilespmem:$0x1F000] =	vst v63  }
0x7e: {  	_ =	swait.ge [sflag:s30], $0x2000  }
0x7f: {  	[sflag:s30] =	ssyncset.done $0x0  }
0x80: {  	[sflag:s30] =	ssyncadd.s32 $0xFFFFE000  }
0x81: {  	[tilespmem:s29], [sflag:$0x1] =	stream.linear.gather [spmem:s16], $0x2000, $0x38;
	[tilespmem:$0x1F000] =	vst v63  }
0x82: {  	_ =	swait.ge [sflag:s30], $0x2000  }
0x83: {  	[sflag:s30] =	ssyncset.done $0x0  }
0x84: {  	s4 =	rddreg [dreg:$0x5];
	[sflag:s30] =	ssyncadd.s32 $0xFFFFE000  }
0x85: {  	[hbm4b:s4+s2] =	stream.linear.scatter [tilespmem:s29], [sflag:$0x1], $0x2000, $0x38;
	[tilespmem:$0x1F000] =	vst v63  }
0x86: {  	_ =	swait.ge [sflag:s30], $0x2000  }
0x87: {  	[sflag:s30] =	ssyncset.done $0x0  }
0x88: {  	[sflag:s30] =	ssyncadd.s32 $0xFFFFE000  }
0x89: {  	[tilespmem:s29], [sflag:$0x1] =	stream.linear.gather [spmem:s17], $0x2000, $0x38;
	[tilespmem:$0x1F000] =	vst v63  }
0x8a: {  	_ =	swait.ge [sflag:s30], $0x2000  }
0x8b: {  	[sflag:s30] =	ssyncset.done $0x0  }
0x8c: {  	s5 =	rddreg [dreg:$0x6];
	[sflag:s30] =	ssyncadd.s32 $0xFFFFE000  }
0x8d: {  	[hbm4b:s5+s2] =	stream.linear.scatter [tilespmem:s29], [sflag:$0x1], $0x2000, $0x38;
	[tilespmem:$0x1F000] =	vst v63  }
0x8e: {  	_ =	swait.ge [sflag:s30], $0x2000  }
0x8f: {  	[sflag:s30] =	ssyncset.done $0x0  }
0x90: {  	[sflag:s30] =	ssyncadd.s32 $0xFFFFE000  }
0x91: {  	[tilespmem:s29], [sflag:$0x1] =	stream.linear.gather [spmem:s18], $0x2000, $0x38;
	[tilespmem:$0x1F000] =	vst v63  }
0x92: {  	_ =	swait.ge [sflag:s30], $0x2000  }
0x93: {  	[sflag:s30] =	ssyncset.done $0x0  }
0x94: {  	s6 =	rddreg [dreg:$0x7];
	[sflag:s30] =	ssyncadd.s32 $0xFFFFE000  }
0x95: {  	[hbm4b:s6+s2] =	stream.linear.scatter [tilespmem:s29], [sflag:$0x1], $0x2000, $0x38;
	[tilespmem:$0x1F000] =	vst v63  }
0x96: {  	_ =	swait.ge [sflag:s30], $0x2000  }
0x97: {  	[sflag:s30] =	ssyncset.done $0x0  }
0x98: {  	[sflag:s30] =	ssyncadd.s32 $0xFFFFE000  }
0x99: {  	[tilespmem:s29], [sflag:$0x1] =	stream.linear.gather [spmem:s19], $0x2000, $0x38;
	[tilespmem:$0x1F000] =	vst v63  }
0x9a: {  	_ =	swait.ge [sflag:s30], $0x2000  }
0x9b: {  	[sflag:s30] =	ssyncset.done $0x0  }
0x9c: {  	s7 =	rddreg [dreg:$0x8];
	[sflag:s30] =	ssyncadd.s32 $0xFFFFE000  }
0x9d: {  	[hbm4b:s7+s2] =	stream.linear.scatter [tilespmem:s29], [sflag:$0x1], $0x2000, $0x38;
	[tilespmem:$0x1F000] =	vst v63  }
0x9e: {  	_ =	swait.ge [sflag:s30], $0x2000  }
0x9f: {  	[sflag:s30] =	ssyncset.done $0x0  }
0xa0: {  	[sflag:s30] =	ssyncadd.s32 $0xFFFFE000  }
0xa1: {  	[tilespmem:s29], [sflag:$0x1] =	stream.linear.gather [spmem:s20], $0x2000, $0x38;
	[tilespmem:$0x1F000] =	vst v63  }
0xa2: {  	_ =	swait.ge [sflag:s30], $0x2000  }
0xa3: {  	[sflag:s30] =	ssyncset.done $0x0  }
0xa4: {  	[sflag:s30] =	ssyncadd.s32 $0xFFFFE000  }
0xa5: {  	[hbm4b:s8+s2] =	stream.linear.scatter [tilespmem:s29], [sflag:$0x1], $0x2000, $0x38;
	[tilespmem:$0x1F000] =	vst v63  }
0xa6: {  	_ =	swait.ge [sflag:s30], $0x2000  }
0xa7: {  	[sflag:s30] =	ssyncset.done $0x0  }
0xa8: {  	[sflag:s30] =	ssyncadd.s32 $0xFFFFE000  }
0xa9: {  	[tilespmem:s29], [sflag:$0x1] =	stream.linear.gather [spmem:s21], $0x2000, $0x38;
	[tilespmem:$0x1F000] =	vst v63  }
0xaa: {  	_ =	swait.ge [sflag:s30], $0x2000  }
0xab: {  	[sflag:s30] =	ssyncset.done $0x0  }
0xac: {  	[sflag:s30] =	ssyncadd.s32 $0xFFFFE000  }
0xad: {  	[hbm4b:s9+s2] =	stream.linear.scatter [tilespmem:s29], [sflag:$0x1], $0x2000, $0x38;
	[tilespmem:$0x1F000] =	vst v63  }
0xae: {  	_ =	swait.ge [sflag:s30], $0x2000  }
0xaf: {  	[sflag:s30] =	ssyncset.done $0x0  }
0xb0: {  	[sflag:s30] =	ssyncadd.s32 $0xFFFFE000  }
0xb1: {  	[tilespmem:s29], [sflag:$0x1] =	stream.linear.gather [spmem:s22], $0x2000, $0x38;
	[tilespmem:$0x1F000] =	vst v63  }
0xb2: {  	_ =	swait.ge [sflag:s30], $0x2000  }
0xb3: {  	[sflag:s30] =	ssyncset.done $0x0  }
0xb4: {  	[sflag:s30] =	ssyncadd.s32 $0xFFFFE000  }
0xb5: {  	[hbm4b:s10+s2] =	stream.linear.scatter [tilespmem:s29], [sflag:$0x1], $0x2000, $0x38;
	[tilespmem:$0x1F000] =	vst v63  }
0xb6: {  	_ =	swait.ge [sflag:s30], $0x2000  }
0xb7: {  	[sflag:s30] =	ssyncset.done $0x0  }
0xb8: {  	[sflag:s30] =	ssyncadd.s32 $0xFFFFE000  }
0xb9: {  	[tilespmem:s29], [sflag:$0x1] =	stream.linear.gather [spmem:s23], $0x2000, $0x38;
	[tilespmem:$0x1F000] =	vst v63  }
0xba: {  	_ =	swait.ge [sflag:s30], $0x2000  }
0xbb: {  	[sflag:s30] =	ssyncset.done $0x0  }
0xbc: {  	[sflag:s30] =	ssyncadd.s32 $0xFFFFE000  }
0xbd: {  	[hbm4b:s12+s2] =	stream.linear.scatter [tilespmem:s29], [sflag:$0x1], $0x2000, $0x38;
	[tilespmem:$0x1F000] =	vst v63  }
0xbe: {  	_ =	swait.ge [sflag:s30], $0x2000  }
0xbf: {  	[sflag:s30] =	ssyncset.done $0x0  }
0xc0: {  	[sflag:s30] =	ssyncadd.s32 $0xFFFFE000  }
0xc1: {  	[tilespmem:s29], [sflag:$0x1] =	stream.linear.gather [spmem:s24], $0x2000, $0x38;
	[tilespmem:$0x1F000] =	vst v63  }
0xc2: {  	s11 =	sadd.s32 $0x1, s11;
	_ =	swait.ge [sflag:s30], $0x2000  }
0xc3: {  	p0 =	sne.s32 s11, s28;
	[sflag:s30] =	ssyncset.done $0x0  }
.Ltmp2:
0xc4: {  	[sflag:s30] =	ssyncadd.s32 $0xFFFFE000;
	(pc) =	sbr.rel @p0 .LBB2_1-.Ltmp2, $4  }
0xc5: {  	[hbm4b:s14+s2] =	stream.linear.scatter [tilespmem:s29], [sflag:$0x1], $0x2000, $0x38;
	[tilespmem:$0x1F000] =	vst v63  }
0xc6: {  	_ =	swait.ge [sflag:s30], $0x2000  }
0xc7: {  	[sflag:s30] =	ssyncset.done $0x0  }
0xc8: {  	[sflag:s30] =	ssyncadd.s32 $0xFFFFE000  }
0xc9: {  	_ =	sfence.sel $0x180000  }
0xca: {  	[bflag:$0x0] =	sbarrier.arrive $0xFFFF  }
0xcb: {  	_ =	strace $0x9000004A  }
0xcc: {  	s0 =	stileid.u32;
	[bflag:$0x2] =	sbarrier.arrive $0xFFFF  }
0xcd: {  	p0 =	sne.s32 s0, $0x0;
	s0 =	rddreg [dreg:$0x3]  }
0xce: {  	s0 =	sadd.s32 @!p0 $0x100000, s0  }
0xcf: {  	[sflag:s0] =	ssyncadd.tile.s32 @!p0 $0x1;
	_ =	shalt  }
.Lfunc_end2:
_tile_overlayer_lowered:
.L_overlay_start_2:
0xd0: {  	(tag) =	ssettag $0x2  }
0xd1: {  	s0 =	rddreg [dreg:$0x0];
	s2 =	stileid.u32  }
0xd2: {  	s1 =	rddreg [dreg:$0x1];
	p0 =	sne.s32 s2, $0x0  }
0xd3: {  	s3 =	rddreg [dreg:$0x2];
	[bflag:$0x3] =	sbarrier.arrive $0xFFFF;
	s2 =	simm.s32 @!p0 $0x1C01  }
0xd4: {  	[timem:s3], [sflag:s2] =	dma.local @!p0 [hbm:s0], s1  }
0xd5: {  	s0 =	simm.s32 @!p0 $0x1  }
0xd6: {  	_ =	swait.ge @!p0 [sflag:s0], s1  }
0xd7: {  	s1 =	ssub.s32 @!p0 $0x0, s1;
	[sflag:s0] =	ssyncset.done @!p0 $0x0  }
0xd8: {  	[sflag:s0] =	ssyncadd.s32 @!p0 s1  }
0xd9: {  	[bflag:$0x3] =	sbarrier.arrive $0xFFFF  }
0xda: {  	_ =	shalt  }

// kernel: kernel.14.cloned.1.call-start
scs
__scs_entry_jumppad:
0x0: {  	(pc) =	sbr.rel $0x88, $3  }
0x1: {  	(tag) =	ssettag $0x0;
	lr =	simm.s32 $0x1  }
0x2: {  	[smem:$0x3F9B] =	sst lr;
	_ =	strace $0xD0000000  }
0x3: {  	_ = 	snop  }
0x4: {  	_ = 	snop  }
0x5: {  	_ = 	snop  }
0x6: {  	_ = 	snop  }
0x7: {  	_ = 	snop  }
__scs_overlays_trampoline_lowered:
0x8: {  	[smem:$0x3FAA] =	sst s0  }
0x9: {  	[smem:$0x3FAB] =	sst s1  }
0xa: {  	[smem:$0x3FAC] =	sst s2  }
0xb: {  	[smem:$0x3FAD] =	sst s3  }
0xc: {  	[smem:$0x3FAE] =	sst s4  }
0xd: {  	[smem:$0x3FAF] =	sst s5  }
0xe: {  	[smem:$0x3FB0] =	sst s6  }
0xf: {  	[smem:$0x3FB1] =	sst s7  }
0x10: {  	[smem:$0x3FB2] =	sst s8  }
0x11: {  	[smem:$0x3FB3] =	sst s9;
	s0 =	simm.s32 @!p0 $0x0  }
0x12: {  	s1 =	sld [smem:$0x3F99];
	s0 =	simm.s32 @p0 $0x1  }
0x13: {  	[smem:$0x3FB4] =	sst s0;
	s0 =	simm.s32 @!p1 $0x0  }
0x14: {  	s2 =	sld [smem:$0x3F98];
	s0 =	simm.s32 @p1 $0x1  }
0x15: {  	[smem:$0x3FB5] =	sst s0;
	s0 =	simm.s32 @!p2 $0x0  }
0x16: {  	s3 =	sld [smem:$0x3FDB];
	s0 =	simm.s32 @p2 $0x1  }
0x17: {  	s4 =	simm.s32 $0x1BF5;
	[smem:$0x3FB7] =	sst s0  }
0x18: {  	s0 =	sld [smem:$0x3F9A];
	_ =	swait.ge [sflag:s4], $0x0  }
0x19: {  	s7 =	sld [smem:$0x3F9B]  }
0x1a: {  	s8 =	sadd.s32 $0xFFFFE003, lr  }
0x1b: {  	s9 =	sadd.s32 $0xFFFFFEF7, lr;
	s5 =	simm.s32 $0xFFFFFFFF;
	p2 =	slt.u32 s8, $0xFFFFF086  }
0x1c: {  	p1 =	slt.u32 s9, $0xF7A;
	s5 =	simm.s32 @!p2 $0x0  }
0x1d: {  	s5 =	simm.s32 @p1 $0x1;
	p0 =	seq.s32 s7, s2  }
0x1e: {  	s7 =	smul.u32 @!p0 $0xF7A, s2;
	p2 =	seq.s32 @!p0 s5, $0x0  }
0x1f: {  	s9 =	smul.u32 $0xF7A, s1;
	s8 =	simm.s32 @!p0 $0x1BF5;
	p2 =	por !p2, p0  }
0x20: {  	[sflag:s8] =	ssyncset.s32 @!p0 $0xFFFFF086;
	s6 =	sadd.s32 @!p0 s3, s7;
	s7 =	simm.s32 @!p0 $0x108  }
0x21: {  	s3 =	sadd.s32 s3, s9;
	s6 =	sadd.s32 @!p0 $0x88, s6;
	s7 =	simm.s32 @p2 $0x1082  }
0x22: {  	[simem:s7], [sflag:s8] =	dma.local @!p0 [hbm:s6], $0xF7A  }
0x23: {  	s9 =	sor.u32 $0xD0000000, s2;
	s6 =	simm.s32 $0x108;
	_ =	swait.ge @!p0 [sflag:s8], $0x0  }
0x24: {  	s3 =	sadd.s32 $0x88, s3;
	s6 =	simm.s32 @!p1 $0x1082;
	[sflag:s4] =	ssyncset.s32 $0xFFFFF086  }
0x25: {  	[simem:s6], [sflag:s4] =	dma.local [hbm:s3], $0xF7A  }
0x26: {  	[smem:$0x3F9B] =	sst s1;
	(tag) =	ssettag s2;
	_ =	strace s9  }
0x27: {  	s1 =	sld [smem:$0x3FAB]  }
0x28: {  	s2 =	sld [smem:$0x3FAC]  }
0x29: {  	s4 =	sld [smem:$0x3FAE]  }
0x2a: {  	p0 =	seq.s32 s5, $0x0;
	s5 =	sld [smem:$0x3FAF]  }
0x2b: {  	s6 =	sld [smem:$0x3FB0]  }
0x2c: {  	s7 =	sld [smem:$0x3FB1]  }
0x2d: {  	s3 =	simm.s32 $0x108;
	s8 =	sld [smem:$0x3FB2]  }
0x2e: {  	s3 =	simm.s32 @!p0 $0x1082;
	s9 =	sld [smem:$0x3FB3]  }
0x2f: {  	lr =	sadd.s32 s0, s3;
	s0 =	sld [smem:$0x3FAA]  }
0x30: {  	s3 =	sld [smem:$0x3FAD]  }
0x31: {  	[smem:$0x3FB6] =	sst s10  }
0x32: {  	s10 =	sld [smem:$0x3FB4];
	_ =	sdelay $0x3  }
0x33: {  	p0 =	seq.s32 s10, $0x1;
	s10 =	sld [smem:$0x3FB6];
	_ =	sdelay $0x3  }
0x34: {  	[smem:$0x3FB6] =	sst s10  }
0x35: {  	s10 =	sld [smem:$0x3FB5];
	_ =	sdelay $0x3  }
0x36: {  	p1 =	seq.s32 s10, $0x1;
	s10 =	sld [smem:$0x3FB6];
	_ =	sdelay $0x3  }
0x37: {  	[smem:$0x3FB6] =	sst s10  }
0x38: {  	s10 =	sld [smem:$0x3FB7]  }
0x39: {  	_ = 	snop;
	(pc) =	sbr.ind lr, $3  }
0x3a: {  	_ = 	snop  }
0x3b: {  	_ = 	snop  }
0x3c: {  	p2 =	seq.s32 s10, $0x1;
	s10 =	sld [smem:$0x3FB6]  }
0x3d: {  	_ =	shalt  }
0x3e: {  	_ =	shalt  }
0x3f: {  	_ =	shalt  }
0x40: {  	_ =	shalt  }
0x41: {  	_ =	shalt  }
0x42: {  	_ =	shalt  }
0x43: {  	_ =	shalt  }
0x44: {  	_ =	shalt  }
0x45: {  	_ =	shalt  }
0x46: {  	_ =	shalt  }
0x47: {  	_ =	shalt  }
0x48: {  	_ =	shalt  }
0x49: {  	_ =	shalt  }
0x4a: {  	_ =	shalt  }
0x4b: {  	_ =	shalt  }
0x4c: {  	_ =	shalt  }
0x4d: {  	_ =	shalt  }
0x4e: {  	_ =	shalt  }
0x4f: {  	_ =	shalt  }
0x50: {  	_ =	shalt  }
0x51: {  	_ =	shalt  }
0x52: {  	_ =	shalt  }
0x53: {  	_ =	shalt  }
0x54: {  	_ =	shalt  }
0x55: {  	_ =	shalt  }
0x56: {  	_ =	shalt  }
0x57: {  	_ =	shalt  }
0x58: {  	_ =	shalt  }
0x59: {  	_ =	shalt  }
0x5a: {  	_ =	shalt  }
0x5b: {  	_ =	shalt  }
0x5c: {  	_ =	shalt  }
0x5d: {  	_ =	shalt  }
0x5e: {  	_ =	shalt  }
0x5f: {  	_ =	shalt  }
0x60: {  	_ =	shalt  }
0x61: {  	_ =	shalt  }
0x62: {  	_ =	shalt  }
0x63: {  	_ =	shalt  }
0x64: {  	_ =	shalt  }
0x65: {  	_ =	shalt  }
0x66: {  	_ =	shalt  }
0x67: {  	_ =	shalt  }
0x68: {  	_ =	shalt  }
0x69: {  	_ =	shalt  }
0x6a: {  	_ =	shalt  }
0x6b: {  	_ =	shalt  }
0x6c: {  	_ =	shalt  }
0x6d: {  	_ =	shalt  }
0x6e: {  	_ =	shalt  }
0x6f: {  	_ =	shalt  }
0x70: {  	_ =	shalt  }
0x71: {  	_ =	shalt  }
0x72: {  	_ =	shalt  }
0x73: {  	_ =	shalt  }
0x74: {  	_ =	shalt  }
0x75: {  	_ =	shalt  }
0x76: {  	_ =	shalt  }
0x77: {  	_ =	shalt  }
0x78: {  	_ =	shalt  }
0x79: {  	_ =	shalt  }
0x7a: {  	_ =	shalt  }
0x7b: {  	_ =	shalt  }
0x7c: {  	_ =	shalt  }
0x7d: {  	_ =	shalt  }
0x7e: {  	_ =	shalt  }
0x7f: {  	_ =	shalt  }
0x80: {  	_ =	shalt  }
0x81: {  	_ =	shalt  }
0x82: {  	_ =	shalt  }
0x83: {  	_ =	shalt  }
0x84: {  	_ =	shalt  }
0x85: {  	_ =	shalt  }
0x86: {  	_ =	shalt  }
0x87: {  	_ =	shalt  }
.Lfunc_end0:
.L_simem_size_0:
called_computation.2_lowered:
.L_overlay_start_0:
0x88: {  	s2 =	sld [smem:$0x3FD9]  }
0x89: {  	s3 =	sld [smem:$0x3FFE];
	_ =	sdelay $0x1  }
0x8a: {  	s1 =	srdreg.scid  }
0x8b: {  	s0 =	sand.u32 $0x1, s1  }
0x8c: {  	s17 =	sshll.u32 s0, $0xA;
	s2 =	sadd.s32 s3, s2  }
0x8d: {  	s2 =	sadd.s32 s2, s17  }
0x8e: {  	[smem:$0x3FC2] =	sst s2  }
0x8f: {  	_ = 	snop  }
0x90: {  	s2 =	sld [smem:$0x3FD0];
	(tm) =	ssettm $0x1  }
0x91: {  	s18 =	sld [smem:$0x3FFB];
	_ =	sdelay $0x3  }
0x92: {  	_ =	strace s18  }
0x93: {  	s3 =	sld [smem:$0x3FFC];
	_ =	sdelay $0x3  }
0x94: {  	_ =	strace s3  }
0x95: {  	s3 =	sld [smem:$0x3FFD];
	_ =	sdelay $0x3  }
0x96: {  	_ =	strace s3  }
0x97: {  	_ =	strace $0x8FFFFFFF  }
0x98: {  	s19 =	sld [smem:$0x3FDB];
	_ =	sdelay $0x1  }
0x99: {  	s4 =	simm.s32 $_scs_section_size  }
0x9a: {  	s5 =	simm.s32 $_size__tile_overlayer_lowered;
	s6 =	simm.s32 $_tile_overlayer_lowered  }
0x9b: {  	s22 =	simm.s32 $0x1BFF;
	s21 =	sshll.u32 s6, $0x1;
	s3 =	sadd.s32 s4, s19  }
0x9c: {  	s7 =	simm.s32 $0x0;
	s20 =	sshll.u32 s5, $0x1;
	s5 =	sadd.s32 s21, s3  }
0x9d: {  	[timem:s7], [sflag:s22] =	dma.local [hbm:s5], s20  }
0x9e: {  	_ =	swait.ge [sflag:s22], s20  }
0x9f: {  	s4 =	ssub.s32 $0x0, s20;
	[sflag:s22] =	ssyncset.done $0x0  }
0xa0: {  	[sflag:s22] =	ssyncadd.s32 s4;
	_ =	sdelay $0x1  }
0xa1: {  	s23 =	simm.s32 $0x1B8B  }
0xa2: {  	_ =	swait.ge [sflag:s23], $0x1  }
0xa3: {  	[sflag:s23] =	ssyncset.done $0x0  }
0xa4: {  	s25 =	simm.s32 $0x1B8E;
	s24 =	sld [smem:$0x3FFE];
	[sflag:s23] =	ssyncadd.s32 $0xFFFFFFFF  }
0xa5: {  	s26 =	simm.s32 $execute0_lowered;
	[smem:$0x3FD2] =	sst s25  }
0xa6: {  	s5 =	sshll.u32 s26, $0x1;
	_ =	strace $0x8000004C;
	[dreg:$0x1] =	wrdreg $0xFFFFFFFF  }
0xa7: {  	s28 =	simm.s32 $_size_execute0_lowered;
	s3 =	sadd.s32 s3, s5;
	[dreg:$0x0] =	wrdreg $0x0  }
0xa8: {  	s5 =	sshll.u32 s28, $0x1;
	[dreg:$0x2] =	wrdreg s3  }
0xa9: {  	[dreg:$0x3] =	wrdreg s5  }
0xaa: {  	[dreg:$0x4] =	wrdreg $0xC0  }
0xab: {  	_ =	task [dreg:s7], $0x5FFFF  }
0xac: {  	[dreg:$0x1] =	wrdreg $0xFFFFFFFF  }
0xad: {  	[dreg:$0x0] =	wrdreg $0x60  }
0xae: {  	[dreg:$0x2] =	wrdreg s2  }
0xaf: {  	[dreg:$0x3] =	wrdreg s24  }
0xb0: {  	[dreg:$0x4] =	wrdreg $0x0  }
0xb1: {  	[dreg:$0x5] =	wrdreg $0x9  }
0xb2: {  	_ =	task.clear_ibuf [dreg:s7], $0x6FFFF;
	_ =	strace $0x9000004C  }
0xb3: {  	s29 =	simm.s32 $0x9;
	_ =	strace $0x8000004E  }
0xb4: {  	_ =	swait.ge [sflag:s29], $0x1  }
0xb5: {  	[sflag:s29] =	ssyncadd.s32 $0xFFFFFFFF  }
0xb6: {  	_ =	strace $0x9000004E  }
0xb7: {  	_ =	sfence  }
0xb8: {  	s30 =	sld [smem:$0x0];
	_ =	sdelay $0x2  }
0xb9: {  	s31 =	sshll.u32 s1, $0xD;
	s1 =	sshrl.u32 s1, $0x2  }
0xba: {  	s3 =	sand.u32 $0x4000, s31;
	s1 =	sadd.s32 s1, s30  }
0xbb: {  	s0 =	sor.u32 s3, s0;
	s1 =	sshll.u32 s1, $0x11  }
0xbc: {  	s0 =	sor.u32 s1, s0  }
0xbd: {  	s0 =	sadd.s32 $0x8F2B, s0  }
0xbe: {  	[sflag:s0] =	ssyncadd.remote.s32 $0x1  }
0xbf: {  	_ =	sfence.sel $0xFFFF  }
0xc0: {  	[dreg:$0x0] =	wrdreg $0xFFFFFFFF;
	(pc) =	sbr.abs _section_cstart, $3  }
0xc1: {  	[dreg:$0x1] =	wrdreg $0xFFFFFFFF  }
0xc2: {  	_ =	task.clear_ibuf [dreg:s7], $0x2FFFF;
	_ =	strace $0x9FFFFFFF  }
0xc3: {  	(tm) =	ssettm $0x7FFFFFFF  }
tec
execute0_lowered:
.L_overlay_start_1:
0x0: {  	(tag) =	ssettag $0x1  }
0x1: {  	s0 =	srdreg.scid;
	s1 =	rddreg [dreg:$0x0]  }
0x2: {  	s8 =	stileid.u32;
	s4 =	rddreg [dreg:$0x1];
	s29 =	simm.s32 $0x1D000  }
0x3: {  	s30 =	simm.s32 $0x1;
	s0 =	sand.u32 $0x1, s0;
	s6 =	smul.u32 $0x14000, s8  }
0x4: {  	s31 =	simm.s32 $0x19000;
	s15 =	smul.u32 $0x50000, s8;
	s2 =	sshll.u32 s0, $0x4  }
0x5: {  	s5 =	ssub.s32 $0x2, s0;
	s0 =	smul.u32 $0x140000, s0;
	s3 =	sor.u32 s8, s2  }
0x6: {  	s2 =	simm.s32 $0x0;
	s7 =	sshrl.u32 s5, $0x1;
	s16 =	sor.u32 $0x2000, s6  }
0x7: {  	s17 =	sadd.s32 $0x4000, s6;
	s18 =	sadd.s32 $0x6000, s6;
	s19 =	sadd.s32 $0x8000, s6  }
0x8: {  	s20 =	sadd.s32 $0xA000, s6;
	s21 =	sadd.s32 $0xC000, s6;
	s22 =	sadd.s32 $0xE000, s6  }
0x9: {  	s23 =	sadd.s32 $0x10000, s6;
	s24 =	sadd.s32 $0x12000, s6;
	s3 =	smul.u32 $0x500, s3  }
0xa: {  	[smem:$0x7FF] =	sst s2;
	s11 =	ssub.s32 s5, s7;
	s25 =	sadd.s32 s6, s0  }
0xb: {  	s26 =	sadd.s32 s0, s16;
	s8 =	sadd.s32 s0, s17;
	s10 =	sadd.s32 s0, s18  }
0xc: {  	s12 =	sadd.s32 s0, s19;
	s14 =	sadd.s32 s0, s20;
	s5 =	sshrl.u32 s25, $0x3  }
0xd: {  	s7 =	sshrl.u32 s26, $0x3;
	s9 =	sshrl.u32 s8, $0x3;
	s6 =	sshrl.u32 s10, $0x3  }
0xe: {  	s8 =	sshrl.u32 s14, $0x3;
	s10 =	sadd.s32 s0, s22;
	s26 =	sshrl.u32 s15, $0x2  }
0xf: {  	s28 =	smax.u32 s11, $0x1;
	s3 =	sadd.s32 s3, s4;
	s4 =	sadd.s32 $0x15E00, s4  }
0x10: {  	s11 =	simm.s32 $0x0;
	s10 =	sshrl.u32 s10, $0x3;
	s5 =	sadd.s32 s4, s5  }
0x11: {  	s13 =	sadd.s32 s4, s6;
	s8 =	sadd.s32 s4, s8;
	[dreg:$0x4] =	wrdreg s5  }
0x12: {  	s10 =	sadd.s32 s4, s10;
	s5 =	sadd.s32 s4, s7;
	[dreg:$0x7] =	wrdreg s13  }
0x13: {  	s7 =	sshrl.u32 s12, $0x3;
	s12 =	sadd.s32 s0, s23;
	s13 =	rddreg [dreg:$0x2]  }
0x14: {  	[dreg:$0x5] =	wrdreg s5;
	s5 =	sadd.s32 s4, s9;
	s25 =	sadd.s32 s4, s7  }
0x15: {  	s9 =	sadd.s32 s0, s21;
	s12 =	sshrl.u32 s12, $0x3;
	s0 =	sadd.s32 s0, s24  }
0x16: {  	s15 =	sadd.s32 s26, s13;
	s16 =	sadd.s32 s16, s13;
	s17 =	sadd.s32 s17, s13  }
0x17: {  	s18 =	sadd.s32 s18, s13;
	s19 =	sadd.s32 s19, s13;
	s20 =	sadd.s32 s20, s13  }
0x18: {  	s21 =	sadd.s32 s21, s13;
	s22 =	sadd.s32 s22, s13;
	s23 =	sadd.s32 s23, s13  }
0x19: {  	s24 =	sadd.s32 s24, s13;
	s26 =	sadd.s32 $0x1E00, s3;
	[dreg:$0x6] =	wrdreg s5  }
0x1a: {  	[dreg:$0x8] =	wrdreg s25;
	s9 =	sshrl.u32 s9, $0x3;
	s12 =	sadd.s32 s4, s12  }
0x1b: {  	s0 =	sshrl.u32 s0, $0x3;
	s25 =	sadd.s32 $0xBE00, s3;
	s9 =	sadd.s32 s4, s9  }
0x1c: {  	v0 =	vimm.f32 $0.0e+00;
	s14 =	sadd.s32 s4, s0;
	_ =	strace $0x8000004D;
	s0 =	simm.s32 $0x7D  }
.LBB2_1:
0x1d: {  	s3 =	simm.s32 $0x0;
	s4 =	simm.s32 $0x200  }
.LBB2_2:
0x1e: {  	p0 =	sne.s32 s4, $0x7E00;
	[tilespmem:s3+$0x1D070] =	vst v0  }
0x1f: {  	[tilespmem:s3+$0x1D000] =	vst v0  }
0x20: {  	[tilespmem:s3+$0x1D010] =	vst v0  }
.Ltmp0:
0x21: {  	[tilespmem:s3+$0x1D020] =	vst v0;
	(pc) =	sbr.rel @p0 .LBB2_2-.Ltmp0, $4  }
0x22: {  	[tilespmem:s3+$0x1D030] =	vst v0  }
0x23: {  	[tilespmem:s3+$0x1D040] =	vst v0  }
0x24: {  	[tilespmem:s3+$0x1D050] =	vst v0  }
0x25: {  	[tilespmem:s3+$0x1D060] =	vst v0;
	s3 =	sshra.s32 s4, $0x2;
	s4 =	sadd.s32 $0x200, s4  }
0x26: {  	[tilespmem:s3+$0x1D070] =	vst v0  }
0x27: {  	[tilespmem:s3+$0x1D000] =	vst v0  }
0x28: {  	[tilespmem:s3+$0x1D010] =	vst v0  }
0x29: {  	[tilespmem:s3+$0x1D020] =	vst v0  }
0x2a: {  	[tilespmem:s3+$0x1D030] =	vst v0  }
0x2b: {  	[tilespmem:s3+$0x1D040] =	vst v0  }
0x2c: {  	[tilespmem:s3+$0x1D050] =	vst v0  }
0x2d: {  	[tilespmem:s3+$0x1D060] =	vst v0  }
0x2e: {  	[spmem:s15] =	stream.linear.scatter [tilespmem:s29], [sflag:$0x1], $0x2000, $0x38;
	[tilespmem:$0x1F000] =	vst v63  }
0x2f: {  	_ =	swait.ge [sflag:s30], $0x2000  }
0x30: {  	[sflag:s30] =	ssyncset.done $0x0  }
0x31: {  	[sflag:s30] =	ssyncadd.s32 $0xFFFFE000  }
0x32: {  	[spmem:s16] =	stream.linear.scatter [tilespmem:s29], [sflag:$0x1], $0x2000, $0x38;
	[tilespmem:$0x1F000] =	vst v63  }
0x33: {  	_ =	swait.ge [sflag:s30], $0x2000  }
0x34: {  	[sflag:s30] =	ssyncset.done $0x0  }
0x35: {  	[sflag:s30] =	ssyncadd.s32 $0xFFFFE000  }
0x36: {  	[spmem:s17] =	stream.linear.scatter [tilespmem:s29], [sflag:$0x1], $0x2000, $0x38;
	[tilespmem:$0x1F000] =	vst v63  }
0x37: {  	_ =	swait.ge [sflag:s30], $0x2000  }
0x38: {  	[sflag:s30] =	ssyncset.done $0x0  }
0x39: {  	[sflag:s30] =	ssyncadd.s32 $0xFFFFE000  }
0x3a: {  	[spmem:s18] =	stream.linear.scatter [tilespmem:s29], [sflag:$0x1], $0x2000, $0x38;
	[tilespmem:$0x1F000] =	vst v63  }
0x3b: {  	_ =	swait.ge [sflag:s30], $0x2000  }
0x3c: {  	[sflag:s30] =	ssyncset.done $0x0  }
0x3d: {  	[sflag:s30] =	ssyncadd.s32 $0xFFFFE000  }
0x3e: {  	[spmem:s19] =	stream.linear.scatter [tilespmem:s29], [sflag:$0x1], $0x2000, $0x38;
	[tilespmem:$0x1F000] =	vst v63  }
0x3f: {  	_ =	swait.ge [sflag:s30], $0x2000  }
0x40: {  	[sflag:s30] =	ssyncset.done $0x0  }
0x41: {  	[sflag:s30] =	ssyncadd.s32 $0xFFFFE000  }
0x42: {  	[spmem:s20] =	stream.linear.scatter [tilespmem:s29], [sflag:$0x1], $0x2000, $0x38;
	[tilespmem:$0x1F000] =	vst v63  }
0x43: {  	_ =	swait.ge [sflag:s30], $0x2000  }
0x44: {  	[sflag:s30] =	ssyncset.done $0x0  }
0x45: {  	[sflag:s30] =	ssyncadd.s32 $0xFFFFE000  }
0x46: {  	[spmem:s21] =	stream.linear.scatter [tilespmem:s29], [sflag:$0x1], $0x2000, $0x38;
	[tilespmem:$0x1F000] =	vst v63  }
0x47: {  	_ =	swait.ge [sflag:s30], $0x2000  }
0x48: {  	[sflag:s30] =	ssyncset.done $0x0  }
0x49: {  	[sflag:s30] =	ssyncadd.s32 $0xFFFFE000  }
0x4a: {  	[spmem:s22] =	stream.linear.scatter [tilespmem:s29], [sflag:$0x1], $0x2000, $0x38;
	[tilespmem:$0x1F000] =	vst v63  }
0x4b: {  	_ =	swait.ge [sflag:s30], $0x2000  }
0x4c: {  	[sflag:s30] =	ssyncset.done $0x0  }
0x4d: {  	[sflag:s30] =	ssyncadd.s32 $0xFFFFE000  }
0x4e: {  	[spmem:s23] =	stream.linear.scatter [tilespmem:s29], [sflag:$0x1], $0x2000, $0x38;
	[tilespmem:$0x1F000] =	vst v63  }
0x4f: {  	_ =	swait.ge [sflag:s30], $0x2000  }
0x50: {  	[sflag:s30] =	ssyncset.done $0x0  }
0x51: {  	[sflag:s30] =	ssyncadd.s32 $0xFFFFE000  }
0x52: {  	[spmem:s24] =	stream.linear.scatter [tilespmem:s29], [sflag:$0x1], $0x2000, $0x38;
	[tilespmem:$0x1F000] =	vst v63  }
0x53: {  	_ =	swait.ge [sflag:s30], $0x2000  }
0x54: {  	[sflag:s30] =	ssyncset.done $0x0  }
0x55: {  	[sflag:s30] =	ssyncadd.s32 $0xFFFFE000  }
0x56: {  	s7 =	simm.s32 $0x0;
	s4 =	simm.s32 $0x14000;
	[bflag:$0x0] =	sbarrier.arrive $0xFFFF  }
0x57: {  	[tilespmem:s4], [sflag:$0x1] =	stream.linear.gather [hbm4b:s25+s7], $0x2800, $0x38;
	[tilespmem:$0x1F000] =	vst v63  }
0x58: {  	_ =	swait.ge [sflag:s30], $0x2800  }
0x59: {  	[sflag:s30] =	ssyncset.done $0x0  }
0x5a: {  	s5 =	simm.s32 $0x16800;
	[sflag:s30] =	ssyncadd.s32 $0xFFFFD800  }
0x5b: {  	[tilespmem:s5], [sflag:$0x1] =	stream.linear.gather [hbm4b:s26+s7], $0x2800, $0x38;
	[tilespmem:$0x1F000] =	vst v63  }
0x5c: {  	_ =	swait.ge [sflag:s30], $0x2800  }
0x5d: {  	[sflag:s30] =	ssyncset.done $0x0  }
0x5e: {  	s6 =	simm.s32 $0x14000;
	[sflag:s30] =	ssyncadd.s32 $0xFFFFD800  }
0x5f: {  	[tilespmem:s31], [sflag:$0x1] =	stream.indirect.gather [hbm4b:s1+s0], $0x80, s6, s0, $0xb8;
	[tilespmem:$0x1F000] =	vst v63  }
0x60: {  	_ =	swait.ge [sflag:s30], $0x3E80  }
0x61: {  	[sflag:s30] =	ssyncset.done $0x0  }
0x62: {  	s7 =	simm.s32 $0x16800;
	[sflag:s30] =	ssyncadd.s32 $0xFFFFC180  }
0x63: {  	[spmem:s13] =	stream.indirect.scatter.add.f32 [tilespmem:s31], [sflag:$0x1], $0x80, s7, s0, $0xb8;
	[tilespmem:$0x1F000] =	vst v63  }
0x64: {  	_ =	swait.ge [sflag:s30], $0x3E80  }
0x65: {  	s3 =	simm.s32 $0x80;
	s4 =	simm.s32 $0x400;
	[sflag:s30] =	ssyncset.done $0x0  }
.LBB2_4:
0x66: {  	s5 =	sadd.s32 $0x14000, s3  }
0x67: {  	[sflag:s30] =	ssyncadd.s32 $0xFFFFC180;
	s6 =	smov.u32 s4;
	s7 =	sadd.s32 $0x200, s4  }
0x68: {  	[tilespmem:s31], [sflag:$0x1] =	stream.indirect.gather [hbm4b:s1+s0], $0x80, s5, s0, $0xb8;
	[tilespmem:$0x1F000] =	vst v63  }
0x69: {  	p0 =	sne.s32 s4, $0x9E00;
	_ =	swait.ge [sflag:s30], $0x3E80  }
.Ltmp1:
0x6a: {  	[sflag:s30] =	ssyncset.done $0x0;
	(pc) =	sbr.rel @p0 .LBB2_4-.Ltmp1, $4  }
0x6b: {  	s3 =	sadd.s32 $0x16800, s3;
	[sflag:s30] =	ssyncadd.s32 $0xFFFFC180  }
0x6c: {  	[spmem:s13] =	stream.indirect.scatter.add.f32 [tilespmem:s31], [sflag:$0x1], $0x80, s3, s0, $0xb8;
	[tilespmem:$0x1F000] =	vst v63  }
0x6d: {  	_ =	swait.ge [sflag:s30], $0x3E80  }
0x6e: {  	s4 =	smov.u32 s7;
	s3 =	sshra.s32 s6, $0x2;
	[sflag:s30] =	ssyncset.done $0x0  }
0x6f: {  	s4 =	sadd.s32 $0x14000, s3;
	[sflag:s30] =	ssyncadd.s32 $0xFFFFC180  }
0x70: {  	[tilespmem:s31], [sflag:$0x1] =	stream.indirect.gather [hbm4b:s1+s0], $0x80, s4, s0, $0xb8;
	[tilespmem:$0x1F000] =	vst v63  }
0x71: {  	_ =	swait.ge [sflag:s30], $0x3E80  }
0x72: {  	[sflag:s30] =	ssyncset.done $0x0  }
0x73: {  	s6 =	sadd.s32 $0x16800, s3;
	[sflag:s30] =	ssyncadd.s32 $0xFFFFC180  }
0x74: {  	[spmem:s13] =	stream.indirect.scatter.add.f32 [tilespmem:s31], [sflag:$0x1], $0x80, s6, s0, $0xb8;
	[tilespmem:$0x1F000] =	vst v63  }
0x75: {  	_ =	swait.ge [sflag:s30], $0x3E80  }
0x76: {  	[sflag:s30] =	ssyncset.done $0x0  }
0x77: {  	[sflag:s30] =	ssyncadd.s32 $0xFFFFC180  }
0x78: {  	[bflag:$0x0] =	sbarrier.arrive $0xFFFF  }
0x79: {  	[tilespmem:s29], [sflag:$0x1] =	stream.linear.gather [spmem:s15], $0x2000, $0x38;
	[tilespmem:$0x1F000] =	vst v63  }
0x7a: {  	_ =	swait.ge [sflag:s30], $0x2000  }
0x7b: {  	[sflag:s30] =	ssyncset.done $0x0  }
0x7c: {  	s7 =	rddreg [dreg:$0x4];
	[sflag:s30] =	ssyncadd.s32 $0xFFFFE000  }
0x7d: {  	[hbm4b:s7+s2] =	stream.linear.scatter [tilespmem:s29], [sflag:$0x1], $0x2000, $0x38;
	[tilespmem:$0x1F000] =	vst v63  }
0x7e: {  	_ =	swait.ge [sflag:s30], $0x2000  }
0x7f: {  	[sflag:s30] =	ssyncset.done $0x0  }
0x80: {  	[sflag:s30] =	ssyncadd.s32 $0xFFFFE000  }
0x81: {  	[tilespmem:s29], [sflag:$0x1] =	stream.linear.gather [spmem:s16], $0x2000, $0x38;
	[tilespmem:$0x1F000] =	vst v63  }
0x82: {  	_ =	swait.ge [sflag:s30], $0x2000  }
0x83: {  	[sflag:s30] =	ssyncset.done $0x0  }
0x84: {  	s4 =	rddreg [dreg:$0x5];
	[sflag:s30] =	ssyncadd.s32 $0xFFFFE000  }
0x85: {  	[hbm4b:s4+s2] =	stream.linear.scatter [tilespmem:s29], [sflag:$0x1], $0x2000, $0x38;
	[tilespmem:$0x1F000] =	vst v63  }
0x86: {  	_ =	swait.ge [sflag:s30], $0x2000  }
0x87: {  	[sflag:s30] =	ssyncset.done $0x0  }
0x88: {  	[sflag:s30] =	ssyncadd.s32 $0xFFFFE000  }
0x89: {  	[tilespmem:s29], [sflag:$0x1] =	stream.linear.gather [spmem:s17], $0x2000, $0x38;
	[tilespmem:$0x1F000] =	vst v63  }
0x8a: {  	_ =	swait.ge [sflag:s30], $0x2000  }
0x8b: {  	[sflag:s30] =	ssyncset.done $0x0  }
0x8c: {  	s5 =	rddreg [dreg:$0x6];
	[sflag:s30] =	ssyncadd.s32 $0xFFFFE000  }
0x8d: {  	[hbm4b:s5+s2] =	stream.linear.scatter [tilespmem:s29], [sflag:$0x1], $0x2000, $0x38;
	[tilespmem:$0x1F000] =	vst v63  }
0x8e: {  	_ =	swait.ge [sflag:s30], $0x2000  }
0x8f: {  	[sflag:s30] =	ssyncset.done $0x0  }
0x90: {  	[sflag:s30] =	ssyncadd.s32 $0xFFFFE000  }
0x91: {  	[tilespmem:s29], [sflag:$0x1] =	stream.linear.gather [spmem:s18], $0x2000, $0x38;
	[tilespmem:$0x1F000] =	vst v63  }
0x92: {  	_ =	swait.ge [sflag:s30], $0x2000  }
0x93: {  	[sflag:s30] =	ssyncset.done $0x0  }
0x94: {  	s6 =	rddreg [dreg:$0x7];
	[sflag:s30] =	ssyncadd.s32 $0xFFFFE000  }
0x95: {  	[hbm4b:s6+s2] =	stream.linear.scatter [tilespmem:s29], [sflag:$0x1], $0x2000, $0x38;
	[tilespmem:$0x1F000] =	vst v63  }
0x96: {  	_ =	swait.ge [sflag:s30], $0x2000  }
0x97: {  	[sflag:s30] =	ssyncset.done $0x0  }
0x98: {  	[sflag:s30] =	ssyncadd.s32 $0xFFFFE000  }
0x99: {  	[tilespmem:s29], [sflag:$0x1] =	stream.linear.gather [spmem:s19], $0x2000, $0x38;
	[tilespmem:$0x1F000] =	vst v63  }
0x9a: {  	_ =	swait.ge [sflag:s30], $0x2000  }
0x9b: {  	[sflag:s30] =	ssyncset.done $0x0  }
0x9c: {  	s7 =	rddreg [dreg:$0x8];
	[sflag:s30] =	ssyncadd.s32 $0xFFFFE000  }
0x9d: {  	[hbm4b:s7+s2] =	stream.linear.scatter [tilespmem:s29], [sflag:$0x1], $0x2000, $0x38;
	[tilespmem:$0x1F000] =	vst v63  }
0x9e: {  	_ =	swait.ge [sflag:s30], $0x2000  }
0x9f: {  	[sflag:s30] =	ssyncset.done $0x0  }
0xa0: {  	[sflag:s30] =	ssyncadd.s32 $0xFFFFE000  }
0xa1: {  	[tilespmem:s29], [sflag:$0x1] =	stream.linear.gather [spmem:s20], $0x2000, $0x38;
	[tilespmem:$0x1F000] =	vst v63  }
0xa2: {  	_ =	swait.ge [sflag:s30], $0x2000  }
0xa3: {  	[sflag:s30] =	ssyncset.done $0x0  }
0xa4: {  	[sflag:s30] =	ssyncadd.s32 $0xFFFFE000  }
0xa5: {  	[hbm4b:s8+s2] =	stream.linear.scatter [tilespmem:s29], [sflag:$0x1], $0x2000, $0x38;
	[tilespmem:$0x1F000] =	vst v63  }
0xa6: {  	_ =	swait.ge [sflag:s30], $0x2000  }
0xa7: {  	[sflag:s30] =	ssyncset.done $0x0  }
0xa8: {  	[sflag:s30] =	ssyncadd.s32 $0xFFFFE000  }
0xa9: {  	[tilespmem:s29], [sflag:$0x1] =	stream.linear.gather [spmem:s21], $0x2000, $0x38;
	[tilespmem:$0x1F000] =	vst v63  }
0xaa: {  	_ =	swait.ge [sflag:s30], $0x2000  }
0xab: {  	[sflag:s30] =	ssyncset.done $0x0  }
0xac: {  	[sflag:s30] =	ssyncadd.s32 $0xFFFFE000  }
0xad: {  	[hbm4b:s9+s2] =	stream.linear.scatter [tilespmem:s29], [sflag:$0x1], $0x2000, $0x38;
	[tilespmem:$0x1F000] =	vst v63  }
0xae: {  	_ =	swait.ge [sflag:s30], $0x2000  }
0xaf: {  	[sflag:s30] =	ssyncset.done $0x0  }
0xb0: {  	[sflag:s30] =	ssyncadd.s32 $0xFFFFE000  }
0xb1: {  	[tilespmem:s29], [sflag:$0x1] =	stream.linear.gather [spmem:s22], $0x2000, $0x38;
	[tilespmem:$0x1F000] =	vst v63  }
0xb2: {  	_ =	swait.ge [sflag:s30], $0x2000  }
0xb3: {  	[sflag:s30] =	ssyncset.done $0x0  }
0xb4: {  	[sflag:s30] =	ssyncadd.s32 $0xFFFFE000  }
0xb5: {  	[hbm4b:s10+s2] =	stream.linear.scatter [tilespmem:s29], [sflag:$0x1], $0x2000, $0x38;
	[tilespmem:$0x1F000] =	vst v63  }
0xb6: {  	_ =	swait.ge [sflag:s30], $0x2000  }
0xb7: {  	[sflag:s30] =	ssyncset.done $0x0  }
0xb8: {  	[sflag:s30] =	ssyncadd.s32 $0xFFFFE000  }
0xb9: {  	[tilespmem:s29], [sflag:$0x1] =	stream.linear.gather [spmem:s23], $0x2000, $0x38;
	[tilespmem:$0x1F000] =	vst v63  }
0xba: {  	_ =	swait.ge [sflag:s30], $0x2000  }
0xbb: {  	[sflag:s30] =	ssyncset.done $0x0  }
0xbc: {  	[sflag:s30] =	ssyncadd.s32 $0xFFFFE000  }
0xbd: {  	[hbm4b:s12+s2] =	stream.linear.scatter [tilespmem:s29], [sflag:$0x1], $0x2000, $0x38;
	[tilespmem:$0x1F000] =	vst v63  }
0xbe: {  	_ =	swait.ge [sflag:s30], $0x2000  }
0xbf: {  	[sflag:s30] =	ssyncset.done $0x0  }
0xc0: {  	[sflag:s30] =	ssyncadd.s32 $0xFFFFE000  }
0xc1: {  	[tilespmem:s29], [sflag:$0x1] =	stream.linear.gather [spmem:s24], $0x2000, $0x38;
	[tilespmem:$0x1F000] =	vst v63  }
0xc2: {  	s11 =	sadd.s32 $0x1, s11;
	_ =	swait.ge [sflag:s30], $0x2000  }
0xc3: {  	p0 =	sne.s32 s11, s28;
	[sflag:s30] =	ssyncset.done $0x0  }
.Ltmp2:
0xc4: {  	[sflag:s30] =	ssyncadd.s32 $0xFFFFE000;
	(pc) =	sbr.rel @p0 .LBB2_1-.Ltmp2, $4  }
0xc5: {  	[hbm4b:s14+s2] =	stream.linear.scatter [tilespmem:s29], [sflag:$0x1], $0x2000, $0x38;
	[tilespmem:$0x1F000] =	vst v63  }
0xc6: {  	_ =	swait.ge [sflag:s30], $0x2000  }
0xc7: {  	[sflag:s30] =	ssyncset.done $0x0  }
0xc8: {  	[sflag:s30] =	ssyncadd.s32 $0xFFFFE000  }
0xc9: {  	_ =	sfence.sel $0x180000  }
0xca: {  	[bflag:$0x0] =	sbarrier.arrive $0xFFFF  }
0xcb: {  	_ =	strace $0x9000004D  }
0xcc: {  	s0 =	stileid.u32;
	[bflag:$0x2] =	sbarrier.arrive $0xFFFF  }
0xcd: {  	p0 =	sne.s32 s0, $0x0;
	s0 =	rddreg [dreg:$0x3]  }
0xce: {  	s0 =	sadd.s32 @!p0 $0x100000, s0  }
0xcf: {  	[sflag:s0] =	ssyncadd.tile.s32 @!p0 $0x1;
	_ =	shalt  }
.Lfunc_end2:
_tile_overlayer_lowered:
.L_overlay_start_2:
0xd0: {  	(tag) =	ssettag $0x2  }
0xd1: {  	s0 =	rddreg [dreg:$0x0];
	s2 =	stileid.u32  }
0xd2: {  	s1 =	rddreg [dreg:$0x1];
	p0 =	sne.s32 s2, $0x0  }
0xd3: {  	s3 =	rddreg [dreg:$0x2];
	[bflag:$0x3] =	sbarrier.arrive $0xFFFF;
	s2 =	simm.s32 @!p0 $0x1C01  }
0xd4: {  	[timem:s3], [sflag:s2] =	dma.local @!p0 [hbm:s0], s1  }
0xd5: {  	s0 =	simm.s32 @!p0 $0x1  }
0xd6: {  	_ =	swait.ge @!p0 [sflag:s0], s1  }
0xd7: {  	s1 =	ssub.s32 @!p0 $0x0, s1;
	[sflag:s0] =	ssyncset.done @!p0 $0x0  }
0xd8: {  	[sflag:s0] =	ssyncadd.s32 @!p0 s1  }
0xd9: {  	[bflag:$0x3] =	sbarrier.arrive $0xFFFF  }
0xda: {  	_ =	shalt  }

// kernel: kernel.8.cloned.1.call-start
scs
__scs_entry_jumppad:
0x0: {  	(pc) =	sbr.rel $0x88, $3  }
0x1: {  	(tag) =	ssettag $0x0;
	lr =	simm.s32 $0x1  }
0x2: {  	[smem:$0x3F9B] =	sst lr;
	_ =	strace $0xD0000000  }
0x3: {  	_ = 	snop  }
0x4: {  	_ = 	snop  }
0x5: {  	_ = 	snop  }
0x6: {  	_ = 	snop  }
0x7: {  	_ = 	snop  }
__scs_overlays_trampoline_lowered:
0x8: {  	[smem:$0x3FAA] =	sst s0  }
0x9: {  	[smem:$0x3FAB] =	sst s1  }
0xa: {  	[smem:$0x3FAC] =	sst s2  }
0xb: {  	[smem:$0x3FAD] =	sst s3  }
0xc: {  	[smem:$0x3FAE] =	sst s4  }
0xd: {  	[smem:$0x3FAF] =	sst s5  }
0xe: {  	[smem:$0x3FB0] =	sst s6  }
0xf: {  	[smem:$0x3FB1] =	sst s7  }
0x10: {  	[smem:$0x3FB2] =	sst s8  }
0x11: {  	[smem:$0x3FB3] =	sst s9;
	s0 =	simm.s32 @!p0 $0x0  }
0x12: {  	s1 =	sld [smem:$0x3F99];
	s0 =	simm.s32 @p0 $0x1  }
0x13: {  	[smem:$0x3FB4] =	sst s0;
	s0 =	simm.s32 @!p1 $0x0  }
0x14: {  	s2 =	sld [smem:$0x3F98];
	s0 =	simm.s32 @p1 $0x1  }
0x15: {  	[smem:$0x3FB5] =	sst s0;
	s0 =	simm.s32 @!p2 $0x0  }
0x16: {  	s3 =	sld [smem:$0x3FDB];
	s0 =	simm.s32 @p2 $0x1  }
0x17: {  	s4 =	simm.s32 $0x1BF5;
	[smem:$0x3FB7] =	sst s0  }
0x18: {  	s0 =	sld [smem:$0x3F9A];
	_ =	swait.ge [sflag:s4], $0x0  }
0x19: {  	s7 =	sld [smem:$0x3F9B]  }
0x1a: {  	s8 =	sadd.s32 $0xFFFFE003, lr  }
0x1b: {  	s9 =	sadd.s32 $0xFFFFFEF7, lr;
	s5 =	simm.s32 $0xFFFFFFFF;
	p2 =	slt.u32 s8, $0xFFFFF086  }
0x1c: {  	p1 =	slt.u32 s9, $0xF7A;
	s5 =	simm.s32 @!p2 $0x0  }
0x1d: {  	s5 =	simm.s32 @p1 $0x1;
	p0 =	seq.s32 s7, s2  }
0x1e: {  	s7 =	smul.u32 @!p0 $0xF7A, s2;
	p2 =	seq.s32 @!p0 s5, $0x0  }
0x1f: {  	s9 =	smul.u32 $0xF7A, s1;
	s8 =	simm.s32 @!p0 $0x1BF5;
	p2 =	por !p2, p0  }
0x20: {  	[sflag:s8] =	ssyncset.s32 @!p0 $0xFFFFF086;
	s6 =	sadd.s32 @!p0 s3, s7;
	s7 =	simm.s32 @!p0 $0x108  }
0x21: {  	s3 =	sadd.s32 s3, s9;
	s6 =	sadd.s32 @!p0 $0x88, s6;
	s7 =	simm.s32 @p2 $0x1082  }
0x22: {  	[simem:s7], [sflag:s8] =	dma.local @!p0 [hbm:s6], $0xF7A  }
0x23: {  	s9 =	sor.u32 $0xD0000000, s2;
	s6 =	simm.s32 $0x108;
	_ =	swait.ge @!p0 [sflag:s8], $0x0  }
0x24: {  	s3 =	sadd.s32 $0x88, s3;
	s6 =	simm.s32 @!p1 $0x1082;
	[sflag:s4] =	ssyncset.s32 $0xFFFFF086  }
0x25: {  	[simem:s6], [sflag:s4] =	dma.local [hbm:s3], $0xF7A  }
0x26: {  	[smem:$0x3F9B] =	sst s1;
	(tag) =	ssettag s2;
	_ =	strace s9  }
0x27: {  	s1 =	sld [smem:$0x3FAB]  }
0x28: {  	s2 =	sld [smem:$0x3FAC]  }
0x29: {  	s4 =	sld [smem:$0x3FAE]  }
0x2a: {  	p0 =	seq.s32 s5, $0x0;
	s5 =	sld [smem:$0x3FAF]  }
0x2b: {  	s6 =	sld [smem:$0x3FB0]  }
0x2c: {  	s7 =	sld [smem:$0x3FB1]  }
0x2d: {  	s3 =	simm.s32 $0x108;
	s8 =	sld [smem:$0x3FB2]  }
0x2e: {  	s3 =	simm.s32 @!p0 $0x1082;
	s9 =	sld [smem:$0x3FB3]  }
0x2f: {  	lr =	sadd.s32 s0, s3;
	s0 =	sld [smem:$0x3FAA]  }
0x30: {  	s3 =	sld [smem:$0x3FAD]  }
0x31: {  	[smem:$0x3FB6] =	sst s10  }
0x32: {  	s10 =	sld [smem:$0x3FB4];
	_ =	sdelay $0x3  }
0x33: {  	p0 =	seq.s32 s10, $0x1;
	s10 =	sld [smem:$0x3FB6];
	_ =	sdelay $0x3  }
0x34: {  	[smem:$0x3FB6] =	sst s10  }
0x35: {  	s10 =	sld [smem:$0x3FB5];
	_ =	sdelay $0x3  }
0x36: {  	p1 =	seq.s32 s10, $0x1;
	s10 =	sld [smem:$0x3FB6];
	_ =	sdelay $0x3  }
0x37: {  	[smem:$0x3FB6] =	sst s10  }
0x38: {  	s10 =	sld [smem:$0x3FB7]  }
0x39: {  	_ = 	snop;
	(pc) =	sbr.ind lr, $3  }
0x3a: {  	_ = 	snop  }
0x3b: {  	_ = 	snop  }
0x3c: {  	p2 =	seq.s32 s10, $0x1;
	s10 =	sld [smem:$0x3FB6]  }
0x3d: {  	_ =	shalt  }
0x3e: {  	_ =	shalt  }
0x3f: {  	_ =	shalt  }
0x40: {  	_ =	shalt  }
0x41: {  	_ =	shalt  }
0x42: {  	_ =	shalt  }
0x43: {  	_ =	shalt  }
0x44: {  	_ =	shalt  }
0x45: {  	_ =	shalt  }
0x46: {  	_ =	shalt  }
0x47: {  	_ =	shalt  }
0x48: {  	_ =	shalt  }
0x49: {  	_ =	shalt  }
0x4a: {  	_ =	shalt  }
0x4b: {  	_ =	shalt  }
0x4c: {  	_ =	shalt  }
0x4d: {  	_ =	shalt  }
0x4e: {  	_ =	shalt  }
0x4f: {  	_ =	shalt  }
0x50: {  	_ =	shalt  }
0x51: {  	_ =	shalt  }
0x52: {  	_ =	shalt  }
0x53: {  	_ =	shalt  }
0x54: {  	_ =	shalt  }
0x55: {  	_ =	shalt  }
0x56: {  	_ =	shalt  }
0x57: {  	_ =	shalt  }
0x58: {  	_ =	shalt  }
0x59: {  	_ =	shalt  }
0x5a: {  	_ =	shalt  }
0x5b: {  	_ =	shalt  }
0x5c: {  	_ =	shalt  }
0x5d: {  	_ =	shalt  }
0x5e: {  	_ =	shalt  }
0x5f: {  	_ =	shalt  }
0x60: {  	_ =	shalt  }
0x61: {  	_ =	shalt  }
0x62: {  	_ =	shalt  }
0x63: {  	_ =	shalt  }
0x64: {  	_ =	shalt  }
0x65: {  	_ =	shalt  }
0x66: {  	_ =	shalt  }
0x67: {  	_ =	shalt  }
0x68: {  	_ =	shalt  }
0x69: {  	_ =	shalt  }
0x6a: {  	_ =	shalt  }
0x6b: {  	_ =	shalt  }
0x6c: {  	_ =	shalt  }
0x6d: {  	_ =	shalt  }
0x6e: {  	_ =	shalt  }
0x6f: {  	_ =	shalt  }
0x70: {  	_ =	shalt  }
0x71: {  	_ =	shalt  }
0x72: {  	_ =	shalt  }
0x73: {  	_ =	shalt  }
0x74: {  	_ =	shalt  }
0x75: {  	_ =	shalt  }
0x76: {  	_ =	shalt  }
0x77: {  	_ =	shalt  }
0x78: {  	_ =	shalt  }
0x79: {  	_ =	shalt  }
0x7a: {  	_ =	shalt  }
0x7b: {  	_ =	shalt  }
0x7c: {  	_ =	shalt  }
0x7d: {  	_ =	shalt  }
0x7e: {  	_ =	shalt  }
0x7f: {  	_ =	shalt  }
0x80: {  	_ =	shalt  }
0x81: {  	_ =	shalt  }
0x82: {  	_ =	shalt  }
0x83: {  	_ =	shalt  }
0x84: {  	_ =	shalt  }
0x85: {  	_ =	shalt  }
0x86: {  	_ =	shalt  }
0x87: {  	_ =	shalt  }
.Lfunc_end0:
.L_simem_size_0:
called_computation_lowered:
.L_overlay_start_0:
0x88: {  	s2 =	sld [smem:$0x3FD9]  }
0x89: {  	s3 =	sld [smem:$0x3FFE];
	_ =	sdelay $0x1  }
0x8a: {  	s1 =	srdreg.scid  }
0x8b: {  	s0 =	sand.u32 $0x1, s1  }
0x8c: {  	s17 =	sshll.u32 s0, $0xA;
	s2 =	sadd.s32 s3, s2  }
0x8d: {  	s2 =	sadd.s32 s2, s17  }
0x8e: {  	[smem:$0x3FC2] =	sst s2  }
0x8f: {  	_ = 	snop  }
0x90: {  	s2 =	sld [smem:$0x3FD0];
	(tm) =	ssettm $0x1  }
0x91: {  	s18 =	sld [smem:$0x3FFB];
	_ =	sdelay $0x3  }
0x92: {  	_ =	strace s18  }
0x93: {  	s3 =	sld [smem:$0x3FFC];
	_ =	sdelay $0x3  }
0x94: {  	_ =	strace s3  }
0x95: {  	s3 =	sld [smem:$0x3FFD];
	_ =	sdelay $0x3  }
0x96: {  	_ =	strace s3  }
0x97: {  	_ =	strace $0x8FFFFFFF  }
0x98: {  	s19 =	sld [smem:$0x3FDB];
	_ =	sdelay $0x1  }
0x99: {  	s4 =	simm.s32 $_scs_section_size  }
0x9a: {  	s5 =	simm.s32 $_size__tile_overlayer_lowered;
	s6 =	simm.s32 $_tile_overlayer_lowered  }
0x9b: {  	s22 =	simm.s32 $0x1BFF;
	s21 =	sshll.u32 s6, $0x1;
	s3 =	sadd.s32 s4, s19  }
0x9c: {  	s7 =	simm.s32 $0x0;
	s20 =	sshll.u32 s5, $0x1;
	s5 =	sadd.s32 s21, s3  }
0x9d: {  	[timem:s7], [sflag:s22] =	dma.local [hbm:s5], s20  }
0x9e: {  	_ =	swait.ge [sflag:s22], s20  }
0x9f: {  	s4 =	ssub.s32 $0x0, s20;
	[sflag:s22] =	ssyncset.done $0x0  }
0xa0: {  	[sflag:s22] =	ssyncadd.s32 s4;
	_ =	sdelay $0x1  }
0xa1: {  	s23 =	simm.s32 $0x1B8B  }
0xa2: {  	_ =	swait.ge [sflag:s23], $0x1  }
0xa3: {  	[sflag:s23] =	ssyncset.done $0x0  }
0xa4: {  	s25 =	simm.s32 $0x1B8E;
	s24 =	sld [smem:$0x3FFE];
	[sflag:s23] =	ssyncadd.s32 $0xFFFFFFFF  }
0xa5: {  	s26 =	simm.s32 $execute0_lowered;
	[smem:$0x3FD2] =	sst s25  }
0xa6: {  	s5 =	sshll.u32 s26, $0x1;
	_ =	strace $0x80000046;
	[dreg:$0x1] =	wrdreg $0xFFFFFFFF  }
0xa7: {  	s28 =	simm.s32 $_size_execute0_lowered;
	s3 =	sadd.s32 s3, s5;
	[dreg:$0x0] =	wrdreg $0x0  }
0xa8: {  	s5 =	sshll.u32 s28, $0x1;
	[dreg:$0x2] =	wrdreg s3  }
0xa9: {  	[dreg:$0x3] =	wrdreg s5  }
0xaa: {  	[dreg:$0x4] =	wrdreg $0xC0  }
0xab: {  	_ =	task [dreg:s7], $0x5FFFF  }
0xac: {  	[dreg:$0x1] =	wrdreg $0xFFFFFFFF  }
0xad: {  	[dreg:$0x0] =	wrdreg $0x60  }
0xae: {  	[dreg:$0x2] =	wrdreg s24  }
0xaf: {  	[dreg:$0x3] =	wrdreg s2  }
0xb0: {  	[dreg:$0x4] =	wrdreg $0x0  }
0xb1: {  	[dreg:$0x5] =	wrdreg $0x9  }
0xb2: {  	_ =	task.clear_ibuf [dreg:s7], $0x6FFFF;
	_ =	strace $0x90000046  }
0xb3: {  	s29 =	simm.s32 $0x9;
	_ =	strace $0x80000048  }
0xb4: {  	_ =	swait.ge [sflag:s29], $0x1  }
0xb5: {  	[sflag:s29] =	ssyncadd.s32 $0xFFFFFFFF  }
0xb6: {  	_ =	strace $0x90000048  }
0xb7: {  	_ =	sfence  }
0xb8: {  	s30 =	sld [smem:$0x0];
	_ =	sdelay $0x2  }
0xb9: {  	s31 =	sshll.u32 s1, $0xD;
	s1 =	sshrl.u32 s1, $0x2  }
0xba: {  	s3 =	sand.u32 $0x4000, s31;
	s1 =	sadd.s32 s1, s30  }
0xbb: {  	s0 =	sor.u32 s3, s0;
	s1 =	sshll.u32 s1, $0x11  }
0xbc: {  	s0 =	sor.u32 s1, s0  }
0xbd: {  	s0 =	sadd.s32 $0x8F2B, s0  }
0xbe: {  	[sflag:s0] =	ssyncadd.remote.s32 $0x1  }
0xbf: {  	_ =	sfence.sel $0xFFFF  }
0xc0: {  	[dreg:$0x0] =	wrdreg $0xFFFFFFFF;
	(pc) =	sbr.abs _section_cstart, $3  }
0xc1: {  	[dreg:$0x1] =	wrdreg $0xFFFFFFFF  }
0xc2: {  	_ =	task.clear_ibuf [dreg:s7], $0x2FFFF;
	_ =	strace $0x9FFFFFFF  }
0xc3: {  	(tm) =	ssettm $0x7FFFFFFF  }
tec
execute0_lowered:
.L_overlay_start_1:
0x0: {  	(tag) =	ssettag $0x1  }
0x1: {  	s4 =	rddreg [dreg:$0x0]  }
0x2: {  	s0 =	srdreg.scid;
	s6 =	rddreg [dreg:$0x1]  }
0x3: {  	s2 =	rddreg [dreg:$0x2];
	s1 =	stileid.u32  }
0x4: {  	s3 =	simm.s32 $0x0;
	s11 =	simm.s32 $0x7D;
	s12 =	simm.s32 $0x2D00  }
0x5: {  	s13 =	simm.s32 $0x80;
	s14 =	simm.s32 $0x100;
	s15 =	simm.s32 $0x0  }
0x6: {  	s5 =	sand.u32 $0x1, s0;
	s0 =	rddreg [dreg:$0x3];
	s8 =	smul.u32 $0x500, s1  }
0x7: {  	[smem:$0x7FF] =	sst s3;
	s10 =	smul.u32 $0xA00, s1;
	s7 =	sshll.u32 s5, $0x4  }
0x8: {  	_ =	strace $0x80000047;
	s9 =	ssub.s32 $0x2, s5;
	s5 =	sshll.u32 s5, $0x7  }
0x9: {  	s7 =	sor.u32 s1, s7;
	s28 =	sshrl.u32 s9, $0x1;
	s5 =	sor.u32 s5, s8  }
0xa: {  	s30 =	sshrl.u32 s10, $0x2;
	s8 =	simm.s32 $0x2A80;
	s7 =	smul.u32 $0x500, s7  }
0xb: {  	s10 =	simm.s32 $0x280;
	s29 =	ssub.s32 s9, s28;
	s31 =	sshrl.u32 s5, $0x3  }
0xc: {  	s9 =	simm.s32 $0x1;
	s6 =	sadd.s32 s6, s31;
	s7 =	sadd.s32 s7, s4  }
0xd: {  	v0 =	vimm.f32 $0.0e+00;
	v1 =	vimm.f32 $1.000000000e+00;
	s4 =	sadd.s32 s30, s2;
	s5 =	sadd.s32 $0x1E00, s7;
	s7 =	smax.u32 s29, $0x1  }
.LBB2_1:
0xe: {  	[tilespmem:$0x2A80] =	vst v0  }
0xf: {  	[tilespmem:$0x2A90] =	vst v0  }
0x10: {  	[tilespmem:$0x2AA0] =	vst v0  }
0x11: {  	[tilespmem:$0x2AB0] =	vst v0  }
0x12: {  	[tilespmem:$0x2AC0] =	vst v0  }
0x13: {  	[tilespmem:$0x2AD0] =	vst v0  }
0x14: {  	[tilespmem:$0x2AE0] =	vst v0  }
0x15: {  	[tilespmem:$0x2AF0] =	vst v0  }
0x16: {  	[tilespmem:$0x2B00] =	vst v0  }
0x17: {  	[tilespmem:$0x2B10] =	vst v0  }
0x18: {  	[tilespmem:$0x2B20] =	vst v0  }
0x19: {  	[tilespmem:$0x2B30] =	vst v0  }
0x1a: {  	[tilespmem:$0x2B40] =	vst v0  }
0x1b: {  	[tilespmem:$0x2B50] =	vst v0  }
0x1c: {  	[tilespmem:$0x2B60] =	vst v0  }
0x1d: {  	[tilespmem:$0x2B70] =	vst v0  }
0x1e: {  	[tilespmem:$0x2B80] =	vst v0  }
0x1f: {  	[tilespmem:$0x2B90] =	vst v0  }
0x20: {  	[tilespmem:$0x2BA0] =	vst v0  }
0x21: {  	[tilespmem:$0x2BB0] =	vst v0  }
0x22: {  	[tilespmem:$0x2BC0] =	vst v0  }
0x23: {  	[tilespmem:$0x2BD0] =	vst v0  }
0x24: {  	[tilespmem:$0x2BE0] =	vst v0  }
0x25: {  	[tilespmem:$0x2BF0] =	vst v0  }
0x26: {  	[tilespmem:$0x2C00] =	vst v0  }
0x27: {  	[tilespmem:$0x2C10] =	vst v0  }
0x28: {  	[tilespmem:$0x2C20] =	vst v0  }
0x29: {  	[tilespmem:$0x2C30] =	vst v0  }
0x2a: {  	[tilespmem:$0x2C40] =	vst v0  }
0x2b: {  	[tilespmem:$0x2C50] =	vst v0  }
0x2c: {  	[tilespmem:$0x2C60] =	vst v0  }
0x2d: {  	[tilespmem:$0x2C70] =	vst v0  }
0x2e: {  	[tilespmem:$0x2C80] =	vst v0  }
0x2f: {  	[tilespmem:$0x2C90] =	vst v0  }
0x30: {  	[tilespmem:$0x2CA0] =	vst v0  }
0x31: {  	[tilespmem:$0x2CB0] =	vst v0  }
0x32: {  	[tilespmem:$0x2CC0] =	vst v0  }
0x33: {  	[tilespmem:$0x2CD0] =	vst v0  }
0x34: {  	[tilespmem:$0x2CE0] =	vst v0  }
0x35: {  	[tilespmem:$0x2CF0] =	vst v0  }
0x36: {  	[tilespmem:$0x2D00] =	vst v1  }
0x37: {  	[tilespmem:$0x2D10] =	vst v1  }
0x38: {  	[tilespmem:$0x2D20] =	vst v1  }
0x39: {  	[tilespmem:$0x2D30] =	vst v1  }
0x3a: {  	[tilespmem:$0x2D40] =	vst v1  }
0x3b: {  	[tilespmem:$0x2D50] =	vst v1  }
0x3c: {  	[tilespmem:$0x2D60] =	vst v1  }
0x3d: {  	[tilespmem:$0x2D70] =	vst v1  }
0x3e: {  	[spmem:s4] =	stream.linear.scatter [tilespmem:s8], [sflag:$0x1], $0x280, $0x38;
	[tilespmem:$0x2D80] =	vst v63  }
0x3f: {  	_ =	swait.ge [sflag:s9], $0x280  }
0x40: {  	[sflag:s9] =	ssyncset.done $0x0  }
0x41: {  	[sflag:s9] =	ssyncadd.s32 $0xFFFFFD80  }
0x42: {  	[bflag:$0x0] =	sbarrier.arrive $0xFFFF  }
0x43: {  	[tilespmem:s10], [sflag:$0x1] =	stream.linear.gather [hbm4b:s5+s3], $0x2800, $0x38;
	[tilespmem:$0x2D80] =	vst v63  }
0x44: {  	_ =	swait.ge [sflag:s9], $0x2800  }
0x45: {  	[sflag:s9] =	ssyncset.done $0x0  }
0x46: {  	s16 =	simm.s32 $0x280;
	[sflag:s9] =	ssyncadd.s32 $0xFFFFD800  }
0x47: {  	[spmem:s2] =	stream.indirect.scatter.add.f32 [tilespmem:s12], [sflag:$0x1], $0x1, s16, s11, $0xb8;
	[tilespmem:$0x2D80] =	vst v63  }
0x48: {  	s16 =	simm.s32 $0x200;
	_ =	swait.ge [sflag:s9], $0x7D  }
.LBB2_2:
0x49: {  	s17 =	sshra.s32 s16, $0x2;
	[sflag:s9] =	ssyncset.done $0x0;
	p0 =	sne.s32 s16, $0x9E00  }
.Ltmp0:
0x4a: {  	s17 =	sadd.s32 $0x280, s17;
	[sflag:s9] =	ssyncadd.s32 $0xFFFFFF83;
	(pc) =	sbr.rel @p0 .LBB2_2-.Ltmp0, $3  }
0x4b: {  	[spmem:s2] =	stream.indirect.scatter.add.f32 [tilespmem:s12], [sflag:$0x1], $0x1, s17, s11, $0xb8;
	[tilespmem:$0x2D80] =	vst v63  }
0x4c: {  	s16 =	sadd.s32 $0x200, s16;
	_ =	sdelay $0x1  }
0x4d: {  	_ =	swait.ge [sflag:s9], $0x7D  }
0x4e: {  	[sflag:s9] =	ssyncset.done $0x0  }
0x4f: {  	[sflag:s9] =	ssyncadd.s32 $0xFFFFFF83  }
0x50: {  	[bflag:$0x0] =	sbarrier.arrive $0xFFFF  }
0x51: {  	[tilespmem:s8], [sflag:$0x1] =	stream.linear.gather [spmem:s4], $0x280, $0x38;
	[tilespmem:$0x2D80] =	vst v63  }
0x52: {  	s15 =	sadd.s32 $0x1, s15;
	_ =	swait.ge [sflag:s9], $0x280  }
0x53: {  	p0 =	sne.s32 s15, s7;
	[sflag:s9] =	ssyncset.done $0x0  }
.Ltmp1:
0x54: {  	[sflag:s9] =	ssyncadd.s32 $0xFFFFFD80;
	(pc) =	sbr.rel @p0 .LBB2_1-.Ltmp1, $4  }
0x55: {  	[hbm4b:s6+s13] =	stream.strided.scatter [tilespmem:s8], [sflag:$0x1], $0x280, s14, s13, $0x38;
	[tilespmem:$0x2D80] =	vst v63  }
0x56: {  	_ =	swait.ge [sflag:s9], $0x280  }
0x57: {  	[sflag:s9] =	ssyncset.done $0x0  }
0x58: {  	[sflag:s9] =	ssyncadd.s32 $0xFFFFFD80  }
0x59: {  	_ =	sfence.sel $0x180000  }
0x5a: {  	[bflag:$0x0] =	sbarrier.arrive $0xFFFF  }
0x5b: {  	p0 =	sne.s32 s1, $0x0;
	_ =	strace $0x90000047  }
0x5c: {  	s0 =	sadd.s32 @!p0 $0x100000, s0;
	[bflag:$0x2] =	sbarrier.arrive $0xFFFF  }
0x5d: {  	[sflag:s0] =	ssyncadd.tile.s32 @!p0 $0x1;
	_ =	shalt  }
.Lfunc_end2:
_tile_overlayer_lowered:
.L_overlay_start_2:
0x5e: {  	(tag) =	ssettag $0x2  }
0x5f: {  	s0 =	rddreg [dreg:$0x0];
	s2 =	stileid.u32  }
0x60: {  	s1 =	rddreg [dreg:$0x1];
	p0 =	sne.s32 s2, $0x0  }
0x61: {  	s3 =	rddreg [dreg:$0x2];
	[bflag:$0x3] =	sbarrier.arrive $0xFFFF;
	s2 =	simm.s32 @!p0 $0x1C01  }
0x62: {  	[timem:s3], [sflag:s2] =	dma.local @!p0 [hbm:s0], s1  }
0x63: {  	s0 =	simm.s32 @!p0 $0x1  }
0x64: {  	_ =	swait.ge @!p0 [sflag:s0], s1  }
0x65: {  	s1 =	ssub.s32 @!p0 $0x0, s1;
	[sflag:s0] =	ssyncset.done @!p0 $0x0  }
0x66: {  	[sflag:s0] =	ssyncadd.s32 @!p0 s1  }
0x67: {  	[bflag:$0x3] =	sbarrier.arrive $0xFFFF  }
0x68: {  	_ =	shalt  }

</sc_bundles>
